<compile_context>
chip_gen: v7x
topology: tpu7x:2x2x1
jax: 0.10.2.dev20260603
libtpu: 0.0.44.dev20260713+nightly
codegen_flags: <defaults>
</compile_context>

<pallas_src>
import functools

import jax
import jax.numpy as jnp
from jax import lax
from jax.experimental import pallas as pl
from jax.experimental.pallas import tpu as pltpu
from jax.experimental.pallas import tpu_sc as plsc

S = 2048
B = 16
DP = 16
NPATCH = 128
DM = 768
DH = 1536
NH = 12
NL = 2
E = 8
TK = 2
D_HEAD = DM // NH
T = NPATCH * B
A_RAW = T * TK
TILE = 128
A_PAD = A_RAW + E * TILE
IMP_F = 0.01
LOAD_F = 0.01
EPS = 1e-5



def _mm(a, b, bias=None, res=None, act=None, ln=None, row_affine=None, bm=256):
    m, k = a.shape
    n = b.shape[1]
    grid = (m // bm,)
    in_specs = [
        pl.BlockSpec((bm, k), lambda i: (i, 0)),
        pl.BlockSpec((k, n), lambda i: (0, 0)),
    ]
    args = [a, b]
    if bias is not None:
        in_specs.append(pl.BlockSpec((1, n), lambda i: (0, 0)))
        args.append(bias.reshape(1, n))
    if res is not None:
        in_specs.append(pl.BlockSpec((bm, n), lambda i: (i, 0)))
        args.append(res)
    if row_affine is not None:
        in_specs.append(pl.BlockSpec((bm, 1), lambda i: (i, 0)))
        in_specs.append(pl.BlockSpec((bm, 1), lambda i: (i, 0)))
        args.extend([row_affine[0], row_affine[1]])
    if ln is not None:
        in_specs.append(pl.BlockSpec((1, n), lambda i: (0, 0)))
        in_specs.append(pl.BlockSpec((1, n), lambda i: (0, 0)))
        args.extend([ln[0].reshape(1, n), ln[1].reshape(1, n)])

    def body(*refs):
        it = iter(refs)
        a_ref = next(it)
        b_ref = next(it)
        y = jnp.dot(a_ref[...], b_ref[...], preferred_element_type=jnp.float32)
        if bias is not None:
            y = y + next(it)[...]
        if res is not None:
            y = y + next(it)[...]
        if act == "relu":
            y = jnp.maximum(y, 0.0)
        if row_affine is not None:
            rs = next(it)[...]
            ra = next(it)[...]
            y = y * rs + ra
        if ln is not None:
            g_ref = next(it)[...]
            be_ref = next(it)[...]
            mu = jnp.mean(y, -1, keepdims=True)
            var = jnp.mean((y - mu) * (y - mu), -1, keepdims=True)
            y = (y - mu) / jnp.sqrt(var + 1e-5) * g_ref + be_ref
        o_ref = next(it)
        o_ref[...] = y

    return pl.pallas_call(
        body,
        grid=grid,
        in_specs=in_specs,
        out_specs=pl.BlockSpec((bm, n), lambda i: (i, 0)),
        out_shape=jax.ShapeDtypeStruct((m, n), jnp.float32),
    )(*args)



def _instnorm_kernel(x_ref, xn_ref, mu_ref, sd_ref):
    x = x_ref[...]
    mu = jnp.mean(x, 0, keepdims=True)
    xc = x - mu
    sd = jnp.sqrt(jnp.mean(xc * xc, 0, keepdims=True))
    xn_ref[...] = xc / (sd + EPS)
    mu_ref[...] = mu
    sd_ref[...] = sd


def _instnorm(x2):
    return pl.pallas_call(
        _instnorm_kernel,
        grid=(1,),
        in_specs=[pl.BlockSpec((S, B), lambda i: (0, 0))],
        out_specs=[
            pl.BlockSpec((S, B), lambda i: (0, 0)),
            pl.BlockSpec((1, B), lambda i: (0, 0)),
            pl.BlockSpec((1, B), lambda i: (0, 0)),
        ],
        out_shape=[
            jax.ShapeDtypeStruct((S, B), jnp.float32),
            jax.ShapeDtypeStruct((1, B), jnp.float32),
            jax.ShapeDtypeStruct((1, B), jnp.float32),
        ],
    )(x2)



def _attnblk_kernel(h_ref, wq_ref, bq_ref, wk_ref, bk_ref, wv_ref, bv_ref,
                    wo_ref, bo_ref, g_ref, be_ref, o_ref):
    h = h_ref[...]
    q = jnp.dot(h, wq_ref[...], preferred_element_type=jnp.float32) + bq_ref[...]
    k = jnp.dot(h, wk_ref[...], preferred_element_type=jnp.float32) + bk_ref[...]
    v = jnp.dot(h, wv_ref[...], preferred_element_type=jnp.float32) + bv_ref[...]
    outs = []
    for hh in range(NH):
        sl = slice(hh * D_HEAD, (hh + 1) * D_HEAD)
        s = lax.dot_general(q[:, sl], k[:, sl], (((1,), (1,)), ((), ())),
                            preferred_element_type=jnp.float32) * 0.125
        mx = jnp.max(s, -1, keepdims=True)
        ex = jnp.exp(s - mx)
        pr = ex / jnp.sum(ex, -1, keepdims=True)
        outs.append(jnp.dot(pr, v[:, sl], preferred_element_type=jnp.float32))
    oc = jnp.concatenate(outs, axis=1)
    y = jnp.dot(oc, wo_ref[...], preferred_element_type=jnp.float32) \
        + bo_ref[...] + h
    mu = jnp.mean(y, -1, keepdims=True)
    var = jnp.mean((y - mu) * (y - mu), -1, keepdims=True)
    o_ref[...] = (y - mu) / jnp.sqrt(var + 1e-5) * g_ref[...] + be_ref[...]


def _attn_block(h2, wq, bq, wk, bk, wv, bv, wo, bo, g, be):
    wspec = pl.BlockSpec((DM, DM), lambda i: (0, 0))
    bspec = pl.BlockSpec((1, DM), lambda i: (0, 0))
    return pl.pallas_call(
        _attnblk_kernel,
        grid=(B,),
        in_specs=[
            pl.BlockSpec((NPATCH, DM), lambda i: (i, 0)),
            wspec, bspec, wspec, bspec, wspec, bspec, wspec, bspec,
            bspec, bspec,
        ],
        out_specs=pl.BlockSpec((NPATCH, DM), lambda i: (i, 0)),
        out_shape=jax.ShapeDtypeStruct((T, DM), jnp.float32),
    )(h2, wq, bq.reshape(1, DM), wk, bk.reshape(1, DM), wv, bv.reshape(1, DM),
      wo, bo.reshape(1, DM), g.reshape(1, DM), be.reshape(1, DM))



NT = A_PAD // TILE


def _routepos_kernel(h_ref, wg_ref, w_ref, p_ref, gid_ref, imp_ref, load_ref,
                     oh1_ref, oh2_ref):
    logits = jnp.dot(h_ref[...], wg_ref[...], preferred_element_type=jnp.float32)
    iota = lax.broadcasted_iota(jnp.int32, (T, E), 1)
    m1 = jnp.max(logits, 1, keepdims=True)
    a1 = jnp.min(jnp.where(logits == m1, iota, E), 1, keepdims=True)
    oh1 = (iota == a1).astype(jnp.float32)
    masked = jnp.where(iota == a1, -jnp.inf, logits)
    m2 = jnp.max(masked, 1, keepdims=True)
    a2 = jnp.min(jnp.where(masked == m2, iota, E), 1, keepdims=True)
    oh2 = (iota == a2).astype(jnp.float32)
    x = jnp.exp(m2 - m1)
    d = 1.0 + x
    g1 = 1.0 / d
    g2 = x / d
    w_ref[...] = jnp.concatenate([g1, g2], axis=1)
    oh1_ref[...] = oh1
    oh2_ref[...] = oh2
    imp_ref[...] = jnp.sum(oh1 * g1 + oh2 * g2, 0, keepdims=True)
    count1 = jnp.sum(oh1, 0, keepdims=True)
    counts = count1 + jnp.sum(oh2, 0, keepdims=True)
    load_ref[...] = counts
    pc = jnp.ceil(counts * (1.0 / TILE)) * TILE
    up = (lax.broadcasted_iota(jnp.int32, (E, E), 0) <
          lax.broadcasted_iota(jnp.int32, (E, E), 1)).astype(jnp.float32)
    pstart = jnp.dot(pc, up, preferred_element_type=jnp.float32)
    tril = (lax.broadcasted_iota(jnp.int32, (TILE, TILE), 1) <
            lax.broadcasted_iota(jnp.int32, (TILE, TILE), 0)).astype(jnp.float32)

    def body(i, carry):
        c1, c2 = carry
        b1 = oh1_ref[pl.ds(i * TILE, TILE), :]
        b2 = oh2_ref[pl.ds(i * TILE, TILE), :]
        r1 = jnp.dot(tril, b1, preferred_element_type=jnp.float32) + c1
        r2 = jnp.dot(tril, b2, preferred_element_type=jnp.float32) + c2
        pe = jnp.sum(b1 * (r1 + pstart), 1, keepdims=True)
        po = jnp.sum(b2 * (r2 + pstart), 1, keepdims=True)
        p_ref[0:1, pl.ds(i * TILE, TILE)] = pe.astype(jnp.int32).reshape(1, TILE)
        p_ref[0:1, pl.ds(T + i * TILE, TILE)] = po.astype(jnp.int32).reshape(
            1, TILE)
        return (c1 + jnp.sum(b1, 0, keepdims=True),
                c2 + jnp.sum(b2, 0, keepdims=True))

    lax.fori_loop(0, T // TILE, body,
                  (jnp.zeros((1, E), jnp.float32), count1))

    trow = (lax.broadcasted_iota(jnp.int32, (E, NT), 1) * TILE).astype(
        jnp.float32)
    cmp = trow >= pstart.reshape(E, 1)
    gid_ref[...] = jnp.sum(cmp.astype(jnp.int32), 0, keepdims=True) - 1


def _route_pos(h2, wg):
    return pl.pallas_call(
        _routepos_kernel,
        grid=(1,),
        in_specs=[
            pl.BlockSpec((T, DM), lambda i: (0, 0)),
            pl.BlockSpec((DM, E), lambda i: (0, 0)),
        ],
        out_specs=[
            pl.BlockSpec((T, TK), lambda i: (0, 0)),
            pl.BlockSpec((1, A_RAW), lambda i: (0, 0)),
            pl.BlockSpec((1, NT), lambda i: (0, 0)),
            pl.BlockSpec((1, E), lambda i: (0, 0)),
            pl.BlockSpec((1, E), lambda i: (0, 0)),
        ],
        out_shape=[
            jax.ShapeDtypeStruct((T, TK), jnp.float32),
            jax.ShapeDtypeStruct((1, A_RAW), jnp.int32),
            jax.ShapeDtypeStruct((1, NT), jnp.int32),
            jax.ShapeDtypeStruct((1, E), jnp.float32),
            jax.ShapeDtypeStruct((1, E), jnp.float32),
        ],
        scratch_shapes=[
            pltpu.VMEM((T, E), jnp.float32),
            pltpu.VMEM((T, E), jnp.float32),
        ],
    )(h2, wg)



def _ffn_kernel(gid_ref, x_ref, w1_ref, b1_ref, w2_ref, b2_ref, o_ref):
    y1 = jnp.maximum(
        jnp.dot(x_ref[...], w1_ref[0], preferred_element_type=jnp.float32)
        + b1_ref[0], 0.0)
    o_ref[...] = jnp.dot(y1, w2_ref[0],
                         preferred_element_type=jnp.float32) + b2_ref[0]


def _ffn(tile_gid, xg, we1, be1, we2, be2):
    grid_spec = pltpu.PrefetchScalarGridSpec(
        num_scalar_prefetch=1,
        grid=(A_PAD // TILE,),
        in_specs=[
            pl.BlockSpec((TILE, DM), lambda i, g: (i, 0)),
            pl.BlockSpec((1, DM, DH), lambda i, g: (g[i], 0, 0)),
            pl.BlockSpec((1, 1, DH), lambda i, g: (g[i], 0, 0)),
            pl.BlockSpec((1, DH, DM), lambda i, g: (g[i], 0, 0)),
            pl.BlockSpec((1, 1, DM), lambda i, g: (g[i], 0, 0)),
        ],
        out_specs=pl.BlockSpec((TILE, DM), lambda i, g: (i, 0)),
    )
    return pl.pallas_call(
        _ffn_kernel,
        grid_spec=grid_spec,
        out_shape=jax.ShapeDtypeStruct((A_PAD, DM), jnp.float32),
    )(tile_gid, xg, we1, be1.reshape(E, 1, DH), we2, be2.reshape(E, 1, DM))



def _combine_kernel(yg_ref, w_ref, h_ref, g_ref, b_ref, o_ref):
    w = w_ref[...]
    y = (yg_ref[0] * w[:, 0:1] + yg_ref[1] * w[:, 1:2]
         + h_ref[...])
    mu = jnp.mean(y, -1, keepdims=True)
    var = jnp.mean((y - mu) * (y - mu), -1, keepdims=True)
    o_ref[...] = (y - mu) / jnp.sqrt(var + 1e-5) * g_ref[...] + b_ref[...]


def _combine_ln(yg3, w, h2, g, b, bm=256):
    return pl.pallas_call(
        _combine_kernel,
        grid=(T // bm,),
        in_specs=[
            pl.BlockSpec((TK, bm, DM), lambda i: (0, i, 0)),
            pl.BlockSpec((bm, TK), lambda i: (i, 0)),
            pl.BlockSpec((bm, DM), lambda i: (i, 0)),
            pl.BlockSpec((1, DM), lambda i: (0, 0)),
            pl.BlockSpec((1, DM), lambda i: (0, 0)),
        ],
        out_specs=pl.BlockSpec((bm, DM), lambda i: (i, 0)),
        out_shape=jax.ShapeDtypeStruct((T, DM), jnp.float32),
    )(yg3, w, h2, g.reshape(1, DM), b.reshape(1, DM))



@functools.lru_cache(maxsize=None)
def _make_sc_gather(v_rows, d, n_out):
    info = plsc.get_sparse_core_info()
    nw = info.num_cores * info.num_subcores
    assert n_out % (8 * nw) == 0 and d % info.num_lanes == 0
    bpw = n_out // nw
    mesh = plsc.VectorSubcoreMesh(core_axis_name="c", subcore_axis_name="s")

    @functools.partial(
        pl.kernel,
        mesh=mesh,
        out_type=jax.ShapeDtypeStruct((n_out, d), jnp.float32),
        scratch_types=[
            pltpu.VMEM((bpw,), jnp.int32),
            pltpu.VMEM((bpw, d), jnp.float32),
            pltpu.SemaphoreType.DMA,
        ],
    )
    def k(table_hbm, idx_hbm, out_hbm, idx_v, rows_v, sem):
        wid = lax.axis_index("s") * info.num_cores + lax.axis_index("c")
        base = wid * bpw
        pltpu.sync_copy(idx_hbm.at[pl.ds(base, bpw)], idx_v)
        pltpu.async_copy(table_hbm.at[idx_v], rows_v, sem).wait()
        pltpu.sync_copy(rows_v, out_hbm.at[pl.ds(base, bpw)])

    return k


def _sc_gather_combine(table, idx):
    return _make_sc_gather(A_PAD, DM, A_RAW)(table, idx)


@functools.lru_cache(maxsize=None)
def _make_sc_dispatch():
    info = plsc.get_sparse_core_info()
    nw = info.num_cores * info.num_subcores
    tpw = T // nw
    assert tpw % 8 == 0 and tpw <= 128
    mesh = plsc.VectorSubcoreMesh(core_axis_name="c", subcore_axis_name="s")

    @functools.partial(
        pl.kernel,
        mesh=mesh,
        out_type=jax.ShapeDtypeStruct((A_PAD, DM), jnp.float32),
        scratch_types=[
            pltpu.VMEM((tpw,), jnp.int32),
            pltpu.VMEM((tpw,), jnp.int32),
            pltpu.VMEM((tpw, DM), jnp.float32),
            pltpu.SemaphoreType.DMA,
            pltpu.SemaphoreType.DMA,
        ],
    )
    def k(table_hbm, p_hbm, out_hbm, pe_v, po_v, rows_v, s1, s2):
        wid = lax.axis_index("s") * info.num_cores + lax.axis_index("c")
        base = wid * tpw
        pltpu.sync_copy(p_hbm.at[pl.ds(base, tpw)], pe_v)
        pltpu.sync_copy(p_hbm.at[pl.ds(T + base, tpw)], po_v)
        pltpu.sync_copy(table_hbm.at[pl.ds(base, tpw)], rows_v)
        cp1 = pltpu.async_copy(rows_v, out_hbm.at[pe_v], s1)
        cp2 = pltpu.async_copy(rows_v, out_hbm.at[po_v], s2)
        cp1.wait()
        cp2.wait()

    return k


def _sc_dispatch(table, pflat):
    return _make_sc_dispatch()(table, pflat)



def _cv_sq(v):
    return jnp.var(v) / (jnp.mean(v) ** 2 + 1e-10)


def _pos_enc():
    pos = jnp.arange(NPATCH, dtype=jnp.float32)[:, None]
    even = jnp.arange(0, DM, 2, dtype=jnp.float32)
    odd = jnp.arange(1, DM, 2, dtype=jnp.float32)
    enc = jnp.zeros((NPATCH, DM), jnp.float32)
    enc = enc.at[:, 0::2].set(jnp.sin(pos / jnp.power(10000.0, even / DM)))
    enc = enc.at[:, 1::2].set(jnp.cos(pos / jnp.power(10000.0, odd / DM)))
    return enc



def kernel(x, W_emb, b_emb, Wq, bq, Wk, bk, Wv, bv, Wo, bo, ln1_g, ln1_b,
           ln2_g, ln2_b, W_gate, We1, be1, We2, be2, W_fc, b_fc, W_out, b_out):
    x2 = x.reshape(S, B)
    xn, mu, sd = _instnorm(x2)
    patches = xn.reshape(NPATCH, DP, B).transpose(2, 0, 1).reshape(T, DP)
    pe_full = jnp.tile(_pos_enc(), (B, 1))
    h2 = _mm(patches, W_emb, bias=b_emb, res=pe_full)

    aux = jnp.asarray(0.0, jnp.float32)
    for l in range(NL):
        h2 = _attn_block(h2, Wq[l], bq[l], Wk[l], bk[l], Wv[l], bv[l],
                         Wo[l], bo[l], ln1_g[l], ln1_b[l])

        w, p2, gid2, imp, loads = _route_pos(h2, W_gate[l])
        aux = aux + IMP_F * _cv_sq(imp[0]) + LOAD_F * _cv_sq(loads[0])

        pflat = p2.reshape(A_RAW)
        xg = _sc_dispatch(h2, pflat)
        y2 = _ffn(gid2.reshape(NT), xg, We1[l], be1[l], We2[l], be2[l])
        yg = _sc_gather_combine(y2, pflat)
        h2 = _combine_ln(yg.reshape(TK, T, DM), w, h2, ln2_g[l], ln2_b[l])

    dxp = _mm(h2, W_fc, bias=b_fc, act="relu")
    dxb = dxp.reshape(B, NPATCH * DP)
    rs = (sd + EPS).reshape(B, 1)
    ra = mu.reshape(B, 1)
    y = _mm(dxb, W_out, bias=b_out, row_affine=(rs, ra), bm=B)
    out = y.transpose(1, 0).reshape(S, B, 1)
    return out, aux

# --- scband reference (transcript-rebuilt; emitter-appended) ---
"""Pipeline reference for scband-mo-etransformer-15298673508998 (READ-ONLY COPY).

The authoritative reference and input builder live on the scoring server;
editing this copy changes nothing except your own understanding.
"""

import jax, jax.numpy as jnp
import numpy as np

S = 2048
B = 16
D_IN = 1
DP = 16
NPATCH = (S * D_IN) // DP
DM = 768
DH = 1536
NH = 12
NL = 2
E = 8
TK = 2
D_OUT = 1
IMP_F = 0.01
LOAD_F = 0.01
EPS = 1e-5


def _pe(length, d):
    pos = jnp.arange(length, dtype=jnp.float32)[:, None, None]
    even = jnp.arange(0, d, 2, dtype=jnp.float32)
    odd = jnp.arange(1, d, 2, dtype=jnp.float32)
    enc = jnp.zeros((length, 1, d), dtype=jnp.float32)
    enc = enc.at[:, :, 0::2].set(jnp.sin(pos / jnp.power(10000.0, even / d)))
    enc = enc.at[:, :, 1::2].set(jnp.cos(pos / jnp.power(10000.0, odd / d)))
    return enc


def _ln(x, g, b):
    m = jnp.mean(x, -1, keepdims=True)
    v = jnp.var(x, -1, keepdims=True)
    return (x - m) / jnp.sqrt(v + 1e-5) * g + b


def _cv_sq(v):
    return jnp.var(v) / (jnp.mean(v) ** 2 + 1e-10)


def setup_inputs(seed: int = 0):
    key = jax.random.key(seed)
    ks = jax.random.split(key, 16)
    def nrm(k, shp, s=0.02):
        return (jax.random.normal(k, shp) * s).astype(jnp.float32)
    inp = {}
    inp["x"] = jax.random.normal(ks[0], (S, B, D_IN), dtype=jnp.float32)
    inp["W_emb"] = nrm(ks[1], (DP, DM))
    inp["b_emb"] = jnp.zeros((DM,), jnp.float32)
    inp["Wq"] = nrm(ks[2], (NL, DM, DM)); inp["bq"] = jnp.zeros((NL, DM), jnp.float32)
    inp["Wk"] = nrm(ks[3], (NL, DM, DM)); inp["bk"] = jnp.zeros((NL, DM), jnp.float32)
    inp["Wv"] = nrm(ks[4], (NL, DM, DM)); inp["bv"] = jnp.zeros((NL, DM), jnp.float32)
    inp["Wo"] = nrm(ks[5], (NL, DM, DM)); inp["bo"] = jnp.zeros((NL, DM), jnp.float32)
    inp["ln1_g"] = jnp.ones((NL, DM), jnp.float32); inp["ln1_b"] = jnp.zeros((NL, DM), jnp.float32)
    inp["ln2_g"] = jnp.ones((NL, DM), jnp.float32); inp["ln2_b"] = jnp.zeros((NL, DM), jnp.float32)
    inp["W_gate"] = nrm(ks[6], (NL, DM, E), 0.1)
    inp["We1"] = nrm(ks[7], (NL, E, DM, DH)); inp["be1"] = jnp.zeros((NL, E, DH), jnp.float32)
    inp["We2"] = nrm(ks[8], (NL, E, DH, DM)); inp["be2"] = jnp.zeros((NL, E, DM), jnp.float32)
    inp["W_fc"] = nrm(ks[9], (DM, DP)); inp["b_fc"] = jnp.zeros((DP,), jnp.float32)
    inp["W_out"] = nrm(ks[10], (NPATCH * DP, S * D_OUT)); inp["b_out"] = jnp.zeros((S * D_OUT,), jnp.float32)
    return inp


PARAM_ORDER = ["x", "W_emb", "b_emb", "Wq", "bq", "Wk", "bk", "Wv", "bv", "Wo", "bo", "ln1_g", "ln1_b", "ln2_g", "ln2_b", "W_gate", "We1", "be1", "We2", "be2", "W_fc", "b_fc", "W_out", "b_out"]


def _forward(x, W_emb, b_emb, Wq, bq, Wk, bk, Wv, bv, Wo, bo, ln1_g, ln1_b, ln2_g, ln2_b, W_gate, We1, be1, We2, be2, W_fc, b_fc, W_out, b_out):
    # DataPatching: custom instance norm over time dim then patchify
    x_mean = jnp.mean(x, 0, keepdims=True)
    x_std = jnp.std(x, 0, keepdims=True)  # unbiased=False
    xn = (x - x_mean) / (x_std + EPS)
    d = jnp.swapaxes(xn, 0, 2)  # (D_IN, B, S)
    patches = jnp.concatenate([d[:, :, i * DP:(i + 1) * DP] for i in range(S // DP)], axis=0)  # (NPATCH, B, DP)
    # EmbeddingPE (dropout off in eval)
    h = patches @ W_emb + b_emb + _pe(NPATCH, DM)
    aux = jnp.asarray(0.0, jnp.float32)
    dh = DM // NH
    for l in range(NL):
        # Multi-head self attention over patch dim
        q = (h @ Wq[l] + bq[l]).reshape(NPATCH, B, NH, dh)
        k = (h @ Wk[l] + bk[l]).reshape(NPATCH, B, NH, dh)
        v = (h @ Wv[l] + bv[l]).reshape(NPATCH, B, NH, dh)
        scores = jnp.einsum('pbhd,qbhd->bhpq', q, k) / jnp.sqrt(float(dh))
        attn = jax.nn.softmax(scores, -1)
        o = jnp.einsum('bhpq,qbhd->pbhd', attn, v).reshape(NPATCH, B, DM)
        o = o @ Wo[l] + bo[l]
        h = _ln(o + h, ln1_g[l], ln1_b[l])
        # MixtureOfExpert, eval mode (clean values, no noise)
        logits = h @ W_gate[l]  # (P, B, E)
        tv, ti = jax.lax.top_k(logits, min(TK + 1, E))
        gk = jax.nn.softmax(tv[..., :TK], -1)
        gates = jnp.sum(jax.nn.one_hot(ti[..., :TK], E, dtype=h.dtype) * gk[..., None], axis=-2)  # scatter of softmaxed top-k
        importance = gates.sum((0, 1))
        loads = (gates > 0).astype(jnp.float32).sum((0, 1))
        aux = aux + IMP_F * _cv_sq(importance) + LOAD_F * _cv_sq(loads)
        # dispatch/expert/combine == gate-weighted expert sum (zero gates contribute nothing)
        moe_out = jnp.zeros_like(h)
        for e in range(E):
            he = jax.nn.relu(h @ We1[l, e] + be1[l, e])
            moe_out = moe_out + gates[..., e:e + 1] * (he @ We2[l, e] + be2[l, e])
        h = _ln(moe_out + h, ln2_g[l], ln2_b[l])
    # DecoderOutput (dropout off)
    dx = jnp.swapaxes(h, 0, 1)  # (B, P, DM)
    dx = jax.nn.relu(dx @ W_fc + b_fc).reshape(B, NPATCH * DP)
    dx = dx @ W_out + b_out  # (B, S*D_OUT)
    dx = jnp.swapaxes(dx[:, :, None], 0, 1)  # (S*D_OUT, B, 1)
    out = dx * (x_std + EPS) + x_mean  # inverse instance norm
    return out, aux


def reference(x, W_emb, b_emb, Wq, bq, Wk, bk, Wv, bv, Wo, bo, ln1_g, ln1_b, ln2_g, ln2_b, W_gate, We1, be1, We2, be2, W_fc, b_fc, W_out, b_out):
    return _forward(x, W_emb, b_emb, Wq, bq, Wk, bk, Wv, bv, Wo, bo, ln1_g, ln1_b, ln2_g, ln2_b, W_gate, We1, be1, We2, be2, W_fc, b_fc, W_out, b_out)

if __name__ == "__main__":
    import jax
    _d = setup_inputs()
    print(jax.jit(kernel)(*tuple(_d.values())))

</pallas_src>

<mosaic_0001>
#map = affine_map<(d0, d1) -> (0, 0)>
#map1 = affine_map<(d0, d1) -> (0)>
module attributes {stable_mosaic.version = 14 : i64} {
  func.func @k(%arg0: i32, %arg1: i32, %arg2: memref<2048x768xf32, #tpu.memory_space<hbm>>, %arg3: memref<4096xi32, #tpu.memory_space<hbm>>, %arg4: memref<5120x768xf32, #tpu.memory_space<hbm>>, %arg5: memref<64xi32, #tpu.memory_space<vmem>>, %arg6: memref<64xi32, #tpu.memory_space<vmem>>, %arg7: memref<64x768xf32, #tpu.memory_space<vmem>>, %arg8: memref<!tpu.dma_semaphore, #tpu.memory_space<semaphore_mem>>, %arg9: memref<!tpu.dma_semaphore, #tpu.memory_space<semaphore_mem>>) attributes {dimension_semantics = [#tpu.dimension_semantics<core_parallel>, #tpu.dimension_semantics<subcore_parallel>], iteration_bounds = array<i64: 2, 16>, scalar_prefetch = 0 : i64, scratch_operands = 5 : i64, tpu.core_type = #tpu.core_type<sc_vector_subcore>, window_params = [{transform_indices = #map}, {transform_indices = #map1}, {transform_indices = #map}]} {
    %mul3A = arith.constant 2 : i32
    %mul3A_0 = arith.muli %arg1, %mul3A : i32
    %add3A = arith.addi %mul3A_0, %arg0 : i32
    %mul3A_1 = arith.constant 64 : i32
    %mul3A_2 = arith.muli %add3A, %mul3A_1 : i32
    "tpu.region"() ({
      %run_scoped3A = tpu.sem_alloc : memref<!tpu.dma_semaphore, #tpu.memory_space<semaphore_mem>>
      %dma_start3A_15 = tpu.memref_slice %arg3[%mul3A_2] : memref<4096xi32, #tpu.memory_space<hbm>> -> memref<64xi32, #tpu.memory_space<hbm>>
      %dma_start3A_16 = tpu.memref_slice %arg3[%mul3A_2] : memref<4096xi32, #tpu.memory_space<hbm>> -> memref<64xi32, #tpu.memory_space<hbm>>
      tpu.enqueue_dma source(%dma_start3A_16 : memref<64xi32, #tpu.memory_space<hbm>>) target(%arg5 : memref<64xi32, #tpu.memory_space<vmem>>) target_semaphore(%run_scoped3A : memref<!tpu.dma_semaphore, #tpu.memory_space<semaphore_mem>>)
      %dma_wait3A_17 = tpu.memref_slice %arg3[%mul3A_2] : memref<4096xi32, #tpu.memory_space<hbm>> -> memref<64xi32, #tpu.memory_space<hbm>>
      %dma_wait3A_18 = tpu.memref_slice %arg3[%mul3A_2] : memref<4096xi32, #tpu.memory_space<hbm>> -> memref<64xi32, #tpu.memory_space<hbm>>
      tpu.wait_dma2 semaphore(%run_scoped3A : memref<!tpu.dma_semaphore, #tpu.memory_space<semaphore_mem>>) src(%dma_wait3A_18 : memref<64xi32, #tpu.memory_space<hbm>>) dst(%arg5 : memref<64xi32, #tpu.memory_space<vmem>>)
      tpu.yield
    }) : () -> ()
    %add3A_3 = arith.constant 2048 : i32
    %add3A_4 = arith.addi %add3A_3, %mul3A_2 : i32
    "tpu.region"() ({
      %run_scoped3A = tpu.sem_alloc : memref<!tpu.dma_semaphore, #tpu.memory_space<semaphore_mem>>
      %dma_start3A_15 = tpu.memref_slice %arg3[%add3A_4] : memref<4096xi32, #tpu.memory_space<hbm>> -> memref<64xi32, #tpu.memory_space<hbm>>
      %dma_start3A_16 = tpu.memref_slice %arg3[%add3A_4] : memref<4096xi32, #tpu.memory_space<hbm>> -> memref<64xi32, #tpu.memory_space<hbm>>
      tpu.enqueue_dma source(%dma_start3A_16 : memref<64xi32, #tpu.memory_space<hbm>>) target(%arg6 : memref<64xi32, #tpu.memory_space<vmem>>) target_semaphore(%run_scoped3A : memref<!tpu.dma_semaphore, #tpu.memory_space<semaphore_mem>>)
      %dma_wait3A_17 = tpu.memref_slice %arg3[%add3A_4] : memref<4096xi32, #tpu.memory_space<hbm>> -> memref<64xi32, #tpu.memory_space<hbm>>
      %dma_wait3A_18 = tpu.memref_slice %arg3[%add3A_4] : memref<4096xi32, #tpu.memory_space<hbm>> -> memref<64xi32, #tpu.memory_space<hbm>>
      tpu.wait_dma2 semaphore(%run_scoped3A : memref<!tpu.dma_semaphore, #tpu.memory_space<semaphore_mem>>) src(%dma_wait3A_18 : memref<64xi32, #tpu.memory_space<hbm>>) dst(%arg6 : memref<64xi32, #tpu.memory_space<vmem>>)
      tpu.yield
    }) : () -> ()
    "tpu.region"() ({
      %run_scoped3A = tpu.sem_alloc : memref<!tpu.dma_semaphore, #tpu.memory_space<semaphore_mem>>
      %dma_start3A_15 = arith.constant 0 : i32
      %dma_start3A_16 = tpu.memref_slice %arg2[%mul3A_2, %dma_start3A_15] : memref<2048x768xf32, #tpu.memory_space<hbm>> -> memref<64x768xf32, #tpu.memory_space<hbm>>
      %dma_start3A_17 = arith.constant 0 : i32
      %dma_start3A_18 = tpu.memref_slice %arg2[%mul3A_2, %dma_start3A_17] : memref<2048x768xf32, #tpu.memory_space<hbm>> -> memref<64x768xf32, #tpu.memory_space<hbm>>
      tpu.enqueue_dma source(%dma_start3A_18 : memref<64x768xf32, #tpu.memory_space<hbm>>) target(%arg7 : memref<64x768xf32, #tpu.memory_space<vmem>>) target_semaphore(%run_scoped3A : memref<!tpu.dma_semaphore, #tpu.memory_space<semaphore_mem>>)
      %dma_wait3A_19 = arith.constant 0 : i32
      %dma_wait3A_20 = tpu.memref_slice %arg2[%mul3A_2, %dma_wait3A_19] : memref<2048x768xf32, #tpu.memory_space<hbm>> -> memref<64x768xf32, #tpu.memory_space<hbm>>
      %dma_wait3A_21 = arith.constant 0 : i32
      %dma_wait3A_22 = tpu.memref_slice %arg2[%mul3A_2, %dma_wait3A_21] : memref<2048x768xf32, #tpu.memory_space<hbm>> -> memref<64x768xf32, #tpu.memory_space<hbm>>
      tpu.wait_dma2 semaphore(%run_scoped3A : memref<!tpu.dma_semaphore, #tpu.memory_space<semaphore_mem>>) src(%dma_wait3A_22 : memref<64x768xf32, #tpu.memory_space<hbm>>) dst(%arg7 : memref<64x768xf32, #tpu.memory_space<vmem>>)
      tpu.yield
    }) : () -> ()
    %dma_start3A = arith.constant 0 : i32
    %dma_start3A_5 = arith.constant 0 : i32
    %dma_start3A_6 = tpu.memref_slice %arg4[%dma_start3A, %dma_start3A_5] : memref<5120x768xf32, #tpu.memory_space<hbm>> -> memref<5120x768xf32, #tpu.memory_space<hbm>>
    tpu.enqueue_indirect_dma source(%arg7 : memref<64x768xf32, #tpu.memory_space<vmem>>) target(%dma_start3A_6 : memref<5120x768xf32, #tpu.memory_space<hbm>>) offsets(%arg5 : memref<64xi32, #tpu.memory_space<vmem>>) semaphore(%arg8 : memref<!tpu.dma_semaphore, #tpu.memory_space<semaphore_mem>>)
    %dma_start3A_7 = arith.constant 0 : i32
    %dma_start3A_8 = arith.constant 0 : i32
    %dma_start3A_9 = tpu.memref_slice %arg4[%dma_start3A_7, %dma_start3A_8] : memref<5120x768xf32, #tpu.memory_space<hbm>> -> memref<5120x768xf32, #tpu.memory_space<hbm>>
    tpu.enqueue_indirect_dma source(%arg7 : memref<64x768xf32, #tpu.memory_space<vmem>>) target(%dma_start3A_9 : memref<5120x768xf32, #tpu.memory_space<hbm>>) offsets(%arg6 : memref<64xi32, #tpu.memory_space<vmem>>) semaphore(%arg9 : memref<!tpu.dma_semaphore, #tpu.memory_space<semaphore_mem>>)
    %dma_wait3A = arith.constant 0 : i32
    %dma_wait3A_10 = arith.constant 0 : i32
    %dma_wait3A_11 = tpu.memref_slice %arg4[%dma_wait3A, %dma_wait3A_10] : memref<5120x768xf32, #tpu.memory_space<hbm>> -> memref<5120x768xf32, #tpu.memory_space<hbm>>
    tpu.wait_indirect_dma semaphore(%arg8 : memref<!tpu.dma_semaphore, #tpu.memory_space<semaphore_mem>>) src(%arg7 : memref<64x768xf32, #tpu.memory_space<vmem>>) dst(%dma_wait3A_11 : memref<5120x768xf32, #tpu.memory_space<hbm>>)
    %dma_wait3A_12 = arith.constant 0 : i32
    %dma_wait3A_13 = arith.constant 0 : i32
    %dma_wait3A_14 = tpu.memref_slice %arg4[%dma_wait3A_12, %dma_wait3A_13] : memref<5120x768xf32, #tpu.memory_space<hbm>> -> memref<5120x768xf32, #tpu.memory_space<hbm>>
    tpu.wait_indirect_dma semaphore(%arg9 : memref<!tpu.dma_semaphore, #tpu.memory_space<semaphore_mem>>) src(%arg7 : memref<64x768xf32, #tpu.memory_space<vmem>>) dst(%dma_wait3A_14 : memref<5120x768xf32, #tpu.memory_space<hbm>>)
    return
  }
}

#map = affine_map<(d0, d1) -> (0, 0)>
#map1 = affine_map<(d0, d1) -> (0)>
module attributes {stable_mosaic.version = 14 : i64} {
  func.func @k(%arg0: i32, %arg1: i32, %arg2: memref<2048x768xf32, #tpu.memory_space<hbm>>, %arg3: memref<4096xi32, #tpu.memory_space<hbm>>, %arg4: memref<5120x768xf32, #tpu.memory_space<hbm>>, %arg5: memref<64xi32, #tpu.memory_space<vmem>>, %arg6: memref<64xi32, #tpu.memory_space<vmem>>, %arg7: memref<64x768xf32, #tpu.memory_space<vmem>>, %arg8: memref<!tpu.dma_semaphore, #tpu.memory_space<semaphore_mem>>, %arg9: memref<!tpu.dma_semaphore, #tpu.memory_space<semaphore_mem>>) attributes {dimension_semantics = [#tpu.dimension_semantics<core_parallel>, #tpu.dimension_semantics<subcore_parallel>], iteration_bounds = array<i64: 2, 16>, scalar_prefetch = 0 : i64, scratch_operands = 5 : i64, tpu.core_type = #tpu.core_type<sc_vector_subcore>, window_params = [{transform_indices = #map}, {transform_indices = #map1}, {transform_indices = #map}]} {
    %mul3A = arith.constant 2 : i32
    %mul3A_0 = arith.muli %arg1, %mul3A : i32
    %add3A = arith.addi %mul3A_0, %arg0 : i32
    %mul3A_1 = arith.constant 64 : i32
    %mul3A_2 = arith.muli %add3A, %mul3A_1 : i32
    "tpu.region"() ({
      %run_scoped3A = tpu.sem_alloc : memref<!tpu.dma_semaphore, #tpu.memory_space<semaphore_mem>>
      %dma_start3A_15 = tpu.memref_slice %arg3[%mul3A_2] : memref<4096xi32, #tpu.memory_space<hbm>> -> memref<64xi32, #tpu.memory_space<hbm>>
      %dma_start3A_16 = tpu.memref_slice %arg3[%mul3A_2] : memref<4096xi32, #tpu.memory_space<hbm>> -> memref<64xi32, #tpu.memory_space<hbm>>
      tpu.enqueue_dma source(%dma_start3A_16 : memref<64xi32, #tpu.memory_space<hbm>>) target(%arg5 : memref<64xi32, #tpu.memory_space<vmem>>) target_semaphore(%run_scoped3A : memref<!tpu.dma_semaphore, #tpu.memory_space<semaphore_mem>>)
      %dma_wait3A_17 = tpu.memref_slice %arg3[%mul3A_2] : memref<4096xi32, #tpu.memory_space<hbm>> -> memref<64xi32, #tpu.memory_space<hbm>>
      %dma_wait3A_18 = tpu.memref_slice %arg3[%mul3A_2] : memref<4096xi32, #tpu.memory_space<hbm>> -> memref<64xi32, #tpu.memory_space<hbm>>
      tpu.wait_dma2 semaphore(%run_scoped3A : memref<!tpu.dma_semaphore, #tpu.memory_space<semaphore_mem>>) src(%dma_wait3A_18 : memref<64xi32, #tpu.memory_space<hbm>>) dst(%arg5 : memref<64xi32, #tpu.memory_space<vmem>>)
      tpu.yield
    }) : () -> ()
    %add3A_3 = arith.constant 2048 : i32
    %add3A_4 = arith.addi %add3A_3, %mul3A_2 : i32
    "tpu.region"() ({
      %run_scoped3A = tpu.sem_alloc : memref<!tpu.dma_semaphore, #tpu.memory_space<semaphore_mem>>
      %dma_start3A_15 = tpu.memref_slice %arg3[%add3A_4] : memref<4096xi32, #tpu.memory_space<hbm>> -> memref<64xi32, #tpu.memory_space<hbm>>
      %dma_start3A_16 = tpu.memref_slice %arg3[%add3A_4] : memref<4096xi32, #tpu.memory_space<hbm>> -> memref<64xi32, #tpu.memory_space<hbm>>
      tpu.enqueue_dma source(%dma_start3A_16 : memref<64xi32, #tpu.memory_space<hbm>>) target(%arg6 : memref<64xi32, #tpu.memory_space<vmem>>) target_semaphore(%run_scoped3A : memref<!tpu.dma_semaphore, #tpu.memory_space<semaphore_mem>>)
      %dma_wait3A_17 = tpu.memref_slice %arg3[%add3A_4] : memref<4096xi32, #tpu.memory_space<hbm>> -> memref<64xi32, #tpu.memory_space<hbm>>
      %dma_wait3A_18 = tpu.memref_slice %arg3[%add3A_4] : memref<4096xi32, #tpu.memory_space<hbm>> -> memref<64xi32, #tpu.memory_space<hbm>>
      tpu.wait_dma2 semaphore(%run_scoped3A : memref<!tpu.dma_semaphore, #tpu.memory_space<semaphore_mem>>) src(%dma_wait3A_18 : memref<64xi32, #tpu.memory_space<hbm>>) dst(%arg6 : memref<64xi32, #tpu.memory_space<vmem>>)
      tpu.yield
    }) : () -> ()
    "tpu.region"() ({
      %run_scoped3A = tpu.sem_alloc : memref<!tpu.dma_semaphore, #tpu.memory_space<semaphore_mem>>
      %dma_start3A_15 = arith.constant 0 : i32
      %dma_start3A_16 = tpu.memref_slice %arg2[%mul3A_2, %dma_start3A_15] : memref<2048x768xf32, #tpu.memory_space<hbm>> -> memref<64x768xf32, #tpu.memory_space<hbm>>
      %dma_start3A_17 = arith.constant 0 : i32
      %dma_start3A_18 = tpu.memref_slice %arg2[%mul3A_2, %dma_start3A_17] : memref<2048x768xf32, #tpu.memory_space<hbm>> -> memref<64x768xf32, #tpu.memory_space<hbm>>
      tpu.enqueue_dma source(%dma_start3A_18 : memref<64x768xf32, #tpu.memory_space<hbm>>) target(%arg7 : memref<64x768xf32, #tpu.memory_space<vmem>>) target_semaphore(%run_scoped3A : memref<!tpu.dma_semaphore, #tpu.memory_space<semaphore_mem>>)
      %dma_wait3A_19 = arith.constant 0 : i32
      %dma_wait3A_20 = tpu.memref_slice %arg2[%mul3A_2, %dma_wait3A_19] : memref<2048x768xf32, #tpu.memory_space<hbm>> -> memref<64x768xf32, #tpu.memory_space<hbm>>
      %dma_wait3A_21 = arith.constant 0 : i32
      %dma_wait3A_22 = tpu.memref_slice %arg2[%mul3A_2, %dma_wait3A_21] : memref<2048x768xf32, #tpu.memory_space<hbm>> -> memref<64x768xf32, #tpu.memory_space<hbm>>
      tpu.wait_dma2 semaphore(%run_scoped3A : memref<!tpu.dma_semaphore, #tpu.memory_space<semaphore_mem>>) src(%dma_wait3A_22 : memref<64x768xf32, #tpu.memory_space<hbm>>) dst(%arg7 : memref<64x768xf32, #tpu.memory_space<vmem>>)
      tpu.yield
    }) : () -> ()
    %dma_start3A = arith.constant 0 : i32
    %dma_start3A_5 = arith.constant 0 : i32
    %dma_start3A_6 = tpu.memref_slice %arg4[%dma_start3A, %dma_start3A_5] : memref<5120x768xf32, #tpu.memory_space<hbm>> -> memref<5120x768xf32, #tpu.memory_space<hbm>>
    tpu.enqueue_indirect_dma source(%arg7 : memref<64x768xf32, #tpu.memory_space<vmem>>) target(%dma_start3A_6 : memref<5120x768xf32, #tpu.memory_space<hbm>>) offsets(%arg5 : memref<64xi32, #tpu.memory_space<vmem>>) semaphore(%arg8 : memref<!tpu.dma_semaphore, #tpu.memory_space<semaphore_mem>>)
    %dma_start3A_7 = arith.constant 0 : i32
    %dma_start3A_8 = arith.constant 0 : i32
    %dma_start3A_9 = tpu.memref_slice %arg4[%dma_start3A_7, %dma_start3A_8] : memref<5120x768xf32, #tpu.memory_space<hbm>> -> memref<5120x768xf32, #tpu.memory_space<hbm>>
    tpu.enqueue_indirect_dma source(%arg7 : memref<64x768xf32, #tpu.memory_space<vmem>>) target(%dma_start3A_9 : memref<5120x768xf32, #tpu.memory_space<hbm>>) offsets(%arg6 : memref<64xi32, #tpu.memory_space<vmem>>) semaphore(%arg9 : memref<!tpu.dma_semaphore, #tpu.memory_space<semaphore_mem>>)
    %dma_wait3A = arith.constant 0 : i32
    %dma_wait3A_10 = arith.constant 0 : i32
    %dma_wait3A_11 = tpu.memref_slice %arg4[%dma_wait3A, %dma_wait3A_10] : memref<5120x768xf32, #tpu.memory_space<hbm>> -> memref<5120x768xf32, #tpu.memory_space<hbm>>
    tpu.wait_indirect_dma semaphore(%arg8 : memref<!tpu.dma_semaphore, #tpu.memory_space<semaphore_mem>>) src(%arg7 : memref<64x768xf32, #tpu.memory_space<vmem>>) dst(%dma_wait3A_11 : memref<5120x768xf32, #tpu.memory_space<hbm>>)
    %dma_wait3A_12 = arith.constant 0 : i32
    %dma_wait3A_13 = arith.constant 0 : i32
    %dma_wait3A_14 = tpu.memref_slice %arg4[%dma_wait3A_12, %dma_wait3A_13] : memref<5120x768xf32, #tpu.memory_space<hbm>> -> memref<5120x768xf32, #tpu.memory_space<hbm>>
    tpu.wait_indirect_dma semaphore(%arg9 : memref<!tpu.dma_semaphore, #tpu.memory_space<semaphore_mem>>) src(%arg7 : memref<64x768xf32, #tpu.memory_space<vmem>>) dst(%dma_wait3A_14 : memref<5120x768xf32, #tpu.memory_space<hbm>>)
    return
  }
}

#map = affine_map<(d0, d1) -> (0, 0)>
#map1 = affine_map<(d0, d1) -> (0)>
module attributes {stable_mosaic.version = 14 : i64} {
  func.func @k(%arg0: i32, %arg1: i32, %arg2: memref<5120x768xf32, #tpu.memory_space<hbm>>, %arg3: memref<4096xi32, #tpu.memory_space<hbm>>, %arg4: memref<4096x768xf32, #tpu.memory_space<hbm>>, %arg5: memref<128xi32, #tpu.memory_space<vmem>>, %arg6: memref<128x768xf32, #tpu.memory_space<vmem>>, %arg7: memref<!tpu.dma_semaphore, #tpu.memory_space<semaphore_mem>>) attributes {dimension_semantics = [#tpu.dimension_semantics<core_parallel>, #tpu.dimension_semantics<subcore_parallel>], iteration_bounds = array<i64: 2, 16>, scalar_prefetch = 0 : i64, scratch_operands = 3 : i64, tpu.core_type = #tpu.core_type<sc_vector_subcore>, window_params = [{transform_indices = #map}, {transform_indices = #map1}, {transform_indices = #map}]} {
    %mul3A = arith.constant 2 : i32
    %mul3A_0 = arith.muli %arg1, %mul3A : i32
    %add3A = arith.addi %mul3A_0, %arg0 : i32
    %mul3A_1 = arith.constant 128 : i32
    %mul3A_2 = arith.muli %add3A, %mul3A_1 : i32
    "tpu.region"() ({
      %run_scoped3A = tpu.sem_alloc : memref<!tpu.dma_semaphore, #tpu.memory_space<semaphore_mem>>
      %dma_start3A_7 = tpu.memref_slice %arg3[%mul3A_2] : memref<4096xi32, #tpu.memory_space<hbm>> -> memref<128xi32, #tpu.memory_space<hbm>>
      %dma_start3A_8 = tpu.memref_slice %arg3[%mul3A_2] : memref<4096xi32, #tpu.memory_space<hbm>> -> memref<128xi32, #tpu.memory_space<hbm>>
      tpu.enqueue_dma source(%dma_start3A_8 : memref<128xi32, #tpu.memory_space<hbm>>) target(%arg5 : memref<128xi32, #tpu.memory_space<vmem>>) target_semaphore(%run_scoped3A : memref<!tpu.dma_semaphore, #tpu.memory_space<semaphore_mem>>)
      %dma_wait3A_9 = tpu.memref_slice %arg3[%mul3A_2] : memref<4096xi32, #tpu.memory_space<hbm>> -> memref<128xi32, #tpu.memory_space<hbm>>
      %dma_wait3A_10 = tpu.memref_slice %arg3[%mul3A_2] : memref<4096xi32, #tpu.memory_space<hbm>> -> memref<128xi32, #tpu.memory_space<hbm>>
      tpu.wait_dma2 semaphore(%run_scoped3A : memref<!tpu.dma_semaphore, #tpu.memory_space<semaphore_mem>>) src(%dma_wait3A_10 : memref<128xi32, #tpu.memory_space<hbm>>) dst(%arg5 : memref<128xi32, #tpu.memory_space<vmem>>)
      tpu.yield
    }) : () -> ()
    %dma_start3A = arith.constant 0 : i32
    %dma_start3A_3 = arith.constant 0 : i32
    %dma_start3A_4 = tpu.memref_slice %arg2[%dma_start3A, %dma_start3A_3] : memref<5120x768xf32, #tpu.memory_space<hbm>> -> memref<5120x768xf32, #tpu.memory_space<hbm>>
    tpu.enqueue_indirect_dma source(%dma_start3A_4 : memref<5120x768xf32, #tpu.memory_space<hbm>>) target(%arg6 : memref<128x768xf32, #tpu.memory_space<vmem>>) offsets(%arg5 : memref<128xi32, #tpu.memory_space<vmem>>) semaphore(%arg7 : memref<!tpu.dma_semaphore, #tpu.memory_space<semaphore_mem>>)
    %dma_wait3A = arith.constant 0 : i32
    %dma_wait3A_5 = arith.constant 0 : i32
    %dma_wait3A_6 = tpu.memref_slice %arg2[%dma_wait3A, %dma_wait3A_5] : memref<5120x768xf32, #tpu.memory_space<hbm>> -> memref<5120x768xf32, #tpu.memory_space<hbm>>
    tpu.wait_indirect_dma semaphore(%arg7 : memref<!tpu.dma_semaphore, #tpu.memory_space<semaphore_mem>>) src(%dma_wait3A_6 : memref<5120x768xf32, #tpu.memory_space<hbm>>) dst(%arg6 : memref<128x768xf32, #tpu.memory_space<vmem>>)
    "tpu.region"() ({
      %run_scoped3A = tpu.sem_alloc : memref<!tpu.dma_semaphore, #tpu.memory_space<semaphore_mem>>
      %dma_start3A_7 = arith.constant 0 : i32
      %dma_start3A_8 = tpu.memref_slice %arg4[%mul3A_2, %dma_start3A_7] : memref<4096x768xf32, #tpu.memory_space<hbm>> -> memref<128x768xf32, #tpu.memory_space<hbm>>
      %dma_start3A_9 = arith.constant 0 : i32
      %dma_start3A_10 = tpu.memref_slice %arg4[%mul3A_2, %dma_start3A_9] : memref<4096x768xf32, #tpu.memory_space<hbm>> -> memref<128x768xf32, #tpu.memory_space<hbm>>
      tpu.enqueue_dma source(%arg6 : memref<128x768xf32, #tpu.memory_space<vmem>>) target(%dma_start3A_10 : memref<128x768xf32, #tpu.memory_space<hbm>>) target_semaphore(%run_scoped3A : memref<!tpu.dma_semaphore, #tpu.memory_space<semaphore_mem>>)
      %dma_wait3A_11 = arith.constant 0 : i32
      %dma_wait3A_12 = tpu.memref_slice %arg4[%mul3A_2, %dma_wait3A_11] : memref<4096x768xf32, #tpu.memory_space<hbm>> -> memref<128x768xf32, #tpu.memory_space<hbm>>
      %dma_wait3A_13 = arith.constant 0 : i32
      %dma_wait3A_14 = tpu.memref_slice %arg4[%mul3A_2, %dma_wait3A_13] : memref<4096x768xf32, #tpu.memory_space<hbm>> -> memref<128x768xf32, #tpu.memory_space<hbm>>
      tpu.wait_dma2 semaphore(%run_scoped3A : memref<!tpu.dma_semaphore, #tpu.memory_space<semaphore_mem>>) src(%arg6 : memref<128x768xf32, #tpu.memory_space<vmem>>) dst(%dma_wait3A_14 : memref<128x768xf32, #tpu.memory_space<hbm>>)
      tpu.yield
    }) : () -> ()
    return
  }
}

#map = affine_map<(d0, d1) -> (0, 0)>
#map1 = affine_map<(d0, d1) -> (0)>
module attributes {stable_mosaic.version = 14 : i64} {
  func.func @k(%arg0: i32, %arg1: i32, %arg2: memref<5120x768xf32, #tpu.memory_space<hbm>>, %arg3: memref<4096xi32, #tpu.memory_space<hbm>>, %arg4: memref<4096x768xf32, #tpu.memory_space<hbm>>, %arg5: memref<128xi32, #tpu.memory_space<vmem>>, %arg6: memref<128x768xf32, #tpu.memory_space<vmem>>, %arg7: memref<!tpu.dma_semaphore, #tpu.memory_space<semaphore_mem>>) attributes {dimension_semantics = [#tpu.dimension_semantics<core_parallel>, #tpu.dimension_semantics<subcore_parallel>], iteration_bounds = array<i64: 2, 16>, scalar_prefetch = 0 : i64, scratch_operands = 3 : i64, tpu.core_type = #tpu.core_type<sc_vector_subcore>, window_params = [{transform_indices = #map}, {transform_indices = #map1}, {transform_indices = #map}]} {
    %mul3A = arith.constant 2 : i32
    %mul3A_0 = arith.muli %arg1, %mul3A : i32
    %add3A = arith.addi %mul3A_0, %arg0 : i32
    %mul3A_1 = arith.constant 128 : i32
    %mul3A_2 = arith.muli %add3A, %mul3A_1 : i32
    "tpu.region"() ({
      %run_scoped3A = tpu.sem_alloc : memref<!tpu.dma_semaphore, #tpu.memory_space<semaphore_mem>>
      %dma_start3A_7 = tpu.memref_slice %arg3[%mul3A_2] : memref<4096xi32, #tpu.memory_space<hbm>> -> memref<128xi32, #tpu.memory_space<hbm>>
      %dma_start3A_8 = tpu.memref_slice %arg3[%mul3A_2] : memref<4096xi32, #tpu.memory_space<hbm>> -> memref<128xi32, #tpu.memory_space<hbm>>
      tpu.enqueue_dma source(%dma_start3A_8 : memref<128xi32, #tpu.memory_space<hbm>>) target(%arg5 : memref<128xi32, #tpu.memory_space<vmem>>) target_semaphore(%run_scoped3A : memref<!tpu.dma_semaphore, #tpu.memory_space<semaphore_mem>>)
      %dma_wait3A_9 = tpu.memref_slice %arg3[%mul3A_2] : memref<4096xi32, #tpu.memory_space<hbm>> -> memref<128xi32, #tpu.memory_space<hbm>>
      %dma_wait3A_10 = tpu.memref_slice %arg3[%mul3A_2] : memref<4096xi32, #tpu.memory_space<hbm>> -> memref<128xi32, #tpu.memory_space<hbm>>
      tpu.wait_dma2 semaphore(%run_scoped3A : memref<!tpu.dma_semaphore, #tpu.memory_space<semaphore_mem>>) src(%dma_wait3A_10 : memref<128xi32, #tpu.memory_space<hbm>>) dst(%arg5 : memref<128xi32, #tpu.memory_space<vmem>>)
      tpu.yield
    }) : () -> ()
    %dma_start3A = arith.constant 0 : i32
    %dma_start3A_3 = arith.constant 0 : i32
    %dma_start3A_4 = tpu.memref_slice %arg2[%dma_start3A, %dma_start3A_3] : memref<5120x768xf32, #tpu.memory_space<hbm>> -> memref<5120x768xf32, #tpu.memory_space<hbm>>
    tpu.enqueue_indirect_dma source(%dma_start3A_4 : memref<5120x768xf32, #tpu.memory_space<hbm>>) target(%arg6 : memref<128x768xf32, #tpu.memory_space<vmem>>) offsets(%arg5 : memref<128xi32, #tpu.memory_space<vmem>>) semaphore(%arg7 : memref<!tpu.dma_semaphore, #tpu.memory_space<semaphore_mem>>)
    %dma_wait3A = arith.constant 0 : i32
    %dma_wait3A_5 = arith.constant 0 : i32
    %dma_wait3A_6 = tpu.memref_slice %arg2[%dma_wait3A, %dma_wait3A_5] : memref<5120x768xf32, #tpu.memory_space<hbm>> -> memref<5120x768xf32, #tpu.memory_space<hbm>>
    tpu.wait_indirect_dma semaphore(%arg7 : memref<!tpu.dma_semaphore, #tpu.memory_space<semaphore_mem>>) src(%dma_wait3A_6 : memref<5120x768xf32, #tpu.memory_space<hbm>>) dst(%arg6 : memref<128x768xf32, #tpu.memory_space<vmem>>)
    "tpu.region"() ({
      %run_scoped3A = tpu.sem_alloc : memref<!tpu.dma_semaphore, #tpu.memory_space<semaphore_mem>>
      %dma_start3A_7 = arith.constant 0 : i32
      %dma_start3A_8 = tpu.memref_slice %arg4[%mul3A_2, %dma_start3A_7] : memref<4096x768xf32, #tpu.memory_space<hbm>> -> memref<128x768xf32, #tpu.memory_space<hbm>>
      %dma_start3A_9 = arith.constant 0 : i32
      %dma_start3A_10 = tpu.memref_slice %arg4[%mul3A_2, %dma_start3A_9] : memref<4096x768xf32, #tpu.memory_space<hbm>> -> memref<128x768xf32, #tpu.memory_space<hbm>>
      tpu.enqueue_dma source(%arg6 : memref<128x768xf32, #tpu.memory_space<vmem>>) target(%dma_start3A_10 : memref<128x768xf32, #tpu.memory_space<hbm>>) target_semaphore(%run_scoped3A : memref<!tpu.dma_semaphore, #tpu.memory_space<semaphore_mem>>)
      %dma_wait3A_11 = arith.constant 0 : i32
      %dma_wait3A_12 = tpu.memref_slice %arg4[%mul3A_2, %dma_wait3A_11] : memref<4096x768xf32, #tpu.memory_space<hbm>> -> memref<128x768xf32, #tpu.memory_space<hbm>>
      %dma_wait3A_13 = arith.constant 0 : i32
      %dma_wait3A_14 = tpu.memref_slice %arg4[%mul3A_2, %dma_wait3A_13] : memref<4096x768xf32, #tpu.memory_space<hbm>> -> memref<128x768xf32, #tpu.memory_space<hbm>>
      tpu.wait_dma2 semaphore(%run_scoped3A : memref<!tpu.dma_semaphore, #tpu.memory_space<semaphore_mem>>) src(%arg6 : memref<128x768xf32, #tpu.memory_space<vmem>>) dst(%dma_wait3A_14 : memref<128x768xf32, #tpu.memory_space<hbm>>)
      tpu.yield
    }) : () -> ()
    return
  }
}

module attributes {stable_mosaic.version = 14 : i64} {
  func.func @_instnorm_kernel(%arg0: i32, %arg1: memref<2048x16xf32, #tpu.memory_space<vmem>>, %arg2: memref<2048x16xf32, #tpu.memory_space<vmem>>, %arg3: memref<1x16xf32, #tpu.memory_space<vmem>>, %arg4: memref<1x16xf32, #tpu.memory_space<vmem>>) attributes {dimension_semantics = [#tpu.dimension_semantics<arbitrary>], iteration_bounds = array<i64: 1>, scalar_prefetch = 0 : i64, scratch_operands = 0 : i64, tpu.core_type = #tpu.core_type<tc>, window_params = [{pipeline_mode = #tpu.pipeline_mode<synchronous>, transform_indices = @transform_0, window_bounds = array<i64: 2048, 16>}, {pipeline_mode = #tpu.pipeline_mode<synchronous>, transform_indices = @transform_1, window_bounds = array<i64: 2048, 16>}, {pipeline_mode = #tpu.pipeline_mode<synchronous>, transform_indices = @transform_2, window_bounds = array<i64: 1, 16>}, {pipeline_mode = #tpu.pipeline_mode<synchronous>, transform_indices = @transform_3, window_bounds = array<i64: 1, 16>}]} {
    %get3A = arith.constant 0 : index
    %get3A_0 = arith.constant 0 : index
    %get3A_1 = vector.load %arg1[%get3A, %get3A_0] : memref<2048x16xf32, #tpu.memory_space<vmem>>, vector<2048x16xf32>
    %reduce_sum3A = arith.constant dense<0.000000e+00> : vector<16xf32>
    %reduce_sum3A_2 = vector.multi_reduction <add>, %get3A_1, %reduce_sum3A [0] : vector<2048x16xf32> to vector<16xf32>
    %broadcast_in_dim3A = vector.shape_cast %reduce_sum3A_2 : vector<16xf32> to vector<1x16xf32>
    %div3A = arith.constant 2.048000e+03 : f32
    %div3A_3 = vector.broadcast %div3A : f32 to vector<1x16xf32>
    %div3A_4 = arith.divf %broadcast_in_dim3A, %div3A_3 : vector<1x16xf32>
    %sub3A = vector.broadcast %div3A_4 : vector<1x16xf32> to vector<2048x16xf32>
    %sub3A_5 = arith.subf %get3A_1, %sub3A : vector<2048x16xf32>
    %mul3A = arith.mulf %sub3A_5, %sub3A_5 : vector<2048x16xf32>
    %reduce_sum3A_6 = arith.constant dense<0.000000e+00> : vector<16xf32>
    %reduce_sum3A_7 = vector.multi_reduction <add>, %mul3A, %reduce_sum3A_6 [0] : vector<2048x16xf32> to vector<16xf32>
    %broadcast_in_dim3A_8 = vector.shape_cast %reduce_sum3A_7 : vector<16xf32> to vector<1x16xf32>
    %div3A_9 = arith.constant 2.048000e+03 : f32
    %div3A_10 = vector.broadcast %div3A_9 : f32 to vector<1x16xf32>
    %div3A_11 = arith.divf %broadcast_in_dim3A_8, %div3A_10 : vector<1x16xf32>
    %sqrt3A = math.sqrt %div3A_11 : vector<1x16xf32>
    %add3A = arith.constant 9.99999974E-6 : f32
    %add3A_12 = vector.broadcast %add3A : f32 to vector<1x16xf32>
    %add3A_13 = arith.addf %sqrt3A, %add3A_12 : vector<1x16xf32>
    %div3A_14 = vector.broadcast %add3A_13 : vector<1x16xf32> to vector<2048x16xf32>
    %div3A_15 = arith.divf %sub3A_5, %div3A_14 : vector<2048x16xf32>
    %swap3A = arith.constant 0 : index
    %swap3A_16 = arith.constant 0 : index
    %swap3A_17 = vector.load %arg2[%swap3A, %swap3A_16] : memref<2048x16xf32, #tpu.memory_space<vmem>>, vector<2048x16xf32>
    tpu.vector_store %arg2[%swap3A, %swap3A_16], %div3A_15 {strides = array<i32>} : memref<2048x16xf32, #tpu.memory_space<vmem>>, vector<2048x16xf32>,
    %swap3A_18 = arith.constant 0 : index
    %swap3A_19 = arith.constant 0 : index
    %swap3A_20 = vector.load %arg3[%swap3A_18, %swap3A_19] : memref<1x16xf32, #tpu.memory_space<vmem>>, vector<1x16xf32>
    tpu.vector_store %arg3[%swap3A_18, %swap3A_19], %div3A_4 {strides = array<i32>} : memref<1x16xf32, #tpu.memory_space<vmem>>, vector<1x16xf32>,
    %swap3A_21 = arith.constant 0 : index
    %swap3A_22 = arith.constant 0 : index
    %swap3A_23 = vector.load %arg4[%swap3A_21, %swap3A_22] : memref<1x16xf32, #tpu.memory_space<vmem>>, vector<1x16xf32>
    tpu.vector_store %arg4[%swap3A_21, %swap3A_22], %sqrt3A {strides = array<i32>} : memref<1x16xf32, #tpu.memory_space<vmem>>, vector<1x16xf32>,
    return
  }
  func.func @transform_0(%arg0: i32) -> (i32, i32) {
    %c0_i32 = arith.constant 0 : i32
    %c0_i32_0 = arith.constant 0 : i32
    %c0_i32_1 = arith.constant 0 : i32
    return %c0_i32, %c0_i32_0 : i32, i32
  }
  func.func @transform_1(%arg0: i32) -> (i32, i32) {
    %c0_i32 = arith.constant 0 : i32
    %c0_i32_0 = arith.constant 0 : i32
    %c0_i32_1 = arith.constant 0 : i32
    return %c0_i32, %c0_i32_0 : i32, i32
  }
  func.func @transform_2(%arg0: i32) -> (i32, i32) {
    %c0_i32 = arith.constant 0 : i32
    %c0_i32_0 = arith.constant 0 : i32
    %c0_i32_1 = arith.constant 0 : i32
    return %c0_i32, %c0_i32_0 : i32, i32
  }
  func.func @transform_3(%arg0: i32) -> (i32, i32) {
    %c0_i32 = arith.constant 0 : i32
    %c0_i32_0 = arith.constant 0 : i32
    %c0_i32_1 = arith.constant 0 : i32
    return %c0_i32, %c0_i32_0 : i32, i32
  }
}

module attributes {stable_mosaic.version = 14 : i64} {
  func.func @body(%arg0: i32, %arg1: memref<256x16xf32, #tpu.memory_space<vmem>>, %arg2: memref<16x768xf32, #tpu.memory_space<vmem>>, %arg3: memref<1x768xf32, #tpu.memory_space<vmem>>, %arg4: memref<256x768xf32, #tpu.memory_space<vmem>>, %arg5: memref<256x768xf32, #tpu.memory_space<vmem>>) attributes {dimension_semantics = [#tpu.dimension_semantics<arbitrary>], iteration_bounds = array<i64: 8>, scalar_prefetch = 0 : i64, scratch_operands = 0 : i64, tpu.core_type = #tpu.core_type<tc>, window_params = [{transform_indices = @transform_0, window_bounds = array<i64: 256, 16>}, {pipeline_mode = #tpu.pipeline_mode<synchronous>, transform_indices = @transform_1, window_bounds = array<i64: 16, 768>}, {pipeline_mode = #tpu.pipeline_mode<synchronous>, transform_indices = @transform_2, window_bounds = array<i64: 1, 768>}, {transform_indices = @transform_3, window_bounds = array<i64: 256, 768>}, {transform_indices = @transform_4, window_bounds = array<i64: 256, 768>}]} {
    %get3A = arith.constant 0 : index
    %get3A_0 = arith.constant 0 : index
    %get3A_1 = vector.load %arg1[%get3A, %get3A_0] : memref<256x16xf32, #tpu.memory_space<vmem>>, vector<256x16xf32>
    %get3A_2 = arith.constant 0 : index
    %get3A_3 = arith.constant 0 : index
    %get3A_4 = vector.load %arg2[%get3A_2, %get3A_3] : memref<16x768xf32, #tpu.memory_space<vmem>>, vector<16x768xf32>
    %dot_general3A = arith.constant dense<0.000000e+00> : vector<256x768xf32>
    %dot_general3A_5 = tpu.matmul %get3A_1, %get3A_4, %dot_general3A {dimension_numbers = #tpu.dot_dimension_numbers<[1], [0], [0], [1], [0, 0, 1, 1], [], []>, transpose_lhs_hint = false} : vector<256x16xf32>, vector<16x768xf32>, vector<256x768xf32> -> vector<256x768xf32>
    %get3A_6 = arith.constant 0 : index
    %get3A_7 = arith.constant 0 : index
    %get3A_8 = vector.load %arg3[%get3A_6, %get3A_7] : memref<1x768xf32, #tpu.memory_space<vmem>>, vector<1x768xf32>
    %add3A = vector.broadcast %get3A_8 : vector<1x768xf32> to vector<256x768xf32>
    %add3A_9 = arith.addf %dot_general3A_5, %add3A : vector<256x768xf32>
    %get3A_10 = arith.constant 0 : index
    %get3A_11 = arith.constant 0 : index
    %get3A_12 = vector.load %arg4[%get3A_10, %get3A_11] : memref<256x768xf32, #tpu.memory_space<vmem>>, vector<256x768xf32>
    %add3A_13 = arith.addf %add3A_9, %get3A_12 : vector<256x768xf32>
    %swap3A = arith.constant 0 : index
    %swap3A_14 = arith.constant 0 : index
    %swap3A_15 = vector.load %arg5[%swap3A, %swap3A_14] : memref<256x768xf32, #tpu.memory_space<vmem>>, vector<256x768xf32>
    tpu.vector_store %arg5[%swap3A, %swap3A_14], %add3A_13 {strides = array<i32>} : memref<256x768xf32, #tpu.memory_space<vmem>>, vector<256x768xf32>,
    return
  }
  func.func @transform_0(%arg0: i32) -> (i32, i32) {
    %c0_i32 = arith.constant 0 : i32
    %c0_i32_0 = arith.constant 0 : i32
    return %arg0, %c0_i32 : i32, i32
  }
  func.func @transform_1(%arg0: i32) -> (i32, i32) {
    %c0_i32 = arith.constant 0 : i32
    %c0_i32_0 = arith.constant 0 : i32
    %c0_i32_1 = arith.constant 0 : i32
    return %c0_i32, %c0_i32_0 : i32, i32
  }
  func.func @transform_2(%arg0: i32) -> (i32, i32) {
    %c0_i32 = arith.constant 0 : i32
    %c0_i32_0 = arith.constant 0 : i32
    %c0_i32_1 = arith.constant 0 : i32
    return %c0_i32, %c0_i32_0 : i32, i32
  }
  func.func @transform_3(%arg0: i32) -> (i32, i32) {
    %c0_i32 = arith.constant 0 : i32
    %c0_i32_0 = arith.constant 0 : i32
    return %arg0, %c0_i32 : i32, i32
  }
  func.func @transform_4(%arg0: i32) -> (i32, i32) {
    %c0_i32 = arith.constant 0 : i32
    %c0_i32_0 = arith.constant 0 : i32
    return %arg0, %c0_i32 : i32, i32
  }
}

module attributes {stable_mosaic.version = 14 : i64} {
  func.func @_attnblk_kernel(%arg0: i32, %arg1: memref<128x768xf32, #tpu.memory_space<vmem>>, %arg2: memref<768x768xf32, #tpu.memory_space<vmem>>, %arg3: memref<1x768xf32, #tpu.memory_space<vmem>>, %arg4: memref<768x768xf32, #tpu.memory_space<vmem>>, %arg5: memref<1x768xf32, #tpu.memory_space<vmem>>, %arg6: memref<768x768xf32, #tpu.memory_space<vmem>>, %arg7: memref<1x768xf32, #tpu.memory_space<vmem>>, %arg8: memref<768x768xf32, #tpu.memory_space<vmem>>, %arg9: memref<1x768xf32, #tpu.memory_space<vmem>>, %arg10: memref<1x768xf32, #tpu.memory_space<vmem>>, %arg11: memref<1x768xf32, #tpu.memory_space<vmem>>, %arg12: memref<128x768xf32, #tpu.memory_space<vmem>>) attributes {dimension_semantics = [#tpu.dimension_semantics<arbitrary>], iteration_bounds = array<i64: 16>, scalar_prefetch = 0 : i64, scratch_operands = 0 : i64, tpu.core_type = #tpu.core_type<tc>, window_params = [{transform_indices = @transform_0, window_bounds = array<i64: 128, 768>}, {pipeline_mode = #tpu.pipeline_mode<synchronous>, transform_indices = @transform_1, window_bounds = array<i64: 768, 768>}, {pipeline_mode = #tpu.pipeline_mode<synchronous>, transform_indices = @transform_2, window_bounds = array<i64: 1, 768>}, {pipeline_mode = #tpu.pipeline_mode<synchronous>, transform_indices = @transform_3, window_bounds = array<i64: 768, 768>}, {pipeline_mode = #tpu.pipeline_mode<synchronous>, transform_indices = @transform_4, window_bounds = array<i64: 1, 768>}, {pipeline_mode = #tpu.pipeline_mode<synchronous>, transform_indices = @transform_5, window_bounds = array<i64: 768, 768>}, {pipeline_mode = #tpu.pipeline_mode<synchronous>, transform_indices = @transform_6, window_bounds = array<i64: 1, 768>}, {pipeline_mode = #tpu.pipeline_mode<synchronous>, transform_indices = @transform_7, window_bounds = array<i64: 768, 768>}, {pipeline_mode = #tpu.pipeline_mode<synchronous>, transform_indices = @transform_8, window_bounds = array<i64: 1, 768>}, {pipeline_mode = #tpu.pipeline_mode<synchronous>, transform_indices = @transform_9, window_bounds = array<i64: 1, 768>}, {pipeline_mode = #tpu.pipeline_mode<synchronous>, transform_indices = @transform_10, window_bounds = array<i64: 1, 768>}, {transform_indices = @transform_11, window_bounds = array<i64: 128, 768>}]} {
    %get3A = arith.constant 0 : index
    %get3A_0 = arith.constant 0 : index
    %get3A_1 = vector.load %arg1[%get3A, %get3A_0] : memref<128x768xf32, #tpu.memory_space<vmem>>, vector<128x768xf32>
    %get3A_2 = arith.constant 0 : index
    %get3A_3 = arith.constant 0 : index
    %get3A_4 = vector.load %arg2[%get3A_2, %get3A_3] : memref<768x768xf32, #tpu.memory_space<vmem>>, vector<768x768xf32>
    %dot_general3A = arith.constant dense<0.000000e+00> : vector<128x768xf32>
    %dot_general3A_5 = tpu.matmul %get3A_1, %get3A_4, %dot_general3A {dimension_numbers = #tpu.dot_dimension_numbers<[1], [0], [0], [1], [0, 0, 1, 1], [], []>, transpose_lhs_hint = false} : vector<128x768xf32>, vector<768x768xf32>, vector<128x768xf32> -> vector<128x768xf32>
    %get3A_6 = arith.constant 0 : index
    %get3A_7 = arith.constant 0 : index
    %get3A_8 = vector.load %arg3[%get3A_6, %get3A_7] : memref<1x768xf32, #tpu.memory_space<vmem>>, vector<1x768xf32>
    %add3A = vector.broadcast %get3A_8 : vector<1x768xf32> to vector<128x768xf32>
    %add3A_9 = arith.addf %dot_general3A_5, %add3A : vector<128x768xf32>
    %get3A_10 = arith.constant 0 : index
    %get3A_11 = arith.constant 0 : index
    %get3A_12 = vector.load %arg4[%get3A_10, %get3A_11] : memref<768x768xf32, #tpu.memory_space<vmem>>, vector<768x768xf32>
    %dot_general3A_13 = arith.constant dense<0.000000e+00> : vector<128x768xf32>
    %dot_general3A_14 = tpu.matmul %get3A_1, %get3A_12, %dot_general3A_13 {dimension_numbers = #tpu.dot_dimension_numbers<[1], [0], [0], [1], [0, 0, 1, 1], [], []>, transpose_lhs_hint = false} : vector<128x768xf32>, vector<768x768xf32>, vector<128x768xf32> -> vector<128x768xf32>
    %get3A_15 = arith.constant 0 : index
    %get3A_16 = arith.constant 0 : index
    %get3A_17 = vector.load %arg5[%get3A_15, %get3A_16] : memref<1x768xf32, #tpu.memory_space<vmem>>, vector<1x768xf32>
    %add3A_18 = vector.broadcast %get3A_17 : vector<1x768xf32> to vector<128x768xf32>
    %add3A_19 = arith.addf %dot_general3A_14, %add3A_18 : vector<128x768xf32>
    %get3A_20 = arith.constant 0 : index
    %get3A_21 = arith.constant 0 : index
    %get3A_22 = vector.load %arg6[%get3A_20, %get3A_21] : memref<768x768xf32, #tpu.memory_space<vmem>>, vector<768x768xf32>
    %dot_general3A_23 = arith.constant dense<0.000000e+00> : vector<128x768xf32>
    %dot_general3A_24 = tpu.matmul %get3A_1, %get3A_22, %dot_general3A_23 {dimension_numbers = #tpu.dot_dimension_numbers<[1], [0], [0], [1], [0, 0, 1, 1], [], []>, transpose_lhs_hint = false} : vector<128x768xf32>, vector<768x768xf32>, vector<128x768xf32> -> vector<128x768xf32>
    %get3A_25 = arith.constant 0 : index
    %get3A_26 = arith.constant 0 : index
    %get3A_27 = vector.load %arg7[%get3A_25, %get3A_26] : memref<1x768xf32, #tpu.memory_space<vmem>>, vector<1x768xf32>
    %add3A_28 = vector.broadcast %get3A_27 : vector<1x768xf32> to vector<128x768xf32>
    %add3A_29 = arith.addf %dot_general3A_24, %add3A_28 : vector<128x768xf32>
    %slice3A = vector.extract_strided_slice %add3A_9 {offsets = [0, 0], sizes = [128, 64], strides = [1, 1]} : vector<128x768xf32> to vector<128x64xf32>
    %slice3A_30 = vector.extract_strided_slice %add3A_19 {offsets = [0, 0], sizes = [128, 64], strides = [1, 1]} : vector<128x768xf32> to vector<128x64xf32>
    %dot_general3A_31 = arith.constant dense<0.000000e+00> : vector<128x128xf32>
    %dot_general3A_32 = tpu.matmul %slice3A, %slice3A_30, %dot_general3A_31 {dimension_numbers = #tpu.dot_dimension_numbers<[1], [1], [0], [0], [0, 0, 1, 0], [], []>, transpose_lhs_hint = false} : vector<128x64xf32>, vector<128x64xf32>, vector<128x128xf32> -> vector<128x128xf32>
    %mul3A = arith.constant 1.250000e-01 : f32
    %mul3A_33 = vector.broadcast %mul3A : f32 to vector<128x128xf32>
    %mul3A_34 = arith.mulf %dot_general3A_32, %mul3A_33 : vector<128x128xf32>
    %reduce_max3A = arith.constant dense<0xFF800000> : vector<128xf32>
    %reduce_max3A_35 = vector.multi_reduction <maximumf>, %mul3A_34, %reduce_max3A [1] : vector<128x128xf32> to vector<128xf32>
    %broadcast_in_dim3A = vector.shape_cast %reduce_max3A_35 : vector<128xf32> to vector<128x1xf32>
    %sub3A = vector.broadcast %broadcast_in_dim3A : vector<128x1xf32> to vector<128x128xf32>
    %sub3A_36 = arith.subf %mul3A_34, %sub3A : vector<128x128xf32>
    %exp3A = math.exp %sub3A_36 : vector<128x128xf32>
    %reduce_sum3A = arith.constant dense<0.000000e+00> : vector<128xf32>
    %reduce_sum3A_37 = vector.multi_reduction <add>, %exp3A, %reduce_sum3A [1] : vector<128x128xf32> to vector<128xf32>
    %broadcast_in_dim3A_38 = vector.shape_cast %reduce_sum3A_37 : vector<128xf32> to vector<128x1xf32>
    %div3A = vector.broadcast %broadcast_in_dim3A_38 : vector<128x1xf32> to vector<128x128xf32>
    %div3A_39 = arith.divf %exp3A, %div3A : vector<128x128xf32>
    %slice3A_40 = vector.extract_strided_slice %add3A_29 {offsets = [0, 0], sizes = [128, 64], strides = [1, 1]} : vector<128x768xf32> to vector<128x64xf32>
    %dot_general3A_41 = arith.constant dense<0.000000e+00> : vector<128x64xf32>
    %dot_general3A_42 = tpu.matmul %div3A_39, %slice3A_40, %dot_general3A_41 {dimension_numbers = #tpu.dot_dimension_numbers<[1], [0], [0], [1], [0, 0, 1, 1], [], []>, transpose_lhs_hint = false} : vector<128x128xf32>, vector<128x64xf32>, vector<128x64xf32> -> vector<128x64xf32>
    %slice3A_43 = vector.extract_strided_slice %add3A_9 {offsets = [0, 64], sizes = [128, 64], strides = [1, 1]} : vector<128x768xf32> to vector<128x64xf32>
    %slice3A_44 = vector.extract_strided_slice %add3A_19 {offsets = [0, 64], sizes = [128, 64], strides = [1, 1]} : vector<128x768xf32> to vector<128x64xf32>
    %dot_general3A_45 = arith.constant dense<0.000000e+00> : vector<128x128xf32>
    %dot_general3A_46 = tpu.matmul %slice3A_43, %slice3A_44, %dot_general3A_45 {dimension_numbers = #tpu.dot_dimension_numbers<[1], [1], [0], [0], [0, 0, 1, 0], [], []>, transpose_lhs_hint = false} : vector<128x64xf32>, vector<128x64xf32>, vector<128x128xf32> -> vector<128x128xf32>
    %mul3A_47 = arith.constant 1.250000e-01 : f32
    %mul3A_48 = vector.broadcast %mul3A_47 : f32 to vector<128x128xf32>
    %mul3A_49 = arith.mulf %dot_general3A_46, %mul3A_48 : vector<128x128xf32>
    %reduce_max3A_50 = arith.constant dense<0xFF800000> : vector<128xf32>
    %reduce_max3A_51 = vector.multi_reduction <maximumf>, %mul3A_49, %reduce_max3A_50 [1] : vector<128x128xf32> to vector<128xf32>
    %broadcast_in_dim3A_52 = vector.shape_cast %reduce_max3A_51 : vector<128xf32> to vector<128x1xf32>
    %sub3A_53 = vector.broadcast %broadcast_in_dim3A_52 : vector<128x1xf32> to vector<128x128xf32>
    %sub3A_54 = arith.subf %mul3A_49, %sub3A_53 : vector<128x128xf32>
    %exp3A_55 = math.exp %sub3A_54 : vector<128x128xf32>
    %reduce_sum3A_56 = arith.constant dense<0.000000e+00> : vector<128xf32>
    %reduce_sum3A_57 = vector.multi_reduction <add>, %exp3A_55, %reduce_sum3A_56 [1] : vector<128x128xf32> to vector<128xf32>
    %broadcast_in_dim3A_58 = vector.shape_cast %reduce_sum3A_57 : vector<128xf32> to vector<128x1xf32>
    %div3A_59 = vector.broadcast %broadcast_in_dim3A_58 : vector<128x1xf32> to vector<128x128xf32>
    %div3A_60 = arith.divf %exp3A_55, %div3A_59 : vector<128x128xf32>
    %slice3A_61 = vector.extract_strided_slice %add3A_29 {offsets = [0, 64], sizes = [128, 64], strides = [1, 1]} : vector<128x768xf32> to vector<128x64xf32>
    %dot_general3A_62 = arith.constant dense<0.000000e+00> : vector<128x64xf32>
    %dot_general3A_63 = tpu.matmul %div3A_60, %slice3A_61, %dot_general3A_62 {dimension_numbers = #tpu.dot_dimension_numbers<[1], [0], [0], [1], [0, 0, 1, 1], [], []>, transpose_lhs_hint = false} : vector<128x128xf32>, vector<128x64xf32>, vector<128x64xf32> -> vector<128x64xf32>
    %slice3A_64 = vector.extract_strided_slice %add3A_9 {offsets = [0, 128], sizes = [128, 64], strides = [1, 1]} : vector<128x768xf32> to vector<128x64xf32>
    %slice3A_65 = vector.extract_strided_slice %add3A_19 {offsets = [0, 128], sizes = [128, 64], strides = [1, 1]} : vector<128x768xf32> to vector<128x64xf32>
    %dot_general3A_66 = arith.constant dense<0.000000e+00> : vector<128x128xf32>
    %dot_general3A_67 = tpu.matmul %slice3A_64, %slice3A_65, %dot_general3A_66 {dimension_numbers = #tpu.dot_dimension_numbers<[1], [1], [0], [0], [0, 0, 1, 0], [], []>, transpose_lhs_hint = false} : vector<128x64xf32>, vector<128x64xf32>, vector<128x128xf32> -> vector<128x128xf32>
    %mul3A_68 = arith.constant 1.250000e-01 : f32
    %mul3A_69 = vector.broadcast %mul3A_68 : f32 to vector<128x128xf32>
    %mul3A_70 = arith.mulf %dot_general3A_67, %mul3A_69 : vector<128x128xf32>
    %reduce_max3A_71 = arith.constant dense<0xFF800000> : vector<128xf32>
    %reduce_max3A_72 = vector.multi_reduction <maximumf>, %mul3A_70, %reduce_max3A_71 [1] : vector<128x128xf32> to vector<128xf32>
    %broadcast_in_dim3A_73 = vector.shape_cast %reduce_max3A_72 : vector<128xf32> to vector<128x1xf32>
    %sub3A_74 = vector.broadcast %broadcast_in_dim3A_73 : vector<128x1xf32> to vector<128x128xf32>
    %sub3A_75 = arith.subf %mul3A_70, %sub3A_74 : vector<128x128xf32>
    %exp3A_76 = math.exp %sub3A_75 : vector<128x128xf32>
    %reduce_sum3A_77 = arith.constant dense<0.000000e+00> : vector<128xf32>
    %reduce_sum3A_78 = vector.multi_reduction <add>, %exp3A_76, %reduce_sum3A_77 [1] : vector<128x128xf32> to vector<128xf32>
    %broadcast_in_dim3A_79 = vector.shape_cast %reduce_sum3A_78 : vector<128xf32> to vector<128x1xf32>
    %div3A_80 = vector.broadcast %broadcast_in_dim3A_79 : vector<128x1xf32> to vector<128x128xf32>
    %div3A_81 = arith.divf %exp3A_76, %div3A_80 : vector<128x128xf32>
    %slice3A_82 = vector.extract_strided_slice %add3A_29 {offsets = [0, 128], sizes = [128, 64], strides = [1, 1]} : vector<128x768xf32> to vector<128x64xf32>
    %dot_general3A_83 = arith.constant dense<0.000000e+00> : vector<128x64xf32>
    %dot_general3A_84 = tpu.matmul %div3A_81, %slice3A_82, %dot_general3A_83 {dimension_numbers = #tpu.dot_dimension_numbers<[1], [0], [0], [1], [0, 0, 1, 1], [], []>, transpose_lhs_hint = false} : vector<128x128xf32>, vector<128x64xf32>, vector<128x64xf32> -> vector<128x64xf32>
    %slice3A_85 = vector.extract_strided_slice %add3A_9 {offsets = [0, 192], sizes = [128, 64], strides = [1, 1]} : vector<128x768xf32> to vector<128x64xf32>
    %slice3A_86 = vector.extract_strided_slice %add3A_19 {offsets = [0, 192], sizes = [128, 64], strides = [1, 1]} : vector<128x768xf32> to vector<128x64xf32>
    %dot_general3A_87 = arith.constant dense<0.000000e+00> : vector<128x128xf32>
    %dot_general3A_88 = tpu.matmul %slice3A_85, %slice3A_86, %dot_general3A_87 {dimension_numbers = #tpu.dot_dimension_numbers<[1], [1], [0], [0], [0, 0, 1, 0], [], []>, transpose_lhs_hint = false} : vector<128x64xf32>, vector<128x64xf32>, vector<128x128xf32> -> vector<128x128xf32>
    %mul3A_89 = arith.constant 1.250000e-01 : f32
    %mul3A_90 = vector.broadcast %mul3A_89 : f32 to vector<128x128xf32>
    %mul3A_91 = arith.mulf %dot_general3A_88, %mul3A_90 : vector<128x128xf32>
    %reduce_max3A_92 = arith.constant dense<0xFF800000> : vector<128xf32>
    %reduce_max3A_93 = vector.multi_reduction <maximumf>, %mul3A_91, %reduce_max3A_92 [1] : vector<128x128xf32> to vector<128xf32>
    %broadcast_in_dim3A_94 = vector.shape_cast %reduce_max3A_93 : vector<128xf32> to vector<128x1xf32>
    %sub3A_95 = vector.broadcast %broadcast_in_dim3A_94 : vector<128x1xf32> to vector<128x128xf32>
    %sub3A_96 = arith.subf %mul3A_91, %sub3A_95 : vector<128x128xf32>
    %exp3A_97 = math.exp %sub3A_96 : vector<128x128xf32>
    %reduce_sum3A_98 = arith.constant dense<0.000000e+00> : vector<128xf32>
    %reduce_sum3A_99 = vector.multi_reduction <add>, %exp3A_97, %reduce_sum3A_98 [1] : vector<128x128xf32> to vector<128xf32>
    %broadcast_in_dim3A_100 = vector.shape_cast %reduce_sum3A_99 : vector<128xf32> to vector<128x1xf32>
    %div3A_101 = vector.broadcast %broadcast_in_dim3A_100 : vector<128x1xf32> to vector<128x128xf32>
    %div3A_102 = arith.divf %exp3A_97, %div3A_101 : vector<128x128xf32>
    %slice3A_103 = vector.extract_strided_slice %add3A_29 {offsets = [0, 192], sizes = [128, 64], strides = [1, 1]} : vector<128x768xf32> to vector<128x64xf32>
    %dot_general3A_104 = arith.constant dense<0.000000e+00> : vector<128x64xf32>
    %dot_general3A_105 = tpu.matmul %div3A_102, %slice3A_103, %dot_general3A_104 {dimension_numbers = #tpu.dot_dimension_numbers<[1], [0], [0], [1], [0, 0, 1, 1], [], []>, transpose_lhs_hint = false} : vector<128x128xf32>, vector<128x64xf32>, vector<128x64xf32> -> vector<128x64xf32>
    %slice3A_106 = vector.extract_strided_slice %add3A_9 {offsets = [0, 256], sizes = [128, 64], strides = [1, 1]} : vector<128x768xf32> to vector<128x64xf32>
    %slice3A_107 = vector.extract_strided_slice %add3A_19 {offsets = [0, 256], sizes = [128, 64], strides = [1, 1]} : vector<128x768xf32> to vector<128x64xf32>
    %dot_general3A_108 = arith.constant dense<0.000000e+00> : vector<128x128xf32>
    %dot_general3A_109 = tpu.matmul %slice3A_106, %slice3A_107, %dot_general3A_108 {dimension_numbers = #tpu.dot_dimension_numbers<[1], [1], [0], [0], [0, 0, 1, 0], [], []>, transpose_lhs_hint = false} : vector<128x64xf32>, vector<128x64xf32>, vector<128x128xf32> -> vector<128x128xf32>
    %mul3A_110 = arith.constant 1.250000e-01 : f32
    %mul3A_111 = vector.broadcast %mul3A_110 : f32 to vector<128x128xf32>
    %mul3A_112 = arith.mulf %dot_general3A_109, %mul3A_111 : vector<128x128xf32>
    %reduce_max3A_113 = arith.constant dense<0xFF800000> : vector<128xf32>
    %reduce_max3A_114 = vector.multi_reduction <maximumf>, %mul3A_112, %reduce_max3A_113 [1] : vector<128x128xf32> to vector<128xf32>
    %broadcast_in_dim3A_115 = vector.shape_cast %reduce_max3A_114 : vector<128xf32> to vector<128x1xf32>
    %sub3A_116 = vector.broadcast %broadcast_in_dim3A_115 : vector<128x1xf32> to vector<128x128xf32>
    %sub3A_117 = arith.subf %mul3A_112, %sub3A_116 : vector<128x128xf32>
    %exp3A_118 = math.exp %sub3A_117 : vector<128x128xf32>
    %reduce_sum3A_119 = arith.constant dense<0.000000e+00> : vector<128xf32>
    %reduce_sum3A_120 = vector.multi_reduction <add>, %exp3A_118, %reduce_sum3A_119 [1] : vector<128x128xf32> to vector<128xf32>
    %broadcast_in_dim3A_121 = vector.shape_cast %reduce_sum3A_120 : vector<128xf32> to vector<128x1xf32>
    %div3A_122 = vector.broadcast %broadcast_in_dim3A_121 : vector<128x1xf32> to vector<128x128xf32>
    %div3A_123 = arith.divf %exp3A_118, %div3A_122 : vector<128x128xf32>
    %slice3A_124 = vector.extract_strided_slice %add3A_29 {offsets = [0, 256], sizes = [128, 64], strides = [1, 1]} : vector<128x768xf32> to vector<128x64xf32>
    %dot_general3A_125 = arith.constant dense<0.000000e+00> : vector<128x64xf32>
    %dot_general3A_126 = tpu.matmul %div3A_123, %slice3A_124, %dot_general3A_125 {dimension_numbers = #tpu.dot_dimension_numbers<[1], [0], [0], [1], [0, 0, 1, 1], [], []>, transpose_lhs_hint = false} : vector<128x128xf32>, vector<128x64xf32>, vector<128x64xf32> -> vector<128x64xf32>
    %slice3A_127 = vector.extract_strided_slice %add3A_9 {offsets = [0, 320], sizes = [128, 64], strides = [1, 1]} : vector<128x768xf32> to vector<128x64xf32>
    %slice3A_128 = vector.extract_strided_slice %add3A_19 {offsets = [0, 320], sizes = [128, 64], strides = [1, 1]} : vector<128x768xf32> to vector<128x64xf32>
    %dot_general3A_129 = arith.constant dense<0.000000e+00> : vector<128x128xf32>
    %dot_general3A_130 = tpu.matmul %slice3A_127, %slice3A_128, %dot_general3A_129 {dimension_numbers = #tpu.dot_dimension_numbers<[1], [1], [0], [0], [0, 0, 1, 0], [], []>, transpose_lhs_hint = false} : vector<128x64xf32>, vector<128x64xf32>, vector<128x128xf32> -> vector<128x128xf32>
    %mul3A_131 = arith.constant 1.250000e-01 : f32
    %mul3A_132 = vector.broadcast %mul3A_131 : f32 to vector<128x128xf32>
    %mul3A_133 = arith.mulf %dot_general3A_130, %mul3A_132 : vector<128x128xf32>
    %reduce_max3A_134 = arith.constant dense<0xFF800000> : vector<128xf32>
    %reduce_max3A_135 = vector.multi_reduction <maximumf>, %mul3A_133, %reduce_max3A_134 [1] : vector<128x128xf32> to vector<128xf32>
    %broadcast_in_dim3A_136 = vector.shape_cast %reduce_max3A_135 : vector<128xf32> to vector<128x1xf32>
    %sub3A_137 = vector.broadcast %broadcast_in_dim3A_136 : vector<128x1xf32> to vector<128x128xf32>
    %sub3A_138 = arith.subf %mul3A_133, %sub3A_137 : vector<128x128xf32>
    %exp3A_139 = math.exp %sub3A_138 : vector<128x128xf32>
    %reduce_sum3A_140 = arith.constant dense<0.000000e+00> : vector<128xf32>
    %reduce_sum3A_141 = vector.multi_reduction <add>, %exp3A_139, %reduce_sum3A_140 [1] : vector<128x128xf32> to vector<128xf32>
    %broadcast_in_dim3A_142 = vector.shape_cast %reduce_sum3A_141 : vector<128xf32> to vector<128x1xf32>
    %div3A_143 = vector.broadcast %broadcast_in_dim3A_142 : vector<128x1xf32> to vector<128x128xf32>
    %div3A_144 = arith.divf %exp3A_139, %div3A_143 : vector<128x128xf32>
    %slice3A_145 = vector.extract_strided_slice %add3A_29 {offsets = [0, 320], sizes = [128, 64], strides = [1, 1]} : vector<128x768xf32> to vector<128x64xf32>
    %dot_general3A_146 = arith.constant dense<0.000000e+00> : vector<128x64xf32>
    %dot_general3A_147 = tpu.matmul %div3A_144, %slice3A_145, %dot_general3A_146 {dimension_numbers = #tpu.dot_dimension_numbers<[1], [0], [0], [1], [0, 0, 1, 1], [], []>, transpose_lhs_hint = false} : vector<128x128xf32>, vector<128x64xf32>, vector<128x64xf32> -> vector<128x64xf32>
    %slice3A_148 = vector.extract_strided_slice %add3A_9 {offsets = [0, 384], sizes = [128, 64], strides = [1, 1]} : vector<128x768xf32> to vector<128x64xf32>
    %slice3A_149 = vector.extract_strided_slice %add3A_19 {offsets = [0, 384], sizes = [128, 64], strides = [1, 1]} : vector<128x768xf32> to vector<128x64xf32>
    %dot_general3A_150 = arith.constant dense<0.000000e+00> : vector<128x128xf32>
    %dot_general3A_151 = tpu.matmul %slice3A_148, %slice3A_149, %dot_general3A_150 {dimension_numbers = #tpu.dot_dimension_numbers<[1], [1], [0], [0], [0, 0, 1, 0], [], []>, transpose_lhs_hint = false} : vector<128x64xf32>, vector<128x64xf32>, vector<128x128xf32> -> vector<128x128xf32>
    %mul3A_152 = arith.constant 1.250000e-01 : f32
    %mul3A_153 = vector.broadcast %mul3A_152 : f32 to vector<128x128xf32>
    %mul3A_154 = arith.mulf %dot_general3A_151, %mul3A_153 : vector<128x128xf32>
    %reduce_max3A_155 = arith.constant dense<0xFF800000> : vector<128xf32>
    %reduce_max3A_156 = vector.multi_reduction <maximumf>, %mul3A_154, %reduce_max3A_155 [1] : vector<128x128xf32> to vector<128xf32>
    %broadcast_in_dim3A_157 = vector.shape_cast %reduce_max3A_156 : vector<128xf32> to vector<128x1xf32>
    %sub3A_158 = vector.broadcast %broadcast_in_dim3A_157 : vector<128x1xf32> to vector<128x128xf32>
    %sub3A_159 = arith.subf %mul3A_154, %sub3A_158 : vector<128x128xf32>
    %exp3A_160 = math.exp %sub3A_159 : vector<128x128xf32>
    %reduce_sum3A_161 = arith.constant dense<0.000000e+00> : vector<128xf32>
    %reduce_sum3A_162 = vector.multi_reduction <add>, %exp3A_160, %reduce_sum3A_161 [1] : vector<128x128xf32> to vector<128xf32>
    %broadcast_in_dim3A_163 = vector.shape_cast %reduce_sum3A_162 : vector<128xf32> to vector<128x1xf32>
    %div3A_164 = vector.broadcast %broadcast_in_dim3A_163 : vector<128x1xf32> to vector<128x128xf32>
    %div3A_165 = arith.divf %exp3A_160, %div3A_164 : vector<128x128xf32>
    %slice3A_166 = vector.extract_strided_slice %add3A_29 {offsets = [0, 384], sizes = [128, 64], strides = [1, 1]} : vector<128x768xf32> to vector<128x64xf32>
    %dot_general3A_167 = arith.constant dense<0.000000e+00> : vector<128x64xf32>
    %dot_general3A_168 = tpu.matmul %div3A_165, %slice3A_166, %dot_general3A_167 {dimension_numbers = #tpu.dot_dimension_numbers<[1], [0], [0], [1], [0, 0, 1, 1], [], []>, transpose_lhs_hint = false} : vector<128x128xf32>, vector<128x64xf32>, vector<128x64xf32> -> vector<128x64xf32>
    %slice3A_169 = vector.extract_strided_slice %add3A_9 {offsets = [0, 448], sizes = [128, 64], strides = [1, 1]} : vector<128x768xf32> to vector<128x64xf32>
    %slice3A_170 = vector.extract_strided_slice %add3A_19 {offsets = [0, 448], sizes = [128, 64], strides = [1, 1]} : vector<128x768xf32> to vector<128x64xf32>
    %dot_general3A_171 = arith.constant dense<0.000000e+00> : vector<128x128xf32>
    %dot_general3A_172 = tpu.matmul %slice3A_169, %slice3A_170, %dot_general3A_171 {dimension_numbers = #tpu.dot_dimension_numbers<[1], [1], [0], [0], [0, 0, 1, 0], [], []>, transpose_lhs_hint = false} : vector<128x64xf32>, vector<128x64xf32>, vector<128x128xf32> -> vector<128x128xf32>
    %mul3A_173 = arith.constant 1.250000e-01 : f32
    %mul3A_174 = vector.broadcast %mul3A_173 : f32 to vector<128x128xf32>
    %mul3A_175 = arith.mulf %dot_general3A_172, %mul3A_174 : vector<128x128xf32>
    %reduce_max3A_176 = arith.constant dense<0xFF800000> : vector<128xf32>
    %reduce_max3A_177 = vector.multi_reduction <maximumf>, %mul3A_175, %reduce_max3A_176 [1] : vector<128x128xf32> to vector<128xf32>
    %broadcast_in_dim3A_178 = vector.shape_cast %reduce_max3A_177 : vector<128xf32> to vector<128x1xf32>
    %sub3A_179 = vector.broadcast %broadcast_in_dim3A_178 : vector<128x1xf32> to vector<128x128xf32>
    %sub3A_180 = arith.subf %mul3A_175, %sub3A_179 : vector<128x128xf32>
    %exp3A_181 = math.exp %sub3A_180 : vector<128x128xf32>
    %reduce_sum3A_182 = arith.constant dense<0.000000e+00> : vector<128xf32>
    %reduce_sum3A_183 = vector.multi_reduction <add>, %exp3A_181, %reduce_sum3A_182 [1] : vector<128x128xf32> to vector<128xf32>
    %broadcast_in_dim3A_184 = vector.shape_cast %reduce_sum3A_183 : vector<128xf32> to vector<128x1xf32>
    %div3A_185 = vector.broadcast %broadcast_in_dim3A_184 : vector<128x1xf32> to vector<128x128xf32>
    %div3A_186 = arith.divf %exp3A_181, %div3A_185 : vector<128x128xf32>
    %slice3A_187 = vector.extract_strided_slice %add3A_29 {offsets = [0, 448], sizes = [128, 64], strides = [1, 1]} : vector<128x768xf32> to vector<128x64xf32>
    %dot_general3A_188 = arith.constant dense<0.000000e+00> : vector<128x64xf32>
    %dot_general3A_189 = tpu.matmul %div3A_186, %slice3A_187, %dot_general3A_188 {dimension_numbers = #tpu.dot_dimension_numbers<[1], [0], [0], [1], [0, 0, 1, 1], [], []>, transpose_lhs_hint = false} : vector<128x128xf32>, vector<128x64xf32>, vector<128x64xf32> -> vector<128x64xf32>
    %slice3A_190 = vector.extract_strided_slice %add3A_9 {offsets = [0, 512], sizes = [128, 64], strides = [1, 1]} : vector<128x768xf32> to vector<128x64xf32>
    %slice3A_191 = vector.extract_strided_slice %add3A_19 {offsets = [0, 512], sizes = [128, 64], strides = [1, 1]} : vector<128x768xf32> to vector<128x64xf32>
    %dot_general3A_192 = arith.constant dense<0.000000e+00> : vector<128x128xf32>
    %dot_general3A_193 = tpu.matmul %slice3A_190, %slice3A_191, %dot_general3A_192 {dimension_numbers = #tpu.dot_dimension_numbers<[1], [1], [0], [0], [0, 0, 1, 0], [], []>, transpose_lhs_hint = false} : vector<128x64xf32>, vector<128x64xf32>, vector<128x128xf32> -> vector<128x128xf32>
    %mul3A_194 = arith.constant 1.250000e-01 : f32
    %mul3A_195 = vector.broadcast %mul3A_194 : f32 to vector<128x128xf32>
    %mul3A_196 = arith.mulf %dot_general3A_193, %mul3A_195 : vector<128x128xf32>
    %reduce_max3A_197 = arith.constant dense<0xFF800000> : vector<128xf32>
    %reduce_max3A_198 = vector.multi_reduction <maximumf>, %mul3A_196, %reduce_max3A_197 [1] : vector<128x128xf32> to vector<128xf32>
    %broadcast_in_dim3A_199 = vector.shape_cast %reduce_max3A_198 : vector<128xf32> to vector<128x1xf32>
    %sub3A_200 = vector.broadcast %broadcast_in_dim3A_199 : vector<128x1xf32> to vector<128x128xf32>
    %sub3A_201 = arith.subf %mul3A_196, %sub3A_200 : vector<128x128xf32>
    %exp3A_202 = math.exp %sub3A_201 : vector<128x128xf32>
    %reduce_sum3A_203 = arith.constant dense<0.000000e+00> : vector<128xf32>
    %reduce_sum3A_204 = vector.multi_reduction <add>, %exp3A_202, %reduce_sum3A_203 [1] : vector<128x128xf32> to vector<128xf32>
    %broadcast_in_dim3A_205 = vector.shape_cast %reduce_sum3A_204 : vector<128xf32> to vector<128x1xf32>
    %div3A_206 = vector.broadcast %broadcast_in_dim3A_205 : vector<128x1xf32> to vector<128x128xf32>
    %div3A_207 = arith.divf %exp3A_202, %div3A_206 : vector<128x128xf32>
    %slice3A_208 = vector.extract_strided_slice %add3A_29 {offsets = [0, 512], sizes = [128, 64], strides = [1, 1]} : vector<128x768xf32> to vector<128x64xf32>
    %dot_general3A_209 = arith.constant dense<0.000000e+00> : vector<128x64xf32>
    %dot_general3A_210 = tpu.matmul %div3A_207, %slice3A_208, %dot_general3A_209 {dimension_numbers = #tpu.dot_dimension_numbers<[1], [0], [0], [1], [0, 0, 1, 1], [], []>, transpose_lhs_hint = false} : vector<128x128xf32>, vector<128x64xf32>, vector<128x64xf32> -> vector<128x64xf32>
    %slice3A_211 = vector.extract_strided_slice %add3A_9 {offsets = [0, 576], sizes = [128, 64], strides = [1, 1]} : vector<128x768xf32> to vector<128x64xf32>
    %slice3A_212 = vector.extract_strided_slice %add3A_19 {offsets = [0, 576], sizes = [128, 64], strides = [1, 1]} : vector<128x768xf32> to vector<128x64xf32>
    %dot_general3A_213 = arith.constant dense<0.000000e+00> : vector<128x128xf32>
    %dot_general3A_214 = tpu.matmul %slice3A_211, %slice3A_212, %dot_general3A_213 {dimension_numbers = #tpu.dot_dimension_numbers<[1], [1], [0], [0], [0, 0, 1, 0], [], []>, transpose_lhs_hint = false} : vector<128x64xf32>, vector<128x64xf32>, vector<128x128xf32> -> vector<128x128xf32>
    %mul3A_215 = arith.constant 1.250000e-01 : f32
    %mul3A_216 = vector.broadcast %mul3A_215 : f32 to vector<128x128xf32>
    %mul3A_217 = arith.mulf %dot_general3A_214, %mul3A_216 : vector<128x128xf32>
    %reduce_max3A_218 = arith.constant dense<0xFF800000> : vector<128xf32>
    %reduce_max3A_219 = vector.multi_reduction <maximumf>, %mul3A_217, %reduce_max3A_218 [1] : vector<128x128xf32> to vector<128xf32>
    %broadcast_in_dim3A_220 = vector.shape_cast %reduce_max3A_219 : vector<128xf32> to vector<128x1xf32>
    %sub3A_221 = vector.broadcast %broadcast_in_dim3A_220 : vector<128x1xf32> to vector<128x128xf32>
    %sub3A_222 = arith.subf %mul3A_217, %sub3A_221 : vector<128x128xf32>
    %exp3A_223 = math.exp %sub3A_222 : vector<128x128xf32>
    %reduce_sum3A_224 = arith.constant dense<0.000000e+00> : vector<128xf32>
    %reduce_sum3A_225 = vector.multi_reduction <add>, %exp3A_223, %reduce_sum3A_224 [1] : vector<128x128xf32> to vector<128xf32>
    %broadcast_in_dim3A_226 = vector.shape_cast %reduce_sum3A_225 : vector<128xf32> to vector<128x1xf32>
    %div3A_227 = vector.broadcast %broadcast_in_dim3A_226 : vector<128x1xf32> to vector<128x128xf32>
    %div3A_228 = arith.divf %exp3A_223, %div3A_227 : vector<128x128xf32>
    %slice3A_229 = vector.extract_strided_slice %add3A_29 {offsets = [0, 576], sizes = [128, 64], strides = [1, 1]} : vector<128x768xf32> to vector<128x64xf32>
    %dot_general3A_230 = arith.constant dense<0.000000e+00> : vector<128x64xf32>
    %dot_general3A_231 = tpu.matmul %div3A_228, %slice3A_229, %dot_general3A_230 {dimension_numbers = #tpu.dot_dimension_numbers<[1], [0], [0], [1], [0, 0, 1, 1], [], []>, transpose_lhs_hint = false} : vector<128x128xf32>, vector<128x64xf32>, vector<128x64xf32> -> vector<128x64xf32>
    %slice3A_232 = vector.extract_strided_slice %add3A_9 {offsets = [0, 640], sizes = [128, 64], strides = [1, 1]} : vector<128x768xf32> to vector<128x64xf32>
    %slice3A_233 = vector.extract_strided_slice %add3A_19 {offsets = [0, 640], sizes = [128, 64], strides = [1, 1]} : vector<128x768xf32> to vector<128x64xf32>
    %dot_general3A_234 = arith.constant dense<0.000000e+00> : vector<128x128xf32>
    %dot_general3A_235 = tpu.matmul %slice3A_232, %slice3A_233, %dot_general3A_234 {dimension_numbers = #tpu.dot_dimension_numbers<[1], [1], [0], [0], [0, 0, 1, 0], [], []>, transpose_lhs_hint = false} : vector<128x64xf32>, vector<128x64xf32>, vector<128x128xf32> -> vector<128x128xf32>
    %mul3A_236 = arith.constant 1.250000e-01 : f32
    %mul3A_237 = vector.broadcast %mul3A_236 : f32 to vector<128x128xf32>
    %mul3A_238 = arith.mulf %dot_general3A_235, %mul3A_237 : vector<128x128xf32>
    %reduce_max3A_239 = arith.constant dense<0xFF800000> : vector<128xf32>
    %reduce_max3A_240 = vector.multi_reduction <maximumf>, %mul3A_238, %reduce_max3A_239 [1] : vector<128x128xf32> to vector<128xf32>
    %broadcast_in_dim3A_241 = vector.shape_cast %reduce_max3A_240 : vector<128xf32> to vector<128x1xf32>
    %sub3A_242 = vector.broadcast %broadcast_in_dim3A_241 : vector<128x1xf32> to vector<128x128xf32>
    %sub3A_243 = arith.subf %mul3A_238, %sub3A_242 : vector<128x128xf32>
    %exp3A_244 = math.exp %sub3A_243 : vector<128x128xf32>
    %reduce_sum3A_245 = arith.constant dense<0.000000e+00> : vector<128xf32>
    %reduce_sum3A_246 = vector.multi_reduction <add>, %exp3A_244, %reduce_sum3A_245 [1] : vector<128x128xf32> to vector<128xf32>
    %broadcast_in_dim3A_247 = vector.shape_cast %reduce_sum3A_246 : vector<128xf32> to vector<128x1xf32>
    %div3A_248 = vector.broadcast %broadcast_in_dim3A_247 : vector<128x1xf32> to vector<128x128xf32>
    %div3A_249 = arith.divf %exp3A_244, %div3A_248 : vector<128x128xf32>
    %slice3A_250 = vector.extract_strided_slice %add3A_29 {offsets = [0, 640], sizes = [128, 64], strides = [1, 1]} : vector<128x768xf32> to vector<128x64xf32>
    %dot_general3A_251 = arith.constant dense<0.000000e+00> : vector<128x64xf32>
    %dot_general3A_252 = tpu.matmul %div3A_249, %slice3A_250, %dot_general3A_251 {dimension_numbers = #tpu.dot_dimension_numbers<[1], [0], [0], [1], [0, 0, 1, 1], [], []>, transpose_lhs_hint = false} : vector<128x128xf32>, vector<128x64xf32>, vector<128x64xf32> -> vector<128x64xf32>
    %slice3A_253 = vector.extract_strided_slice %add3A_9 {offsets = [0, 704], sizes = [128, 64], strides = [1, 1]} : vector<128x768xf32> to vector<128x64xf32>
    %slice3A_254 = vector.extract_strided_slice %add3A_19 {offsets = [0, 704], sizes = [128, 64], strides = [1, 1]} : vector<128x768xf32> to vector<128x64xf32>
    %dot_general3A_255 = arith.constant dense<0.000000e+00> : vector<128x128xf32>
    %dot_general3A_256 = tpu.matmul %slice3A_253, %slice3A_254, %dot_general3A_255 {dimension_numbers = #tpu.dot_dimension_numbers<[1], [1], [0], [0], [0, 0, 1, 0], [], []>, transpose_lhs_hint = false} : vector<128x64xf32>, vector<128x64xf32>, vector<128x128xf32> -> vector<128x128xf32>
    %mul3A_257 = arith.constant 1.250000e-01 : f32
    %mul3A_258 = vector.broadcast %mul3A_257 : f32 to vector<128x128xf32>
    %mul3A_259 = arith.mulf %dot_general3A_256, %mul3A_258 : vector<128x128xf32>
    %reduce_max3A_260 = arith.constant dense<0xFF800000> : vector<128xf32>
    %reduce_max3A_261 = vector.multi_reduction <maximumf>, %mul3A_259, %reduce_max3A_260 [1] : vector<128x128xf32> to vector<128xf32>
    %broadcast_in_dim3A_262 = vector.shape_cast %reduce_max3A_261 : vector<128xf32> to vector<128x1xf32>
    %sub3A_263 = vector.broadcast %broadcast_in_dim3A_262 : vector<128x1xf32> to vector<128x128xf32>
    %sub3A_264 = arith.subf %mul3A_259, %sub3A_263 : vector<128x128xf32>
    %exp3A_265 = math.exp %sub3A_264 : vector<128x128xf32>
    %reduce_sum3A_266 = arith.constant dense<0.000000e+00> : vector<128xf32>
    %reduce_sum3A_267 = vector.multi_reduction <add>, %exp3A_265, %reduce_sum3A_266 [1] : vector<128x128xf32> to vector<128xf32>
    %broadcast_in_dim3A_268 = vector.shape_cast %reduce_sum3A_267 : vector<128xf32> to vector<128x1xf32>
    %div3A_269 = vector.broadcast %broadcast_in_dim3A_268 : vector<128x1xf32> to vector<128x128xf32>
    %div3A_270 = arith.divf %exp3A_265, %div3A_269 : vector<128x128xf32>
    %slice3A_271 = vector.extract_strided_slice %add3A_29 {offsets = [0, 704], sizes = [128, 64], strides = [1, 1]} : vector<128x768xf32> to vector<128x64xf32>
    %dot_general3A_272 = arith.constant dense<0.000000e+00> : vector<128x64xf32>
    %dot_general3A_273 = tpu.matmul %div3A_270, %slice3A_271, %dot_general3A_272 {dimension_numbers = #tpu.dot_dimension_numbers<[1], [0], [0], [1], [0, 0, 1, 1], [], []>, transpose_lhs_hint = false} : vector<128x128xf32>, vector<128x64xf32>, vector<128x64xf32> -> vector<128x64xf32>
    %concatenate3A = tpu.concatenate %dot_general3A_42, %dot_general3A_63, %dot_general3A_84, %dot_general3A_105, %dot_general3A_126, %dot_general3A_147, %dot_general3A_168, %dot_general3A_189, %dot_general3A_210, %dot_general3A_231, %dot_general3A_252, %dot_general3A_273 in 1 : vector<128x64xf32>, vector<128x64xf32>, vector<128x64xf32>, vector<128x64xf32>, vector<128x64xf32>, vector<128x64xf32>, vector<128x64xf32>, vector<128x64xf32>, vector<128x64xf32>, vector<128x64xf32>, vector<128x64xf32>, vector<128x64xf32> -> vector<128x768xf32>
    %get3A_274 = arith.constant 0 : index
    %get3A_275 = arith.constant 0 : index
    %get3A_276 = vector.load %arg8[%get3A_274, %get3A_275] : memref<768x768xf32, #tpu.memory_space<vmem>>, vector<768x768xf32>
    %dot_general3A_277 = arith.constant dense<0.000000e+00> : vector<128x768xf32>
    %dot_general3A_278 = tpu.matmul %concatenate3A, %get3A_276, %dot_general3A_277 {dimension_numbers = #tpu.dot_dimension_numbers<[1], [0], [0], [1], [0, 0, 1, 1], [], []>, transpose_lhs_hint = false} : vector<128x768xf32>, vector<768x768xf32>, vector<128x768xf32> -> vector<128x768xf32>
    %get3A_279 = arith.constant 0 : index
    %get3A_280 = arith.constant 0 : index
    %get3A_281 = vector.load %arg9[%get3A_279, %get3A_280] : memref<1x768xf32, #tpu.memory_space<vmem>>, vector<1x768xf32>
    %add3A_282 = vector.broadcast %get3A_281 : vector<1x768xf32> to vector<128x768xf32>
    %add3A_283 = arith.addf %dot_general3A_278, %add3A_282 : vector<128x768xf32>
    %add3A_284 = arith.addf %add3A_283, %get3A_1 : vector<128x768xf32>
    %reduce_sum3A_285 = arith.constant dense<0.000000e+00> : vector<128xf32>
    %reduce_sum3A_286 = vector.multi_reduction <add>, %add3A_284, %reduce_sum3A_285 [1] : vector<128x768xf32> to vector<128xf32>
    %broadcast_in_dim3A_287 = vector.shape_cast %reduce_sum3A_286 : vector<128xf32> to vector<128x1xf32>
    %div3A_288 = arith.constant 7.680000e+02 : f32
    %div3A_289 = vector.broadcast %div3A_288 : f32 to vector<128x1xf32>
    %div3A_290 = arith.divf %broadcast_in_dim3A_287, %div3A_289 : vector<128x1xf32>
    %sub3A_291 = vector.broadcast %div3A_290 : vector<128x1xf32> to vector<128x768xf32>
    %sub3A_292 = arith.subf %add3A_284, %sub3A_291 : vector<128x768xf32>
    %sub3A_293 = vector.broadcast %div3A_290 : vector<128x1xf32> to vector<128x768xf32>
    %sub3A_294 = arith.subf %add3A_284, %sub3A_293 : vector<128x768xf32>
    %mul3A_295 = arith.mulf %sub3A_292, %sub3A_294 : vector<128x768xf32>
    %reduce_sum3A_296 = arith.constant dense<0.000000e+00> : vector<128xf32>
    %reduce_sum3A_297 = vector.multi_reduction <add>, %mul3A_295, %reduce_sum3A_296 [1] : vector<128x768xf32> to vector<128xf32>
    %broadcast_in_dim3A_298 = vector.shape_cast %reduce_sum3A_297 : vector<128xf32> to vector<128x1xf32>
    %div3A_299 = arith.constant 7.680000e+02 : f32
    %div3A_300 = vector.broadcast %div3A_299 : f32 to vector<128x1xf32>
    %div3A_301 = arith.divf %broadcast_in_dim3A_298, %div3A_300 : vector<128x1xf32>
    %sub3A_302 = vector.broadcast %div3A_290 : vector<128x1xf32> to vector<128x768xf32>
    %sub3A_303 = arith.subf %add3A_284, %sub3A_302 : vector<128x768xf32>
    %add3A_304 = arith.constant 9.99999974E-6 : f32
    %add3A_305 = vector.broadcast %add3A_304 : f32 to vector<128x1xf32>
    %add3A_306 = arith.addf %div3A_301, %add3A_305 : vector<128x1xf32>
    %sqrt3A = math.sqrt %add3A_306 : vector<128x1xf32>
    %div3A_307 = vector.broadcast %sqrt3A : vector<128x1xf32> to vector<128x768xf32>
    %div3A_308 = arith.divf %sub3A_303, %div3A_307 : vector<128x768xf32>
    %get3A_309 = arith.constant 0 : index
    %get3A_310 = arith.constant 0 : index
    %get3A_311 = vector.load %arg10[%get3A_309, %get3A_310] : memref<1x768xf32, #tpu.memory_space<vmem>>, vector<1x768xf32>
    %mul3A_312 = vector.broadcast %get3A_311 : vector<1x768xf32> to vector<128x768xf32>
    %mul3A_313 = arith.mulf %div3A_308, %mul3A_312 : vector<128x768xf32>
    %get3A_314 = arith.constant 0 : index
    %get3A_315 = arith.constant 0 : index
    %get3A_316 = vector.load %arg11[%get3A_314, %get3A_315] : memref<1x768xf32, #tpu.memory_space<vmem>>, vector<1x768xf32>
    %add3A_317 = vector.broadcast %get3A_316 : vector<1x768xf32> to vector<128x768xf32>
    %add3A_318 = arith.addf %mul3A_313, %add3A_317 : vector<128x768xf32>
    %swap3A = arith.constant 0 : index
    %swap3A_319 = arith.constant 0 : index
    %swap3A_320 = vector.load %arg12[%swap3A, %swap3A_319] : memref<128x768xf32, #tpu.memory_space<vmem>>, vector<128x768xf32>
    tpu.vector_store %arg12[%swap3A, %swap3A_319], %add3A_318 {strides = array<i32>} : memref<128x768xf32, #tpu.memory_space<vmem>>, vector<128x768xf32>,
    return
  }
  func.func @transform_0(%arg0: i32) -> (i32, i32) {
    %c0_i32 = arith.constant 0 : i32
    %c0_i32_0 = arith.constant 0 : i32
    return %arg0, %c0_i32 : i32, i32
  }
  func.func @transform_1(%arg0: i32) -> (i32, i32) {
    %c0_i32 = arith.constant 0 : i32
    %c0_i32_0 = arith.constant 0 : i32
    %c0_i32_1 = arith.constant 0 : i32
    return %c0_i32, %c0_i32_0 : i32, i32
  }
  func.func @transform_2(%arg0: i32) -> (i32, i32) {
    %c0_i32 = arith.constant 0 : i32
    %c0_i32_0 = arith.constant 0 : i32
    %c0_i32_1 = arith.constant 0 : i32
    return %c0_i32, %c0_i32_0 : i32, i32
  }
  func.func @transform_3(%arg0: i32) -> (i32, i32) {
    %c0_i32 = arith.constant 0 : i32
    %c0_i32_0 = arith.constant 0 : i32
    %c0_i32_1 = arith.constant 0 : i32
    return %c0_i32, %c0_i32_0 : i32, i32
  }
  func.func @transform_4(%arg0: i32) -> (i32, i32) {
    %c0_i32 = arith.constant 0 : i32
    %c0_i32_0 = arith.constant 0 : i32
    %c0_i32_1 = arith.constant 0 : i32
    return %c0_i32, %c0_i32_0 : i32, i32
  }
  func.func @transform_5(%arg0: i32) -> (i32, i32) {
    %c0_i32 = arith.constant 0 : i32
    %c0_i32_0 = arith.constant 0 : i32
    %c0_i32_1 = arith.constant 0 : i32
    return %c0_i32, %c0_i32_0 : i32, i32
  }
  func.func @transform_6(%arg0: i32) -> (i32, i32) {
    %c0_i32 = arith.constant 0 : i32
    %c0_i32_0 = arith.constant 0 : i32
    %c0_i32_1 = arith.constant 0 : i32
    return %c0_i32, %c0_i32_0 : i32, i32
  }
  func.func @transform_7(%arg0: i32) -> (i32, i32) {
    %c0_i32 = arith.constant 0 : i32
    %c0_i32_0 = arith.constant 0 : i32
    %c0_i32_1 = arith.constant 0 : i32
    return %c0_i32, %c0_i32_0 : i32, i32
  }
  func.func @transform_8(%arg0: i32) -> (i32, i32) {
    %c0_i32 = arith.constant 0 : i32
    %c0_i32_0 = arith.constant 0 : i32
    %c0_i32_1 = arith.constant 0 : i32
    return %c0_i32, %c0_i32_0 : i32, i32
  }
  func.func @transform_9(%arg0: i32) -> (i32, i32) {
    %c0_i32 = arith.constant 0 : i32
    %c0_i32_0 = arith.constant 0 : i32
    %c0_i32_1 = arith.constant 0 : i32
    return %c0_i32, %c0_i32_0 : i32, i32
  }
  func.func @transform_10(%arg0: i32) -> (i32, i32) {
    %c0_i32 = arith.constant 0 : i32
    %c0_i32_0 = arith.constant 0 : i32
    %c0_i32_1 = arith.constant 0 : i32
    return %c0_i32, %c0_i32_0 : i32, i32
  }
  func.func @transform_11(%arg0: i32) -> (i32, i32) {
    %c0_i32 = arith.constant 0 : i32
    %c0_i32_0 = arith.constant 0 : i32
    return %arg0, %c0_i32 : i32, i32
  }
}

module attributes {stable_mosaic.version = 14 : i64} {
  func.func @_routepos_kernel(%arg0: i32, %arg1: memref<2048x768xf32, #tpu.memory_space<vmem>>, %arg2: memref<768x8xf32, #tpu.memory_space<vmem>>, %arg3: memref<2048x2xf32, #tpu.memory_space<vmem>>, %arg4: memref<1x4096xi32, #tpu.memory_space<vmem>>, %arg5: memref<1x40xi32, #tpu.memory_space<vmem>>, %arg6: memref<1x8xf32, #tpu.memory_space<vmem>>, %arg7: memref<1x8xf32, #tpu.memory_space<vmem>>, %arg8: memref<2048x8xf32, #tpu.memory_space<vmem>>, %arg9: memref<2048x8xf32, #tpu.memory_space<vmem>>) attributes {dimension_semantics = [#tpu.dimension_semantics<arbitrary>], iteration_bounds = array<i64: 1>, scalar_prefetch = 0 : i64, scratch_operands = 2 : i64, tpu.core_type = #tpu.core_type<tc>, window_params = [{pipeline_mode = #tpu.pipeline_mode<synchronous>, transform_indices = @transform_0, window_bounds = array<i64: 2048, 768>}, {pipeline_mode = #tpu.pipeline_mode<synchronous>, transform_indices = @transform_1, window_bounds = array<i64: 768, 8>}, {pipeline_mode = #tpu.pipeline_mode<synchronous>, transform_indices = @transform_2, window_bounds = array<i64: 2048, 2>}, {pipeline_mode = #tpu.pipeline_mode<synchronous>, transform_indices = @transform_3, window_bounds = array<i64: 1, 4096>}, {pipeline_mode = #tpu.pipeline_mode<synchronous>, transform_indices = @transform_4, window_bounds = array<i64: 1, 40>}, {pipeline_mode = #tpu.pipeline_mode<synchronous>, transform_indices = @transform_5, window_bounds = array<i64: 1, 8>}, {pipeline_mode = #tpu.pipeline_mode<synchronous>, transform_indices = @transform_6, window_bounds = array<i64: 1, 8>}]} {
    %get3A = arith.constant 0 : index
    %get3A_0 = arith.constant 0 : index
    %get3A_1 = vector.load %arg1[%get3A, %get3A_0] : memref<2048x768xf32, #tpu.memory_space<vmem>>, vector<2048x768xf32>
    %get3A_2 = arith.constant 0 : index
    %get3A_3 = arith.constant 0 : index
    %get3A_4 = vector.load %arg2[%get3A_2, %get3A_3] : memref<768x8xf32, #tpu.memory_space<vmem>>, vector<768x8xf32>
    %dot_general3A = arith.constant dense<0.000000e+00> : vector<2048x8xf32>
    %dot_general3A_5 = tpu.matmul %get3A_1, %get3A_4, %dot_general3A {dimension_numbers = #tpu.dot_dimension_numbers<[1], [0], [0], [1], [0, 0, 1, 1], [], []>, transpose_lhs_hint = false} : vector<2048x768xf32>, vector<768x8xf32>, vector<2048x8xf32> -> vector<2048x8xf32>
    %iota3A = tpu.iota {dimensions = array<i32: 1>} : vector<2048x8xi32>
    %reduce_max3A = arith.constant dense<0xFF800000> : vector<2048xf32>
    %reduce_max3A_6 = vector.multi_reduction <maximumf>, %dot_general3A_5, %reduce_max3A [1] : vector<2048x8xf32> to vector<2048xf32>
    %broadcast_in_dim3A = vector.shape_cast %reduce_max3A_6 : vector<2048xf32> to vector<2048x1xf32>
    %eq3A = vector.broadcast %broadcast_in_dim3A : vector<2048x1xf32> to vector<2048x8xf32>
    %eq3A_7 = arith.cmpf oeq, %dot_general3A_5, %eq3A : vector<2048x8xf32>
    %jit3A = arith.constant 8 : i32
    %broadcast_in_dim3A_8 = vector.broadcast %jit3A : i32 to vector<2048x8xi32>
    %select_n3A = arith.select %eq3A_7, %iota3A, %broadcast_in_dim3A_8 : vector<2048x8xi1>, vector<2048x8xi32>
    %reduce_min3A = arith.constant dense<2147483647> : vector<2048xi32>
    %reduce_min3A_9 = vector.multi_reduction <minsi>, %select_n3A, %reduce_min3A [1] : vector<2048x8xi32> to vector<2048xi32>
    %broadcast_in_dim3A_10 = vector.shape_cast %reduce_min3A_9 : vector<2048xi32> to vector<2048x1xi32>
    %eq3A_11 = vector.broadcast %broadcast_in_dim3A_10 : vector<2048x1xi32> to vector<2048x8xi32>
    %eq3A_12 = arith.cmpi eq, %iota3A, %eq3A_11 : vector<2048x8xi32>
    %convert_element_type3A = arith.extui %eq3A_12 : vector<2048x8xi1> to vector<2048x8xi32>
    %convert_element_type3A_13 = arith.sitofp %convert_element_type3A : vector<2048x8xi32> to vector<2048x8xf32>
    %eq3A_14 = vector.broadcast %broadcast_in_dim3A_10 : vector<2048x1xi32> to vector<2048x8xi32>
    %eq3A_15 = arith.cmpi eq, %iota3A, %eq3A_14 : vector<2048x8xi32>
    %jit3A_16 = arith.constant 0xFF800000 : f32
    %broadcast_in_dim3A_17 = vector.broadcast %jit3A_16 : f32 to vector<2048x8xf32>
    %select_n3A_18 = arith.select %eq3A_15, %broadcast_in_dim3A_17, %dot_general3A_5 : vector<2048x8xi1>, vector<2048x8xf32>
    %reduce_max3A_19 = arith.constant dense<0xFF800000> : vector<2048xf32>
    %reduce_max3A_20 = vector.multi_reduction <maximumf>, %select_n3A_18, %reduce_max3A_19 [1] : vector<2048x8xf32> to vector<2048xf32>
    %broadcast_in_dim3A_21 = vector.shape_cast %reduce_max3A_20 : vector<2048xf32> to vector<2048x1xf32>
    %eq3A_22 = vector.broadcast %broadcast_in_dim3A_21 : vector<2048x1xf32> to vector<2048x8xf32>
    %eq3A_23 = arith.cmpf oeq, %select_n3A_18, %eq3A_22 : vector<2048x8xf32>
    %jit3A_24 = arith.constant 8 : i32
    %broadcast_in_dim3A_25 = vector.broadcast %jit3A_24 : i32 to vector<2048x8xi32>
    %select_n3A_26 = arith.select %eq3A_23, %iota3A, %broadcast_in_dim3A_25 : vector<2048x8xi1>, vector<2048x8xi32>
    %reduce_min3A_27 = arith.constant dense<2147483647> : vector<2048xi32>
    %reduce_min3A_28 = vector.multi_reduction <minsi>, %select_n3A_26, %reduce_min3A_27 [1] : vector<2048x8xi32> to vector<2048xi32>
    %broadcast_in_dim3A_29 = vector.shape_cast %reduce_min3A_28 : vector<2048xi32> to vector<2048x1xi32>
    %eq3A_30 = vector.broadcast %broadcast_in_dim3A_29 : vector<2048x1xi32> to vector<2048x8xi32>
    %eq3A_31 = arith.cmpi eq, %iota3A, %eq3A_30 : vector<2048x8xi32>
    %convert_element_type3A_32 = arith.extui %eq3A_31 : vector<2048x8xi1> to vector<2048x8xi32>
    %convert_element_type3A_33 = arith.sitofp %convert_element_type3A_32 : vector<2048x8xi32> to vector<2048x8xf32>
    %sub3A = arith.subf %broadcast_in_dim3A_21, %broadcast_in_dim3A : vector<2048x1xf32>
    %exp3A = math.exp %sub3A : vector<2048x1xf32>
    %add3A = arith.constant 1.000000e+00 : f32
    %add3A_34 = vector.broadcast %add3A : f32 to vector<2048x1xf32>
    %add3A_35 = arith.addf %add3A_34, %exp3A : vector<2048x1xf32>
    %div3A = arith.constant 1.000000e+00 : f32
    %div3A_36 = vector.broadcast %div3A : f32 to vector<2048x1xf32>
    %div3A_37 = arith.divf %div3A_36, %add3A_35 : vector<2048x1xf32>
    %div3A_38 = arith.divf %exp3A, %add3A_35 : vector<2048x1xf32>
    %concatenate3A = tpu.concatenate %div3A_37, %div3A_38 in 1 : vector<2048x1xf32>, vector<2048x1xf32> -> vector<2048x2xf32>
    %swap3A = arith.constant 0 : index
    %swap3A_39 = arith.constant 0 : index
    %swap3A_40 = vector.load %arg3[%swap3A, %swap3A_39] : memref<2048x2xf32, #tpu.memory_space<vmem>>, vector<2048x2xf32>
    tpu.vector_store %arg3[%swap3A, %swap3A_39], %concatenate3A {strides = array<i32>} : memref<2048x2xf32, #tpu.memory_space<vmem>>, vector<2048x2xf32>,
    %swap3A_41 = arith.constant 0 : index
    %swap3A_42 = arith.constant 0 : index
    %swap3A_43 = vector.load %arg8[%swap3A_41, %swap3A_42] : memref<2048x8xf32, #tpu.memory_space<vmem>>, vector<2048x8xf32>
    tpu.vector_store %arg8[%swap3A_41, %swap3A_42], %convert_element_type3A_13 {strides = array<i32>} : memref<2048x8xf32, #tpu.memory_space<vmem>>, vector<2048x8xf32>,
    %swap3A_44 = arith.constant 0 : index
    %swap3A_45 = arith.constant 0 : index
    %swap3A_46 = vector.load %arg9[%swap3A_44, %swap3A_45] : memref<2048x8xf32, #tpu.memory_space<vmem>>, vector<2048x8xf32>
    tpu.vector_store %arg9[%swap3A_44, %swap3A_45], %convert_element_type3A_33 {strides = array<i32>} : memref<2048x8xf32, #tpu.memory_space<vmem>>, vector<2048x8xf32>,
    %mul3A = vector.broadcast %div3A_37 : vector<2048x1xf32> to vector<2048x8xf32>
    %mul3A_47 = arith.mulf %convert_element_type3A_13, %mul3A : vector<2048x8xf32>
    %mul3A_48 = vector.broadcast %div3A_38 : vector<2048x1xf32> to vector<2048x8xf32>
    %mul3A_49 = arith.mulf %convert_element_type3A_33, %mul3A_48 : vector<2048x8xf32>
    %add3A_50 = arith.addf %mul3A_47, %mul3A_49 : vector<2048x8xf32>
    %reduce_sum3A = arith.constant dense<0.000000e+00> : vector<8xf32>
    %reduce_sum3A_51 = vector.multi_reduction <add>, %add3A_50, %reduce_sum3A [0] : vector<2048x8xf32> to vector<8xf32>
    %broadcast_in_dim3A_52 = vector.shape_cast %reduce_sum3A_51 : vector<8xf32> to vector<1x8xf32>
    %swap3A_53 = arith.constant 0 : index
    %swap3A_54 = arith.constant 0 : index
    %swap3A_55 = vector.load %arg6[%swap3A_53, %swap3A_54] : memref<1x8xf32, #tpu.memory_space<vmem>>, vector<1x8xf32>
    tpu.vector_store %arg6[%swap3A_53, %swap3A_54], %broadcast_in_dim3A_52 {strides = array<i32>} : memref<1x8xf32, #tpu.memory_space<vmem>>, vector<1x8xf32>,
    %reduce_sum3A_56 = arith.constant dense<0.000000e+00> : vector<8xf32>
    %reduce_sum3A_57 = vector.multi_reduction <add>, %convert_element_type3A_13, %reduce_sum3A_56 [0] : vector<2048x8xf32> to vector<8xf32>
    %broadcast_in_dim3A_58 = vector.shape_cast %reduce_sum3A_57 : vector<8xf32> to vector<1x8xf32>
    %reduce_sum3A_59 = arith.constant dense<0.000000e+00> : vector<8xf32>
    %reduce_sum3A_60 = vector.multi_reduction <add>, %convert_element_type3A_33, %reduce_sum3A_59 [0] : vector<2048x8xf32> to vector<8xf32>
    %broadcast_in_dim3A_61 = vector.shape_cast %reduce_sum3A_60 : vector<8xf32> to vector<1x8xf32>
    %add3A_62 = arith.addf %broadcast_in_dim3A_58, %broadcast_in_dim3A_61 : vector<1x8xf32>
    %swap3A_63 = arith.constant 0 : index
    %swap3A_64 = arith.constant 0 : index
    %swap3A_65 = vector.load %arg7[%swap3A_63, %swap3A_64] : memref<1x8xf32, #tpu.memory_space<vmem>>, vector<1x8xf32>
    tpu.vector_store %arg7[%swap3A_63, %swap3A_64], %add3A_62 {strides = array<i32>} : memref<1x8xf32, #tpu.memory_space<vmem>>, vector<1x8xf32>,
    %mul3A_66 = arith.constant 7.812500e-03 : f32
    %mul3A_67 = vector.broadcast %mul3A_66 : f32 to vector<1x8xf32>
    %mul3A_68 = arith.mulf %add3A_62, %mul3A_67 : vector<1x8xf32>
    %ceil3A = math.ceil %mul3A_68 : vector<1x8xf32>
    %mul3A_69 = arith.constant 1.280000e+02 : f32
    %mul3A_70 = vector.broadcast %mul3A_69 : f32 to vector<1x8xf32>
    %mul3A_71 = arith.mulf %ceil3A, %mul3A_70 : vector<1x8xf32>
    %iota3A_72 = tpu.iota {dimensions = array<i32: 0>} : vector<8x8xi32>
    %iota3A_73 = tpu.iota {dimensions = array<i32: 1>} : vector<8x8xi32>
    %lt3A = arith.cmpi slt, %iota3A_72, %iota3A_73 : vector<8x8xi32>
    %convert_element_type3A_74 = arith.extui %lt3A : vector<8x8xi1> to vector<8x8xi32>
    %convert_element_type3A_75 = arith.sitofp %convert_element_type3A_74 : vector<8x8xi32> to vector<8x8xf32>
    %dot_general3A_76 = arith.constant dense<0.000000e+00> : vector<1x8xf32>
    %dot_general3A_77 = tpu.matmul %mul3A_71, %convert_element_type3A_75, %dot_general3A_76 {dimension_numbers = #tpu.dot_dimension_numbers<[1], [0], [0], [1], [0, 0, 1, 1], [], []>, transpose_lhs_hint = false} : vector<1x8xf32>, vector<8x8xf32>, vector<1x8xf32> -> vector<1x8xf32>
    %iota3A_78 = tpu.iota {dimensions = array<i32: 1>} : vector<128x128xi32>
    %iota3A_79 = tpu.iota {dimensions = array<i32: 0>} : vector<128x128xi32>
    %lt3A_80 = arith.cmpi slt, %iota3A_78, %iota3A_79 : vector<128x128xi32>
    %convert_element_type3A_81 = arith.extui %lt3A_80 : vector<128x128xi1> to vector<128x128xi32>
    %convert_element_type3A_82 = arith.sitofp %convert_element_type3A_81 : vector<128x128xi32> to vector<128x128xf32>
    %broadcast_in_dim3A_83 = arith.constant 0.000000e+00 : f32
    %broadcast_in_dim3A_84 = vector.broadcast %broadcast_in_dim3A_83 : f32 to vector<1x8xf32>
    %scan3A = arith.constant 0 : i32
    %scan3A_85 = arith.constant 16 : i32
    %scan3A_86 = arith.addi %scan3A, %scan3A_85 : i32
    %scan3A_87 = arith.constant 1 : i32
    %scan3A_88:2 = scf.for %scan3A_106 = %scan3A to %scan3A_86 step %scan3A_87 iter_args(%scan3A_107 = %broadcast_in_dim3A_84, %scan3A_108 = %broadcast_in_dim3A_58) -> (vector<1x8xf32>, vector<1x8xf32>)  : i32 {
      %mul3A_109 = arith.constant 128 : i32
      %mul3A_110 = arith.muli %scan3A_106, %mul3A_109 : i32
      %get3A_111 = arith.index_cast %mul3A_110 : i32 to index
      %get3A_112 = arith.constant 0 : index
      %get3A_113 = vector.load %arg8[%get3A_111, %get3A_112] : memref<2048x8xf32, #tpu.memory_space<vmem>>, vector<128x8xf32>
      %mul3A_114 = arith.constant 128 : i32
      %mul3A_115 = arith.muli %scan3A_106, %mul3A_114 : i32
      %get3A_116 = arith.index_cast %mul3A_115 : i32 to index
      %get3A_117 = arith.constant 0 : index
      %get3A_118 = vector.load %arg9[%get3A_116, %get3A_117] : memref<2048x8xf32, #tpu.memory_space<vmem>>, vector<128x8xf32>
      %dot_general3A_119 = arith.constant dense<0.000000e+00> : vector<128x8xf32>
      %dot_general3A_120 = tpu.matmul %convert_element_type3A_82, %get3A_113, %dot_general3A_119 {dimension_numbers = #tpu.dot_dimension_numbers<[1], [0], [0], [1], [0, 0, 1, 1], [], []>, transpose_lhs_hint = false} : vector<128x128xf32>, vector<128x8xf32>, vector<128x8xf32> -> vector<128x8xf32>
      %add3A_121 = vector.broadcast %scan3A_107 : vector<1x8xf32> to vector<128x8xf32>
      %add3A_122 = arith.addf %dot_general3A_120, %add3A_121 : vector<128x8xf32>
      %dot_general3A_123 = arith.constant dense<0.000000e+00> : vector<128x8xf32>
      %dot_general3A_124 = tpu.matmul %convert_element_type3A_82, %get3A_118, %dot_general3A_123 {dimension_numbers = #tpu.dot_dimension_numbers<[1], [0], [0], [1], [0, 0, 1, 1], [], []>, transpose_lhs_hint = false} : vector<128x128xf32>, vector<128x8xf32>, vector<128x8xf32> -> vector<128x8xf32>
      %add3A_125 = vector.broadcast %scan3A_108 : vector<1x8xf32> to vector<128x8xf32>
      %add3A_126 = arith.addf %dot_general3A_124, %add3A_125 : vector<128x8xf32>
      %add3A_127 = vector.broadcast %dot_general3A_77 : vector<1x8xf32> to vector<128x8xf32>
      %add3A_128 = arith.addf %add3A_122, %add3A_127 : vector<128x8xf32>
      %mul3A_129 = arith.mulf %get3A_113, %add3A_128 : vector<128x8xf32>
      %reduce_sum3A_130 = arith.constant dense<0.000000e+00> : vector<128xf32>
      %reduce_sum3A_131 = vector.multi_reduction <add>, %mul3A_129, %reduce_sum3A_130 [1] : vector<128x8xf32> to vector<128xf32>
      %broadcast_in_dim3A_132 = vector.shape_cast %reduce_sum3A_131 : vector<128xf32> to vector<128x1xf32>
      %add3A_133 = vector.broadcast %dot_general3A_77 : vector<1x8xf32> to vector<128x8xf32>
      %add3A_134 = arith.addf %add3A_126, %add3A_133 : vector<128x8xf32>
      %mul3A_135 = arith.mulf %get3A_118, %add3A_134 : vector<128x8xf32>
      %reduce_sum3A_136 = arith.constant dense<0.000000e+00> : vector<128xf32>
      %reduce_sum3A_137 = vector.multi_reduction <add>, %mul3A_135, %reduce_sum3A_136 [1] : vector<128x8xf32> to vector<128xf32>
      %broadcast_in_dim3A_138 = vector.shape_cast %reduce_sum3A_137 : vector<128xf32> to vector<128x1xf32>
      %convert_element_type3A_139 = arith.fptosi %broadcast_in_dim3A_132 : vector<128x1xf32> to vector<128x1xi32>
      %reshape3A_140 = vector.shape_cast %convert_element_type3A_139 : vector<128x1xi32> to vector<1x128xi32>
      %mul3A_141 = arith.constant 128 : i32
      %mul3A_142 = arith.muli %scan3A_106, %mul3A_141 : i32
      %swap3A_143 = arith.constant 0 : index
      %swap3A_144 = arith.index_cast %mul3A_142 : i32 to index
      %swap3A_145 = vector.load %arg4[%swap3A_143, %swap3A_144] : memref<1x4096xi32, #tpu.memory_space<vmem>>, vector<1x128xi32>
      tpu.vector_store %arg4[%swap3A_143, %swap3A_144], %reshape3A_140 {strides = array<i32>} : memref<1x4096xi32, #tpu.memory_space<vmem>>, vector<1x128xi32>,
      %convert_element_type3A_146 = arith.fptosi %broadcast_in_dim3A_138 : vector<128x1xf32> to vector<128x1xi32>
      %reshape3A_147 = vector.shape_cast %convert_element_type3A_146 : vector<128x1xi32> to vector<1x128xi32>
      %mul3A_148 = arith.constant 128 : i32
      %mul3A_149 = arith.muli %scan3A_106, %mul3A_148 : i32
      %add3A_150 = arith.constant 2048 : i32
      %add3A_151 = arith.addi %add3A_150, %mul3A_149 : i32
      %swap3A_152 = arith.constant 0 : index
      %swap3A_153 = arith.index_cast %add3A_151 : i32 to index
      %swap3A_154 = vector.load %arg4[%swap3A_152, %swap3A_153] : memref<1x4096xi32, #tpu.memory_space<vmem>>, vector<1x128xi32>
      tpu.vector_store %arg4[%swap3A_152, %swap3A_153], %reshape3A_147 {strides = array<i32>} : memref<1x4096xi32, #tpu.memory_space<vmem>>, vector<1x128xi32>,
      %reduce_sum3A_155 = arith.constant dense<0.000000e+00> : vector<8xf32>
      %reduce_sum3A_156 = vector.multi_reduction <add>, %get3A_113, %reduce_sum3A_155 [0] : vector<128x8xf32> to vector<8xf32>
      %broadcast_in_dim3A_157 = vector.shape_cast %reduce_sum3A_156 : vector<8xf32> to vector<1x8xf32>
      %add3A_158 = arith.addf %scan3A_107, %broadcast_in_dim3A_157 : vector<1x8xf32>
      %reduce_sum3A_159 = arith.constant dense<0.000000e+00> : vector<8xf32>
      %reduce_sum3A_160 = vector.multi_reduction <add>, %get3A_118, %reduce_sum3A_159 [0] : vector<128x8xf32> to vector<8xf32>
      %broadcast_in_dim3A_161 = vector.shape_cast %reduce_sum3A_160 : vector<8xf32> to vector<1x8xf32>
      %add3A_162 = arith.addf %scan3A_108, %broadcast_in_dim3A_161 : vector<1x8xf32>
      scf.yield %add3A_158, %add3A_162 : vector<1x8xf32>, vector<1x8xf32>
    }
    %scan3A_89 = arith.constant 16 : i32
    %iota3A_90 = tpu.iota {dimensions = array<i32: 1>} : vector<8x40xi32>
    %mul3A_91 = arith.constant 128 : i32
    %mul3A_92 = vector.broadcast %mul3A_91 : i32 to vector<8x40xi32>
    %mul3A_93 = arith.muli %iota3A_90, %mul3A_92 : vector<8x40xi32>
    %convert_element_type3A_94 = arith.sitofp %mul3A_93 : vector<8x40xi32> to vector<8x40xf32>
    %reshape3A = vector.shape_cast %dot_general3A_77 : vector<1x8xf32> to vector<8x1xf32>
    %ge3A = vector.broadcast %reshape3A : vector<8x1xf32> to vector<8x40xf32>
    %ge3A_95 = arith.cmpf oge, %convert_element_type3A_94, %ge3A : vector<8x40xf32>
    %convert_element_type3A_96 = arith.extui %ge3A_95 : vector<8x40xi1> to vector<8x40xi32>
    %reduce_sum3A_97 = arith.constant dense<0> : vector<40xi32>
    %reduce_sum3A_98 = vector.multi_reduction <add>, %convert_element_type3A_96, %reduce_sum3A_97 [0] : vector<8x40xi32> to vector<40xi32>
    %broadcast_in_dim3A_99 = vector.shape_cast %reduce_sum3A_98 : vector<40xi32> to vector<1x40xi32>
    %sub3A_100 = arith.constant 1 : i32
    %sub3A_101 = vector.broadcast %sub3A_100 : i32 to vector<1x40xi32>
    %sub3A_102 = arith.subi %broadcast_in_dim3A_99, %sub3A_101 : vector<1x40xi32>
    %swap3A_103 = arith.constant 0 : index
    %swap3A_104 = arith.constant 0 : index
    %swap3A_105 = vector.load %arg5[%swap3A_103, %swap3A_104] : memref<1x40xi32, #tpu.memory_space<vmem>>, vector<1x40xi32>
    tpu.vector_store %arg5[%swap3A_103, %swap3A_104], %sub3A_102 {strides = array<i32>} : memref<1x40xi32, #tpu.memory_space<vmem>>, vector<1x40xi32>,
    return
  }
  func.func @transform_0(%arg0: i32) -> (i32, i32) {
    %c0_i32 = arith.constant 0 : i32
    %c0_i32_0 = arith.constant 0 : i32
    %c0_i32_1 = arith.constant 0 : i32
    return %c0_i32, %c0_i32_0 : i32, i32
  }
  func.func @transform_1(%arg0: i32) -> (i32, i32) {
    %c0_i32 = arith.constant 0 : i32
    %c0_i32_0 = arith.constant 0 : i32
    %c0_i32_1 = arith.constant 0 : i32
    return %c0_i32, %c0_i32_0 : i32, i32
  }
  func.func @transform_2(%arg0: i32) -> (i32, i32) {
    %c0_i32 = arith.constant 0 : i32
    %c0_i32_0 = arith.constant 0 : i32
    %c0_i32_1 = arith.constant 0 : i32
    return %c0_i32, %c0_i32_0 : i32, i32
  }
  func.func @transform_3(%arg0: i32) -> (i32, i32) {
    %c0_i32 = arith.constant 0 : i32
    %c0_i32_0 = arith.constant 0 : i32
    %c0_i32_1 = arith.constant 0 : i32
    return %c0_i32, %c0_i32_0 : i32, i32
  }
  func.func @transform_4(%arg0: i32) -> (i32, i32) {
    %c0_i32 = arith.constant 0 : i32
    %c0_i32_0 = arith.constant 0 : i32
    %c0_i32_1 = arith.constant 0 : i32
    return %c0_i32, %c0_i32_0 : i32, i32
  }
  func.func @transform_5(%arg0: i32) -> (i32, i32) {
    %c0_i32 = arith.constant 0 : i32
    %c0_i32_0 = arith.constant 0 : i32
    %c0_i32_1 = arith.constant 0 : i32
    return %c0_i32, %c0_i32_0 : i32, i32
  }
  func.func @transform_6(%arg0: i32) -> (i32, i32) {
    %c0_i32 = arith.constant 0 : i32
    %c0_i32_0 = arith.constant 0 : i32
    %c0_i32_1 = arith.constant 0 : i32
    return %c0_i32, %c0_i32_0 : i32, i32
  }
}

module attributes {stable_mosaic.version = 14 : i64} {
  func.func @_ffn_kernel(%arg0: i32, %arg1: memref<40xi32, #tpu.memory_space<smem>>, %arg2: memref<128x768xf32, #tpu.memory_space<vmem>>, %arg3: memref<1x768x1536xf32, #tpu.memory_space<vmem>>, %arg4: memref<1x1x1536xf32, #tpu.memory_space<vmem>>, %arg5: memref<1x1536x768xf32, #tpu.memory_space<vmem>>, %arg6: memref<1x1x768xf32, #tpu.memory_space<vmem>>, %arg7: memref<128x768xf32, #tpu.memory_space<vmem>>) attributes {dimension_semantics = [#tpu.dimension_semantics<arbitrary>], iteration_bounds = array<i64: 40>, scalar_prefetch = 1 : i64, scratch_operands = 0 : i64, tpu.core_type = #tpu.core_type<tc>, window_params = [{transform_indices = @transform_0, window_bounds = array<i64: 128, 768>}, {transform_indices = @transform_1, window_bounds = array<i64: 1, 768, 1536>}, {transform_indices = @transform_2, window_bounds = array<i64: 1, 1, 1536>}, {transform_indices = @transform_3, window_bounds = array<i64: 1, 1536, 768>}, {transform_indices = @transform_4, window_bounds = array<i64: 1, 1, 768>}, {transform_indices = @transform_5, window_bounds = array<i64: 128, 768>}]} {
    %get3A = arith.constant 0 : index
    %get3A_0 = arith.constant 0 : index
    %get3A_1 = vector.load %arg2[%get3A, %get3A_0] : memref<128x768xf32, #tpu.memory_space<vmem>>, vector<128x768xf32>
    %get3A_2 = arith.constant 0 : index
    %get3A_3 = arith.constant 0 : index
    %get3A_4 = arith.constant 0 : index
    %get3A_5 = vector.load %arg3[%get3A_2, %get3A_3, %get3A_4] : memref<1x768x1536xf32, #tpu.memory_space<vmem>>, vector<1x768x1536xf32>
    %get3A_6 = vector.shape_cast %get3A_5 : vector<1x768x1536xf32> to vector<768x1536xf32>
    %dot_general3A = arith.constant dense<0.000000e+00> : vector<128x1536xf32>
    %dot_general3A_7 = tpu.matmul %get3A_1, %get3A_6, %dot_general3A {dimension_numbers = #tpu.dot_dimension_numbers<[1], [0], [0], [1], [0, 0, 1, 1], [], []>, transpose_lhs_hint = false} : vector<128x768xf32>, vector<768x1536xf32>, vector<128x1536xf32> -> vector<128x1536xf32>
    %get3A_8 = arith.constant 0 : index
    %get3A_9 = arith.constant 0 : index
    %get3A_10 = arith.constant 0 : index
    %get3A_11 = vector.load %arg4[%get3A_8, %get3A_9, %get3A_10] : memref<1x1x1536xf32, #tpu.memory_space<vmem>>, vector<1x1x1536xf32>
    %get3A_12 = vector.shape_cast %get3A_11 : vector<1x1x1536xf32> to vector<1x1536xf32>
    %add3A = vector.broadcast %get3A_12 : vector<1x1536xf32> to vector<128x1536xf32>
    %add3A_13 = arith.addf %dot_general3A_7, %add3A : vector<128x1536xf32>
    %max3A = arith.constant 0.000000e+00 : f32
    %max3A_14 = vector.broadcast %max3A : f32 to vector<128x1536xf32>
    %max3A_15 = arith.maximumf %add3A_13, %max3A_14 : vector<128x1536xf32>
    %get3A_16 = arith.constant 0 : index
    %get3A_17 = arith.constant 0 : index
    %get3A_18 = arith.constant 0 : index
    %get3A_19 = vector.load %arg5[%get3A_16, %get3A_17, %get3A_18] : memref<1x1536x768xf32, #tpu.memory_space<vmem>>, vector<1x1536x768xf32>
    %get3A_20 = vector.shape_cast %get3A_19 : vector<1x1536x768xf32> to vector<1536x768xf32>
    %dot_general3A_21 = arith.constant dense<0.000000e+00> : vector<128x768xf32>
    %dot_general3A_22 = tpu.matmul %max3A_15, %get3A_20, %dot_general3A_21 {dimension_numbers = #tpu.dot_dimension_numbers<[1], [0], [0], [1], [0, 0, 1, 1], [], []>, transpose_lhs_hint = false} : vector<128x1536xf32>, vector<1536x768xf32>, vector<128x768xf32> -> vector<128x768xf32>
    %get3A_23 = arith.constant 0 : index
    %get3A_24 = arith.constant 0 : index
    %get3A_25 = arith.constant 0 : index
    %get3A_26 = vector.load %arg6[%get3A_23, %get3A_24, %get3A_25] : memref<1x1x768xf32, #tpu.memory_space<vmem>>, vector<1x1x768xf32>
    %get3A_27 = vector.shape_cast %get3A_26 : vector<1x1x768xf32> to vector<1x768xf32>
    %add3A_28 = vector.broadcast %get3A_27 : vector<1x768xf32> to vector<128x768xf32>
    %add3A_29 = arith.addf %dot_general3A_22, %add3A_28 : vector<128x768xf32>
    %swap3A = arith.constant 0 : index
    %swap3A_30 = arith.constant 0 : index
    %swap3A_31 = vector.load %arg7[%swap3A, %swap3A_30] : memref<128x768xf32, #tpu.memory_space<vmem>>, vector<128x768xf32>
    tpu.vector_store %arg7[%swap3A, %swap3A_30], %add3A_29 {strides = array<i32>} : memref<128x768xf32, #tpu.memory_space<vmem>>, vector<128x768xf32>,
    return
  }
  func.func @transform_0(%arg0: i32, %arg1: memref<40xi32, #tpu.memory_space<smem>>) -> (i32, i32) {
    %c0_i32 = arith.constant 0 : i32
    %c0_i32_0 = arith.constant 0 : i32
    return %arg0, %c0_i32 : i32, i32
  }
  func.func @transform_1(%arg0: i32, %arg1: memref<40xi32, #tpu.memory_space<smem>>) -> (i32, i32, i32) {
    %get3A = arith.index_cast %arg0 : i32 to index
    %get3A_0 = memref.load %arg1[%get3A] : memref<40xi32, #tpu.memory_space<smem>>
    %c0_i32 = arith.constant 0 : i32
    %c0_i32_1 = arith.constant 0 : i32
    %c0_i32_2 = arith.constant 0 : i32
    return %get3A_0, %c0_i32, %c0_i32_1 : i32, i32, i32
  }
  func.func @transform_2(%arg0: i32, %arg1: memref<40xi32, #tpu.memory_space<smem>>) -> (i32, i32, i32) {
    %get3A = arith.index_cast %arg0 : i32 to index
    %get3A_0 = memref.load %arg1[%get3A] : memref<40xi32, #tpu.memory_space<smem>>
    %c0_i32 = arith.constant 0 : i32
    %c0_i32_1 = arith.constant 0 : i32
    %c0_i32_2 = arith.constant 0 : i32
    return %get3A_0, %c0_i32, %c0_i32_1 : i32, i32, i32
  }
  func.func @transform_3(%arg0: i32, %arg1: memref<40xi32, #tpu.memory_space<smem>>) -> (i32, i32, i32) {
    %get3A = arith.index_cast %arg0 : i32 to index
    %get3A_0 = memref.load %arg1[%get3A] : memref<40xi32, #tpu.memory_space<smem>>
    %c0_i32 = arith.constant 0 : i32
    %c0_i32_1 = arith.constant 0 : i32
    %c0_i32_2 = arith.constant 0 : i32
    return %get3A_0, %c0_i32, %c0_i32_1 : i32, i32, i32
  }
  func.func @transform_4(%arg0: i32, %arg1: memref<40xi32, #tpu.memory_space<smem>>) -> (i32, i32, i32) {
    %get3A = arith.index_cast %arg0 : i32 to index
    %get3A_0 = memref.load %arg1[%get3A] : memref<40xi32, #tpu.memory_space<smem>>
    %c0_i32 = arith.constant 0 : i32
    %c0_i32_1 = arith.constant 0 : i32
    %c0_i32_2 = arith.constant 0 : i32
    return %get3A_0, %c0_i32, %c0_i32_1 : i32, i32, i32
  }
  func.func @transform_5(%arg0: i32, %arg1: memref<40xi32, #tpu.memory_space<smem>>) -> (i32, i32) {
    %c0_i32 = arith.constant 0 : i32
    %c0_i32_0 = arith.constant 0 : i32
    return %arg0, %c0_i32 : i32, i32
  }
}

module attributes {stable_mosaic.version = 14 : i64} {
  func.func @_combine_kernel(%arg0: i32, %arg1: memref<2x256x768xf32, #tpu.memory_space<vmem>>, %arg2: memref<256x2xf32, #tpu.memory_space<vmem>>, %arg3: memref<256x768xf32, #tpu.memory_space<vmem>>, %arg4: memref<1x768xf32, #tpu.memory_space<vmem>>, %arg5: memref<1x768xf32, #tpu.memory_space<vmem>>, %arg6: memref<256x768xf32, #tpu.memory_space<vmem>>) attributes {dimension_semantics = [#tpu.dimension_semantics<arbitrary>], iteration_bounds = array<i64: 8>, scalar_prefetch = 0 : i64, scratch_operands = 0 : i64, tpu.core_type = #tpu.core_type<tc>, window_params = [{transform_indices = @transform_0, window_bounds = array<i64: 2, 256, 768>}, {transform_indices = @transform_1, window_bounds = array<i64: 256, 2>}, {transform_indices = @transform_2, window_bounds = array<i64: 256, 768>}, {pipeline_mode = #tpu.pipeline_mode<synchronous>, transform_indices = @transform_3, window_bounds = array<i64: 1, 768>}, {pipeline_mode = #tpu.pipeline_mode<synchronous>, transform_indices = @transform_4, window_bounds = array<i64: 1, 768>}, {transform_indices = @transform_5, window_bounds = array<i64: 256, 768>}]} {
    %get3A = arith.constant 0 : index
    %get3A_0 = arith.constant 0 : index
    %get3A_1 = vector.load %arg2[%get3A, %get3A_0] : memref<256x2xf32, #tpu.memory_space<vmem>>, vector<256x2xf32>
    %get3A_2 = arith.constant 0 : index
    %get3A_3 = arith.constant 0 : index
    %get3A_4 = arith.constant 0 : index
    %get3A_5 = vector.load %arg1[%get3A_2, %get3A_3, %get3A_4] : memref<2x256x768xf32, #tpu.memory_space<vmem>>, vector<1x256x768xf32>
    %get3A_6 = vector.shape_cast %get3A_5 : vector<1x256x768xf32> to vector<256x768xf32>
    %slice3A = vector.extract_strided_slice %get3A_1 {offsets = [0, 0], sizes = [256, 1], strides = [1, 1]} : vector<256x2xf32> to vector<256x1xf32>
    %mul3A = vector.broadcast %slice3A : vector<256x1xf32> to vector<256x768xf32>
    %mul3A_7 = arith.mulf %get3A_6, %mul3A : vector<256x768xf32>
    %get3A_8 = arith.constant 1 : index
    %get3A_9 = arith.constant 0 : index
    %get3A_10 = arith.constant 0 : index
    %get3A_11 = vector.load %arg1[%get3A_8, %get3A_9, %get3A_10] : memref<2x256x768xf32, #tpu.memory_space<vmem>>, vector<1x256x768xf32>
    %get3A_12 = vector.shape_cast %get3A_11 : vector<1x256x768xf32> to vector<256x768xf32>
    %slice3A_13 = vector.extract_strided_slice %get3A_1 {offsets = [0, 1], sizes = [256, 1], strides = [1, 1]} : vector<256x2xf32> to vector<256x1xf32>
    %mul3A_14 = vector.broadcast %slice3A_13 : vector<256x1xf32> to vector<256x768xf32>
    %mul3A_15 = arith.mulf %get3A_12, %mul3A_14 : vector<256x768xf32>
    %add3A = arith.addf %mul3A_7, %mul3A_15 : vector<256x768xf32>
    %get3A_16 = arith.constant 0 : index
    %get3A_17 = arith.constant 0 : index
    %get3A_18 = vector.load %arg3[%get3A_16, %get3A_17] : memref<256x768xf32, #tpu.memory_space<vmem>>, vector<256x768xf32>
    %add3A_19 = arith.addf %add3A, %get3A_18 : vector<256x768xf32>
    %reduce_sum3A = arith.constant dense<0.000000e+00> : vector<256xf32>
    %reduce_sum3A_20 = vector.multi_reduction <add>, %add3A_19, %reduce_sum3A [1] : vector<256x768xf32> to vector<256xf32>
    %broadcast_in_dim3A = vector.shape_cast %reduce_sum3A_20 : vector<256xf32> to vector<256x1xf32>
    %div3A = arith.constant 7.680000e+02 : f32
    %div3A_21 = vector.broadcast %div3A : f32 to vector<256x1xf32>
    %div3A_22 = arith.divf %broadcast_in_dim3A, %div3A_21 : vector<256x1xf32>
    %sub3A = vector.broadcast %div3A_22 : vector<256x1xf32> to vector<256x768xf32>
    %sub3A_23 = arith.subf %add3A_19, %sub3A : vector<256x768xf32>
    %sub3A_24 = vector.broadcast %div3A_22 : vector<256x1xf32> to vector<256x768xf32>
    %sub3A_25 = arith.subf %add3A_19, %sub3A_24 : vector<256x768xf32>
    %mul3A_26 = arith.mulf %sub3A_23, %sub3A_25 : vector<256x768xf32>
    %reduce_sum3A_27 = arith.constant dense<0.000000e+00> : vector<256xf32>
    %reduce_sum3A_28 = vector.multi_reduction <add>, %mul3A_26, %reduce_sum3A_27 [1] : vector<256x768xf32> to vector<256xf32>
    %broadcast_in_dim3A_29 = vector.shape_cast %reduce_sum3A_28 : vector<256xf32> to vector<256x1xf32>
    %div3A_30 = arith.constant 7.680000e+02 : f32
    %div3A_31 = vector.broadcast %div3A_30 : f32 to vector<256x1xf32>
    %div3A_32 = arith.divf %broadcast_in_dim3A_29, %div3A_31 : vector<256x1xf32>
    %sub3A_33 = vector.broadcast %div3A_22 : vector<256x1xf32> to vector<256x768xf32>
    %sub3A_34 = arith.subf %add3A_19, %sub3A_33 : vector<256x768xf32>
    %add3A_35 = arith.constant 9.99999974E-6 : f32
    %add3A_36 = vector.broadcast %add3A_35 : f32 to vector<256x1xf32>
    %add3A_37 = arith.addf %div3A_32, %add3A_36 : vector<256x1xf32>
    %sqrt3A = math.sqrt %add3A_37 : vector<256x1xf32>
    %div3A_38 = vector.broadcast %sqrt3A : vector<256x1xf32> to vector<256x768xf32>
    %div3A_39 = arith.divf %sub3A_34, %div3A_38 : vector<256x768xf32>
    %get3A_40 = arith.constant 0 : index
    %get3A_41 = arith.constant 0 : index
    %get3A_42 = vector.load %arg4[%get3A_40, %get3A_41] : memref<1x768xf32, #tpu.memory_space<vmem>>, vector<1x768xf32>
    %mul3A_43 = vector.broadcast %get3A_42 : vector<1x768xf32> to vector<256x768xf32>
    %mul3A_44 = arith.mulf %div3A_39, %mul3A_43 : vector<256x768xf32>
    %get3A_45 = arith.constant 0 : index
    %get3A_46 = arith.constant 0 : index
    %get3A_47 = vector.load %arg5[%get3A_45, %get3A_46] : memref<1x768xf32, #tpu.memory_space<vmem>>, vector<1x768xf32>
    %add3A_48 = vector.broadcast %get3A_47 : vector<1x768xf32> to vector<256x768xf32>
    %add3A_49 = arith.addf %mul3A_44, %add3A_48 : vector<256x768xf32>
    %swap3A = arith.constant 0 : index
    %swap3A_50 = arith.constant 0 : index
    %swap3A_51 = vector.load %arg6[%swap3A, %swap3A_50] : memref<256x768xf32, #tpu.memory_space<vmem>>, vector<256x768xf32>
    tpu.vector_store %arg6[%swap3A, %swap3A_50], %add3A_49 {strides = array<i32>} : memref<256x768xf32, #tpu.memory_space<vmem>>, vector<256x768xf32>,
    return
  }
  func.func @transform_0(%arg0: i32) -> (i32, i32, i32) {
    %c0_i32 = arith.constant 0 : i32
    %c0_i32_0 = arith.constant 0 : i32
    %c0_i32_1 = arith.constant 0 : i32
    return %c0_i32, %arg0, %c0_i32_0 : i32, i32, i32
  }
  func.func @transform_1(%arg0: i32) -> (i32, i32) {
    %c0_i32 = arith.constant 0 : i32
    %c0_i32_0 = arith.constant 0 : i32
    return %arg0, %c0_i32 : i32, i32
  }
  func.func @transform_2(%arg0: i32) -> (i32, i32) {
    %c0_i32 = arith.constant 0 : i32
    %c0_i32_0 = arith.constant 0 : i32
    return %arg0, %c0_i32 : i32, i32
  }
  func.func @transform_3(%arg0: i32) -> (i32, i32) {
    %c0_i32 = arith.constant 0 : i32
    %c0_i32_0 = arith.constant 0 : i32
    %c0_i32_1 = arith.constant 0 : i32
    return %c0_i32, %c0_i32_0 : i32, i32
  }
  func.func @transform_4(%arg0: i32) -> (i32, i32) {
    %c0_i32 = arith.constant 0 : i32
    %c0_i32_0 = arith.constant 0 : i32
    %c0_i32_1 = arith.constant 0 : i32
    return %c0_i32, %c0_i32_0 : i32, i32
  }
  func.func @transform_5(%arg0: i32) -> (i32, i32) {
    %c0_i32 = arith.constant 0 : i32
    %c0_i32_0 = arith.constant 0 : i32
    return %arg0, %c0_i32 : i32, i32
  }
}

module attributes {stable_mosaic.version = 14 : i64} {
  func.func @body(%arg0: i32, %arg1: memref<256x768xf32, #tpu.memory_space<vmem>>, %arg2: memref<768x16xf32, #tpu.memory_space<vmem>>, %arg3: memref<1x16xf32, #tpu.memory_space<vmem>>, %arg4: memref<256x16xf32, #tpu.memory_space<vmem>>) attributes {dimension_semantics = [#tpu.dimension_semantics<arbitrary>], iteration_bounds = array<i64: 8>, scalar_prefetch = 0 : i64, scratch_operands = 0 : i64, tpu.core_type = #tpu.core_type<tc>, window_params = [{transform_indices = @transform_0, window_bounds = array<i64: 256, 768>}, {pipeline_mode = #tpu.pipeline_mode<synchronous>, transform_indices = @transform_1, window_bounds = array<i64: 768, 16>}, {pipeline_mode = #tpu.pipeline_mode<synchronous>, transform_indices = @transform_2, window_bounds = array<i64: 1, 16>}, {transform_indices = @transform_3, window_bounds = array<i64: 256, 16>}]} {
    %get3A = arith.constant 0 : index
    %get3A_0 = arith.constant 0 : index
    %get3A_1 = vector.load %arg1[%get3A, %get3A_0] : memref<256x768xf32, #tpu.memory_space<vmem>>, vector<256x768xf32>
    %get3A_2 = arith.constant 0 : index
    %get3A_3 = arith.constant 0 : index
    %get3A_4 = vector.load %arg2[%get3A_2, %get3A_3] : memref<768x16xf32, #tpu.memory_space<vmem>>, vector<768x16xf32>
    %dot_general3A = arith.constant dense<0.000000e+00> : vector<256x16xf32>
    %dot_general3A_5 = tpu.matmul %get3A_1, %get3A_4, %dot_general3A {dimension_numbers = #tpu.dot_dimension_numbers<[1], [0], [0], [1], [0, 0, 1, 1], [], []>, transpose_lhs_hint = false} : vector<256x768xf32>, vector<768x16xf32>, vector<256x16xf32> -> vector<256x16xf32>
    %get3A_6 = arith.constant 0 : index
    %get3A_7 = arith.constant 0 : index
    %get3A_8 = vector.load %arg3[%get3A_6, %get3A_7] : memref<1x16xf32, #tpu.memory_space<vmem>>, vector<1x16xf32>
    %add3A = vector.broadcast %get3A_8 : vector<1x16xf32> to vector<256x16xf32>
    %add3A_9 = arith.addf %dot_general3A_5, %add3A : vector<256x16xf32>
    %max3A = arith.constant 0.000000e+00 : f32
    %max3A_10 = vector.broadcast %max3A : f32 to vector<256x16xf32>
    %max3A_11 = arith.maximumf %add3A_9, %max3A_10 : vector<256x16xf32>
    %swap3A = arith.constant 0 : index
    %swap3A_12 = arith.constant 0 : index
    %swap3A_13 = vector.load %arg4[%swap3A, %swap3A_12] : memref<256x16xf32, #tpu.memory_space<vmem>>, vector<256x16xf32>
    tpu.vector_store %arg4[%swap3A, %swap3A_12], %max3A_11 {strides = array<i32>} : memref<256x16xf32, #tpu.memory_space<vmem>>, vector<256x16xf32>,
    return
  }
  func.func @transform_0(%arg0: i32) -> (i32, i32) {
    %c0_i32 = arith.constant 0 : i32
    %c0_i32_0 = arith.constant 0 : i32
    return %arg0, %c0_i32 : i32, i32
  }
  func.func @transform_1(%arg0: i32) -> (i32, i32) {
    %c0_i32 = arith.constant 0 : i32
    %c0_i32_0 = arith.constant 0 : i32
    %c0_i32_1 = arith.constant 0 : i32
    return %c0_i32, %c0_i32_0 : i32, i32
  }
  func.func @transform_2(%arg0: i32) -> (i32, i32) {
    %c0_i32 = arith.constant 0 : i32
    %c0_i32_0 = arith.constant 0 : i32
    %c0_i32_1 = arith.constant 0 : i32
    return %c0_i32, %c0_i32_0 : i32, i32
  }
  func.func @transform_3(%arg0: i32) -> (i32, i32) {
    %c0_i32 = arith.constant 0 : i32
    %c0_i32_0 = arith.constant 0 : i32
    return %arg0, %c0_i32 : i32, i32
  }
}

module attributes {stable_mosaic.version = 14 : i64} {
  func.func @body(%arg0: i32, %arg1: memref<16x2048xf32, #tpu.memory_space<vmem>>, %arg2: memref<2048x2048xf32, #tpu.memory_space<vmem>>, %arg3: memref<1x2048xf32, #tpu.memory_space<vmem>>, %arg4: memref<16x1xf32, #tpu.memory_space<vmem>>, %arg5: memref<16x1xf32, #tpu.memory_space<vmem>>, %arg6: memref<16x2048xf32, #tpu.memory_space<vmem>>) attributes {dimension_semantics = [#tpu.dimension_semantics<arbitrary>], iteration_bounds = array<i64: 1>, scalar_prefetch = 0 : i64, scratch_operands = 0 : i64, tpu.core_type = #tpu.core_type<tc>, window_params = [{transform_indices = @transform_0, window_bounds = array<i64: 16, 2048>}, {pipeline_mode = #tpu.pipeline_mode<synchronous>, transform_indices = @transform_1, window_bounds = array<i64: 2048, 2048>}, {pipeline_mode = #tpu.pipeline_mode<synchronous>, transform_indices = @transform_2, window_bounds = array<i64: 1, 2048>}, {transform_indices = @transform_3, window_bounds = array<i64: 16, 1>}, {transform_indices = @transform_4, window_bounds = array<i64: 16, 1>}, {transform_indices = @transform_5, window_bounds = array<i64: 16, 2048>}]} {
    %get3A = arith.constant 0 : index
    %get3A_0 = arith.constant 0 : index
    %get3A_1 = vector.load %arg1[%get3A, %get3A_0] : memref<16x2048xf32, #tpu.memory_space<vmem>>, vector<16x2048xf32>
    %get3A_2 = arith.constant 0 : index
    %get3A_3 = arith.constant 0 : index
    %get3A_4 = vector.load %arg2[%get3A_2, %get3A_3] : memref<2048x2048xf32, #tpu.memory_space<vmem>>, vector<2048x2048xf32>
    %dot_general3A = arith.constant dense<0.000000e+00> : vector<16x2048xf32>
    %dot_general3A_5 = tpu.matmul %get3A_1, %get3A_4, %dot_general3A {dimension_numbers = #tpu.dot_dimension_numbers<[1], [0], [0], [1], [0, 0, 1, 1], [], []>, transpose_lhs_hint = false} : vector<16x2048xf32>, vector<2048x2048xf32>, vector<16x2048xf32> -> vector<16x2048xf32>
    %get3A_6 = arith.constant 0 : index
    %get3A_7 = arith.constant 0 : index
    %get3A_8 = vector.load %arg3[%get3A_6, %get3A_7] : memref<1x2048xf32, #tpu.memory_space<vmem>>, vector<1x2048xf32>
    %add3A = vector.broadcast %get3A_8 : vector<1x2048xf32> to vector<16x2048xf32>
    %add3A_9 = arith.addf %dot_general3A_5, %add3A : vector<16x2048xf32>
    %get3A_10 = arith.constant 0 : index
    %get3A_11 = arith.constant 0 : index
    %get3A_12 = vector.load %arg4[%get3A_10, %get3A_11] : memref<16x1xf32, #tpu.memory_space<vmem>>, vector<16x1xf32>
    %get3A_13 = arith.constant 0 : index
    %get3A_14 = arith.constant 0 : index
    %get3A_15 = vector.load %arg5[%get3A_13, %get3A_14] : memref<16x1xf32, #tpu.memory_space<vmem>>, vector<16x1xf32>
    %mul3A = vector.broadcast %get3A_12 : vector<16x1xf32> to vector<16x2048xf32>
    %mul3A_16 = arith.mulf %add3A_9, %mul3A : vector<16x2048xf32>
    %add3A_17 = vector.broadcast %get3A_15 : vector<16x1xf32> to vector<16x2048xf32>
    %add3A_18 = arith.addf %mul3A_16, %add3A_17 : vector<16x2048xf32>
    %swap3A = arith.constant 0 : index
    %swap3A_19 = arith.constant 0 : index
    %swap3A_20 = vector.load %arg6[%swap3A, %swap3A_19] : memref<16x2048xf32, #tpu.memory_space<vmem>>, vector<16x2048xf32>
    tpu.vector_store %arg6[%swap3A, %swap3A_19], %add3A_18 {strides = array<i32>} : memref<16x2048xf32, #tpu.memory_space<vmem>>, vector<16x2048xf32>,
    return
  }
  func.func @transform_0(%arg0: i32) -> (i32, i32) {
    %c0_i32 = arith.constant 0 : i32
    %c0_i32_0 = arith.constant 0 : i32
    return %arg0, %c0_i32 : i32, i32
  }
  func.func @transform_1(%arg0: i32) -> (i32, i32) {
    %c0_i32 = arith.constant 0 : i32
    %c0_i32_0 = arith.constant 0 : i32
    %c0_i32_1 = arith.constant 0 : i32
    return %c0_i32, %c0_i32_0 : i32, i32
  }
  func.func @transform_2(%arg0: i32) -> (i32, i32) {
    %c0_i32 = arith.constant 0 : i32
    %c0_i32_0 = arith.constant 0 : i32
    %c0_i32_1 = arith.constant 0 : i32
    return %c0_i32, %c0_i32_0 : i32, i32
  }
  func.func @transform_3(%arg0: i32) -> (i32, i32) {
    %c0_i32 = arith.constant 0 : i32
    %c0_i32_0 = arith.constant 0 : i32
    return %arg0, %c0_i32 : i32, i32
  }
  func.func @transform_4(%arg0: i32) -> (i32, i32) {
    %c0_i32 = arith.constant 0 : i32
    %c0_i32_0 = arith.constant 0 : i32
    return %arg0, %c0_i32 : i32, i32
  }
  func.func @transform_5(%arg0: i32) -> (i32, i32) {
    %c0_i32 = arith.constant 0 : i32
    %c0_i32_0 = arith.constant 0 : i32
    return %arg0, %c0_i32 : i32, i32
  }
}

</mosaic_0001>

<sc_bundles>
// kernel: kernel.18.cloned.1.call-start
scs
__scs_entry_jumppad:
0x0: {  	(pc) =	sbr.rel $0x88, $3  }
0x1: {  	(tag) =	ssettag $0x0;
	lr =	simm.s32 $0x1  }
0x2: {  	[smem:$0x3F89] =	sst lr;
	_ =	strace $0xD0000000  }
0x3: {  	_ = 	snop  }
0x4: {  	_ = 	snop  }
0x5: {  	_ = 	snop  }
0x6: {  	_ = 	snop  }
0x7: {  	_ = 	snop  }
__scs_overlays_trampoline_lowered:
0x8: {  	[smem:$0x3F98] =	sst s0  }
0x9: {  	[smem:$0x3F99] =	sst s1  }
0xa: {  	[smem:$0x3F9A] =	sst s2  }
0xb: {  	[smem:$0x3F9B] =	sst s3  }
0xc: {  	[smem:$0x3F9C] =	sst s4  }
0xd: {  	[smem:$0x3F9D] =	sst s5  }
0xe: {  	[smem:$0x3F9E] =	sst s6  }
0xf: {  	[smem:$0x3F9F] =	sst s7  }
0x10: {  	[smem:$0x3FA0] =	sst s8  }
0x11: {  	[smem:$0x3FA1] =	sst s9;
	s0 =	simm.s32 @!p0 $0x0  }
0x12: {  	s1 =	sld [smem:$0x3F87];
	s0 =	simm.s32 @p0 $0x1  }
0x13: {  	[smem:$0x3FA2] =	sst s0;
	s0 =	simm.s32 @!p1 $0x0  }
0x14: {  	s2 =	sld [smem:$0x3F86];
	s0 =	simm.s32 @p1 $0x1  }
0x15: {  	[smem:$0x3FA3] =	sst s0;
	s0 =	simm.s32 @!p2 $0x0  }
0x16: {  	s3 =	sld [smem:$0x3FDB];
	s0 =	simm.s32 @p2 $0x1  }
0x17: {  	s4 =	simm.s32 $0x1BF5;
	[smem:$0x3FA5] =	sst s0  }
0x18: {  	s0 =	sld [smem:$0x3F88];
	_ =	swait.ge [sflag:s4], $0x0  }
0x19: {  	s7 =	sld [smem:$0x3F89]  }
0x1a: {  	s8 =	sadd.s32 $0xFFFFE003, lr  }
0x1b: {  	s9 =	sadd.s32 $0xFFFFFEF7, lr;
	s5 =	simm.s32 $0xFFFFFFFF;
	p2 =	slt.u32 s8, $0xFFFFF086  }
0x1c: {  	p1 =	slt.u32 s9, $0xF7A;
	s5 =	simm.s32 @!p2 $0x0  }
0x1d: {  	s5 =	simm.s32 @p1 $0x1;
	p0 =	seq.s32 s7, s2  }
0x1e: {  	s7 =	smul.u32 @!p0 $0xF7A, s2;
	p2 =	seq.s32 @!p0 s5, $0x0  }
0x1f: {  	s9 =	smul.u32 $0xF7A, s1;
	s8 =	simm.s32 @!p0 $0x1BF5;
	p2 =	por !p2, p0  }
0x20: {  	[sflag:s8] =	ssyncset.s32 @!p0 $0xFFFFF086;
	s6 =	sadd.s32 @!p0 s3, s7;
	s7 =	simm.s32 @!p0 $0x108  }
0x21: {  	s3 =	sadd.s32 s3, s9;
	s6 =	sadd.s32 @!p0 $0x88, s6;
	s7 =	simm.s32 @p2 $0x1082  }
0x22: {  	[simem:s7], [sflag:s8] =	dma.local @!p0 [hbm:s6], $0xF7A  }
0x23: {  	s9 =	sor.u32 $0xD0000000, s2;
	s6 =	simm.s32 $0x108;
	_ =	swait.ge @!p0 [sflag:s8], $0x0  }
0x24: {  	s3 =	sadd.s32 $0x88, s3;
	s6 =	simm.s32 @!p1 $0x1082;
	[sflag:s4] =	ssyncset.s32 $0xFFFFF086  }
0x25: {  	[simem:s6], [sflag:s4] =	dma.local [hbm:s3], $0xF7A  }
0x26: {  	[smem:$0x3F89] =	sst s1;
	(tag) =	ssettag s2;
	_ =	strace s9  }
0x27: {  	s1 =	sld [smem:$0x3F99]  }
0x28: {  	s2 =	sld [smem:$0x3F9A]  }
0x29: {  	s4 =	sld [smem:$0x3F9C]  }
0x2a: {  	p0 =	seq.s32 s5, $0x0;
	s5 =	sld [smem:$0x3F9D]  }
0x2b: {  	s6 =	sld [smem:$0x3F9E]  }
0x2c: {  	s7 =	sld [smem:$0x3F9F]  }
0x2d: {  	s3 =	simm.s32 $0x108;
	s8 =	sld [smem:$0x3FA0]  }
0x2e: {  	s3 =	simm.s32 @!p0 $0x1082;
	s9 =	sld [smem:$0x3FA1]  }
0x2f: {  	lr =	sadd.s32 s0, s3;
	s0 =	sld [smem:$0x3F98]  }
0x30: {  	s3 =	sld [smem:$0x3F9B]  }
0x31: {  	[smem:$0x3FA4] =	sst s10  }
0x32: {  	s10 =	sld [smem:$0x3FA2];
	_ =	sdelay $0x3  }
0x33: {  	p0 =	seq.s32 s10, $0x1;
	s10 =	sld [smem:$0x3FA4];
	_ =	sdelay $0x3  }
0x34: {  	[smem:$0x3FA4] =	sst s10  }
0x35: {  	s10 =	sld [smem:$0x3FA3];
	_ =	sdelay $0x3  }
0x36: {  	p1 =	seq.s32 s10, $0x1;
	s10 =	sld [smem:$0x3FA4];
	_ =	sdelay $0x3  }
0x37: {  	[smem:$0x3FA4] =	sst s10  }
0x38: {  	s10 =	sld [smem:$0x3FA5]  }
0x39: {  	_ = 	snop;
	(pc) =	sbr.ind lr, $3  }
0x3a: {  	_ = 	snop  }
0x3b: {  	_ = 	snop  }
0x3c: {  	p2 =	seq.s32 s10, $0x1;
	s10 =	sld [smem:$0x3FA4]  }
0x3d: {  	_ =	shalt  }
0x3e: {  	_ =	shalt  }
0x3f: {  	_ =	shalt  }
0x40: {  	_ =	shalt  }
0x41: {  	_ =	shalt  }
0x42: {  	_ =	shalt  }
0x43: {  	_ =	shalt  }
0x44: {  	_ =	shalt  }
0x45: {  	_ =	shalt  }
0x46: {  	_ =	shalt  }
0x47: {  	_ =	shalt  }
0x48: {  	_ =	shalt  }
0x49: {  	_ =	shalt  }
0x4a: {  	_ =	shalt  }
0x4b: {  	_ =	shalt  }
0x4c: {  	_ =	shalt  }
0x4d: {  	_ =	shalt  }
0x4e: {  	_ =	shalt  }
0x4f: {  	_ =	shalt  }
0x50: {  	_ =	shalt  }
0x51: {  	_ =	shalt  }
0x52: {  	_ =	shalt  }
0x53: {  	_ =	shalt  }
0x54: {  	_ =	shalt  }
0x55: {  	_ =	shalt  }
0x56: {  	_ =	shalt  }
0x57: {  	_ =	shalt  }
0x58: {  	_ =	shalt  }
0x59: {  	_ =	shalt  }
0x5a: {  	_ =	shalt  }
0x5b: {  	_ =	shalt  }
0x5c: {  	_ =	shalt  }
0x5d: {  	_ =	shalt  }
0x5e: {  	_ =	shalt  }
0x5f: {  	_ =	shalt  }
0x60: {  	_ =	shalt  }
0x61: {  	_ =	shalt  }
0x62: {  	_ =	shalt  }
0x63: {  	_ =	shalt  }
0x64: {  	_ =	shalt  }
0x65: {  	_ =	shalt  }
0x66: {  	_ =	shalt  }
0x67: {  	_ =	shalt  }
0x68: {  	_ =	shalt  }
0x69: {  	_ =	shalt  }
0x6a: {  	_ =	shalt  }
0x6b: {  	_ =	shalt  }
0x6c: {  	_ =	shalt  }
0x6d: {  	_ =	shalt  }
0x6e: {  	_ =	shalt  }
0x6f: {  	_ =	shalt  }
0x70: {  	_ =	shalt  }
0x71: {  	_ =	shalt  }
0x72: {  	_ =	shalt  }
0x73: {  	_ =	shalt  }
0x74: {  	_ =	shalt  }
0x75: {  	_ =	shalt  }
0x76: {  	_ =	shalt  }
0x77: {  	_ =	shalt  }
0x78: {  	_ =	shalt  }
0x79: {  	_ =	shalt  }
0x7a: {  	_ =	shalt  }
0x7b: {  	_ =	shalt  }
0x7c: {  	_ =	shalt  }
0x7d: {  	_ =	shalt  }
0x7e: {  	_ =	shalt  }
0x7f: {  	_ =	shalt  }
0x80: {  	_ =	shalt  }
0x81: {  	_ =	shalt  }
0x82: {  	_ =	shalt  }
0x83: {  	_ =	shalt  }
0x84: {  	_ =	shalt  }
0x85: {  	_ =	shalt  }
0x86: {  	_ =	shalt  }
0x87: {  	_ =	shalt  }
.Lfunc_end0:
.L_simem_size_0:
called_computation_lowered:
.L_overlay_start_0:
0x88: {  	s2 =	sld [smem:$0x3FD9]  }
0x89: {  	s3 =	sld [smem:$0x3FFE];
	_ =	sdelay $0x1  }
0x8a: {  	s1 =	srdreg.scid  }
0x8b: {  	s0 =	sand.u32 $0x1, s1  }
0x8c: {  	s16 =	sshll.u32 s0, $0xA;
	s2 =	sadd.s32 s3, s2  }
0x8d: {  	s2 =	sadd.s32 s2, s16  }
0x8e: {  	[smem:$0x3FB0] =	sst s2  }
0x8f: {  	_ = 	snop  }
0x90: {  	(tm) =	ssettm $0x1  }
0x91: {  	s17 =	sld [smem:$0x3FFB];
	_ =	sdelay $0x3  }
0x92: {  	_ =	strace s17  }
0x93: {  	s2 =	sld [smem:$0x3FFC];
	_ =	sdelay $0x3  }
0x94: {  	_ =	strace s2  }
0x95: {  	s2 =	sld [smem:$0x3FFD];
	_ =	sdelay $0x3  }
0x96: {  	_ =	strace s2  }
0x97: {  	_ =	strace $0x8FFFFFFF  }
0x98: {  	s18 =	sld [smem:$0x3FDB];
	_ =	sdelay $0x1  }
0x99: {  	s19 =	simm.s32 $_scs_section_size  }
0x9a: {  	s4 =	simm.s32 $_size__tile_overlayer_lowered;
	s5 =	simm.s32 $_tile_overlayer_lowered  }
0x9b: {  	s22 =	simm.s32 $0x1BFF;
	s21 =	sshll.u32 s5, $0x1;
	s2 =	sadd.s32 s19, s18  }
0x9c: {  	s6 =	simm.s32 $0x0;
	s20 =	sshll.u32 s4, $0x1;
	s4 =	sadd.s32 s21, s2  }
0x9d: {  	[timem:s6], [sflag:s22] =	dma.local [hbm:s4], s20  }
0x9e: {  	_ =	swait.ge [sflag:s22], s20  }
0x9f: {  	s3 =	ssub.s32 $0x0, s20;
	[sflag:s22] =	ssyncset.done $0x0  }
0xa0: {  	[sflag:s22] =	ssyncadd.s32 s3;
	_ =	sdelay $0x1  }
0xa1: {  	s23 =	simm.s32 $0x1B8B  }
0xa2: {  	_ =	swait.ge [sflag:s23], $0x1  }
0xa3: {  	[sflag:s23] =	ssyncset.done $0x0  }
0xa4: {  	s25 =	simm.s32 $0x1B8E;
	s24 =	sld [smem:$0x3FFE];
	[sflag:s23] =	ssyncadd.s32 $0xFFFFFFFF  }
0xa5: {  	s26 =	simm.s32 $execute0_lowered;
	[smem:$0x3FD2] =	sst s25  }
0xa6: {  	s4 =	sshll.u32 s26, $0x1;
	_ =	strace $0x80000046;
	[dreg:$0x1] =	wrdreg $0xFFFFFFFF  }
0xa7: {  	s28 =	simm.s32 $_size_execute0_lowered;
	s2 =	sadd.s32 s2, s4;
	[dreg:$0x0] =	wrdreg $0x0  }
0xa8: {  	s4 =	sshll.u32 s28, $0x1;
	[dreg:$0x2] =	wrdreg s2  }
0xa9: {  	[dreg:$0x3] =	wrdreg s4  }
0xaa: {  	[dreg:$0x4] =	wrdreg $0xC0  }
0xab: {  	_ =	task [dreg:s6], $0x5FFFF  }
0xac: {  	[dreg:$0x1] =	wrdreg $0xFFFFFFFF  }
0xad: {  	[dreg:$0x0] =	wrdreg $0x60  }
0xae: {  	[dreg:$0x2] =	wrdreg s24  }
0xaf: {  	[dreg:$0x3] =	wrdreg $0x9  }
0xb0: {  	_ =	task.clear_ibuf [dreg:s6], $0x4FFFF;
	_ =	strace $0x90000046  }
0xb1: {  	s29 =	simm.s32 $0x9;
	_ =	strace $0x80000048  }
0xb2: {  	_ =	swait.ge [sflag:s29], $0x1  }
0xb3: {  	[sflag:s29] =	ssyncadd.s32 $0xFFFFFFFF  }
0xb4: {  	_ =	strace $0x90000048  }
0xb5: {  	_ =	sfence  }
0xb6: {  	s30 =	sld [smem:$0x0];
	_ =	sdelay $0x2  }
0xb7: {  	s31 =	sshll.u32 s1, $0xD;
	s1 =	sshrl.u32 s1, $0x2  }
0xb8: {  	s3 =	sand.u32 $0x4000, s31;
	s1 =	sadd.s32 s1, s30  }
0xb9: {  	s0 =	sor.u32 s3, s0;
	s1 =	sshll.u32 s1, $0x11  }
0xba: {  	s0 =	sor.u32 s1, s0  }
0xbb: {  	s0 =	sadd.s32 $0x8F2B, s0  }
0xbc: {  	[sflag:s0] =	ssyncadd.remote.s32 $0x1  }
0xbd: {  	_ =	sfence.sel $0xFFFF  }
0xbe: {  	[dreg:$0x0] =	wrdreg $0xFFFFFFFF;
	(pc) =	sbr.abs _section_cstart, $3  }
0xbf: {  	[dreg:$0x1] =	wrdreg $0xFFFFFFFF  }
0xc0: {  	_ =	task.clear_ibuf [dreg:s6], $0x2FFFF;
	_ =	strace $0x9FFFFFFF  }
0xc1: {  	(tm) =	ssettm $0x7FFFFFFF  }
tec
execute0_lowered:
.L_overlay_start_1:
0x0: {  	(tag) =	ssettag $0x1  }
0x1: {  	s0 =	srdreg.scid  }
0x2: {  	s1 =	stileid.u32;
	s5 =	rddreg [dreg:$0x0]  }
0x3: {  	s26 =	simm.s32 $0x80;
	s9 =	simm.s32 $0x2;
	s12 =	simm.s32 $0x1900  }
0x4: {  	s13 =	simm.s32 $0x2100;
	s14 =	simm.s32 $0x2900;
	s15 =	simm.s32 $0x3100  }
0x5: {  	s16 =	simm.s32 $0x3900;
	s17 =	simm.s32 $0x4100;
	s18 =	simm.s32 $0x4900  }
0x6: {  	s19 =	simm.s32 $0x5100;
	s20 =	simm.s32 $0x5900;
	s21 =	simm.s32 $0x6100  }
0x7: {  	s22 =	simm.s32 $0x6900;
	s23 =	simm.s32 $0x7100;
	s24 =	simm.s32 $0x7900  }
0x8: {  	s28 =	simm.s32 $0x9100;
	s29 =	simm.s32 $0x9900;
	s30 =	simm.s32 $0xA100  }
0x9: {  	s31 =	simm.s32 $0xA900;
	s8 =	simm.s32 $0xB900;
	s0 =	sand.u32 $0x1, s0  }
0xa: {  	s1 =	sshll.u32 s1, $0x4;
	s2 =	sshll.u32 s0, $0x3;
	s0 =	ssub.s32 $0x2, s0  }
0xb: {  	s1 =	sor.u32 s2, s1;
	s2 =	simm.s32 $0x0;
	s7 =	sshrl.u32 s0, $0x1  }
0xc: {  	s3 =	smul.u32 $0x300, s1;
	[smem:$0x7FF] =	sst s2;
	s1 =	sadd.s32 s1, s5  }
0xd: {  	s0 =	ssub.s32 s0, s7;
	s7 =	simm.s32 $0x3;
	_ =	strace $0x80000047  }
0xe: {  	s6 =	sadd.s32 $0x7E600, s1;
	s1 =	sadd.s32 $0x7E700, s1;
	[dreg:$0x5] =	wrdreg s26  }
0xf: {  	s26 =	simm.s32 $0x8900;
	s4 =	sadd.s32 s3, s5;
	[dreg:$0x2] =	wrdreg s6  }
0x10: {  	v2 =	vlaneseq.u32;
	s3 =	sadd.s32 $0x86C00, s5;
	[dreg:$0x3] =	wrdreg s1;
	s6 =	smax.u32 s0, $0x1  }
0x11: {  	vm0 =	vmmov $0xffff;
	v1 =	vshrl.u32 v2, $0x3;
	s1 =	simm.s32 $0xB100;
	s25 =	sadd.s32 $0x4E600, s4;
	s4 =	sadd.s32 $0x86D00, s5  }
0x12: {  	v0 =	vand.u32 $0x7, v2;
	v2 =	vor.u32 $0x8, v2;
	v1 =	vmul.u32 $0x8, v1;
	s5 =	sadd.s32 $0x86E00, s5;
	[dreg:$0x4] =	wrdreg s25;
	s25 =	simm.s32 $0x8100  }
.LBB2_1:
0x13: {  	s10 =	rddreg [dreg:$0x2]  }
0x14: {  	[tilespmem:s2], [sflag:$0x3] =	stream.linear.gather [hbm4b:s10+s2], $0x40, $0x38;
	[tilespmem:$0xC100] =	vst v63  }
0x15: {  	_ =	swait.ge [sflag:s7], $0x40  }
0x16: {  	s0 =	rddreg [dreg:$0x3];
	[sflag:s7] =	ssyncset.done $0x0  }
0x17: {  	s11 =	rddreg [dreg:$0x5];
	[sflag:s7] =	ssyncadd.s32 $0xFFFFFFC0  }
0x18: {  	[tilespmem:s11], [sflag:$0x3] =	stream.linear.gather [hbm4b:s0+s2], $0x40, $0x38;
	[tilespmem:$0xC100] =	vst v63  }
0x19: {  	_ =	swait.ge [sflag:s7], $0x40  }
0x1a: {  	[sflag:s7] =	ssyncset.done $0x0  }
0x1b: {  	s0 =	simm.s32 $0x100;
	s11 =	rddreg [dreg:$0x4];
	[sflag:s7] =	ssyncadd.s32 $0xFFFFFFC0  }
0x1c: {  	[tilespmem:s0], [sflag:$0x3] =	stream.linear.gather [hbm4b:s11+s2], $0xC000, $0x38;
	[tilespmem:$0xC100] =	vst v63  }
0x1d: {  	_ =	swait.ge [sflag:s7], $0xC000  }
0x1e: {  	[sflag:s7] =	ssyncset.done $0x0  }
0x1f: {  	[sflag:s7] =	ssyncadd.s32 $0xFFFF4000  }
0x20: {  	v3 =	vld [tilespmem:$0x0];
	_ =	sdelay $0x4  }
0x21: {  	v4 =	vshrl.u32 v3, $0x3  }
0x22: {  	v4 =	vmul.u32 $0x30, v4  }
0x23: {  	v3 =	vand.u32 $0x7, v3  }
0x24: {  	v3 =	vor.u32 v3, v4  }
0x25: {  	v4 =	vperm.xlane v3, v0;
	_ =	sdelay $0x1  }
0x26: {  	v4 =	vadd.s32 v1, v4;
	_ =	sdelay $0x3  }
0x27: {  	v3 =	vperm.xlane v3, v2  }
0x28: {  	[hbm4b:s3+s2] =	stream.indirect_vreg.scatter [tilespmem:s0], [sflag:$0x1], $0x80, v4, vm0, $0xb8;
	[tilespmem:$0xC100] =	vst v63  }
0x29: {  	s10 =	simm.s32 $0x900;
	v3 =	vadd.s32 v1, v3  }
0x2a: {  	[hbm4b:s4+s2] =	stream.indirect_vreg.scatter [tilespmem:s10], [sflag:$0x1], $0x80, v4, vm0, $0xb8;
	[tilespmem:$0xC100] =	vst v63  }
0x2b: {  	s11 =	simm.s32 $0x1100  }
0x2c: {  	[hbm4b:s5+s2] =	stream.indirect_vreg.scatter [tilespmem:s11], [sflag:$0x1], $0x80, v4, vm0, $0xb8;
	[tilespmem:$0xC100] =	vst v63  }
0x2d: {  	_ = 	snop  }
0x2e: {  	[hbm4b:s3+s2] =	stream.indirect_vreg.scatter [tilespmem:s12], [sflag:$0x1], $0x80, v3, vm0, $0xb8;
	[tilespmem:$0xC100] =	vst v63  }
0x2f: {  	_ = 	snop  }
0x30: {  	[hbm4b:s4+s2] =	stream.indirect_vreg.scatter [tilespmem:s13], [sflag:$0x1], $0x80, v3, vm0, $0xb8;
	[tilespmem:$0xC100] =	vst v63  }
0x31: {  	_ = 	snop  }
0x32: {  	[hbm4b:s5+s2] =	stream.indirect_vreg.scatter [tilespmem:s14], [sflag:$0x1], $0x80, v3, vm0, $0xb8;
	[tilespmem:$0xC100] =	vst v63  }
0x33: {  	v3 =	vld [tilespmem:$0x10];
	_ =	sdelay $0x4  }
0x34: {  	v57 =	vshrl.u32 v3, $0x3  }
0x35: {  	v4 =	vmul.u32 $0x30, v57  }
0x36: {  	v3 =	vand.u32 $0x7, v3  }
0x37: {  	v3 =	vor.u32 v3, v4  }
0x38: {  	v4 =	vperm.xlane v3, v0;
	_ =	sdelay $0x1  }
0x39: {  	v4 =	vadd.s32 v1, v4;
	_ =	sdelay $0x3  }
0x3a: {  	v3 =	vperm.xlane v3, v2  }
0x3b: {  	[hbm4b:s3+s2] =	stream.indirect_vreg.scatter [tilespmem:s15], [sflag:$0x1], $0x80, v4, vm0, $0xb8;
	[tilespmem:$0xC100] =	vst v63  }
0x3c: {  	v3 =	vadd.s32 v1, v3  }
0x3d: {  	[hbm4b:s4+s2] =	stream.indirect_vreg.scatter [tilespmem:s16], [sflag:$0x1], $0x80, v4, vm0, $0xb8;
	[tilespmem:$0xC100] =	vst v63  }
0x3e: {  	_ = 	snop  }
0x3f: {  	[hbm4b:s5+s2] =	stream.indirect_vreg.scatter [tilespmem:s17], [sflag:$0x1], $0x80, v4, vm0, $0xb8;
	[tilespmem:$0xC100] =	vst v63  }
0x40: {  	_ = 	snop  }
0x41: {  	[hbm4b:s3+s2] =	stream.indirect_vreg.scatter [tilespmem:s18], [sflag:$0x1], $0x80, v3, vm0, $0xb8;
	[tilespmem:$0xC100] =	vst v63  }
0x42: {  	_ = 	snop  }
0x43: {  	[hbm4b:s4+s2] =	stream.indirect_vreg.scatter [tilespmem:s19], [sflag:$0x1], $0x80, v3, vm0, $0xb8;
	[tilespmem:$0xC100] =	vst v63  }
0x44: {  	_ = 	snop  }
0x45: {  	[hbm4b:s5+s2] =	stream.indirect_vreg.scatter [tilespmem:s20], [sflag:$0x1], $0x80, v3, vm0, $0xb8;
	[tilespmem:$0xC100] =	vst v63  }
0x46: {  	v3 =	vld [tilespmem:$0x20];
	_ =	sdelay $0x4  }
0x47: {  	v58 =	vshrl.u32 v3, $0x3  }
0x48: {  	v4 =	vmul.u32 $0x30, v58  }
0x49: {  	v3 =	vand.u32 $0x7, v3  }
0x4a: {  	v3 =	vor.u32 v3, v4  }
0x4b: {  	v4 =	vperm.xlane v3, v0;
	_ =	sdelay $0x1  }
0x4c: {  	v4 =	vadd.s32 v1, v4;
	_ =	sdelay $0x3  }
0x4d: {  	v3 =	vperm.xlane v3, v2  }
0x4e: {  	[hbm4b:s3+s2] =	stream.indirect_vreg.scatter [tilespmem:s21], [sflag:$0x1], $0x80, v4, vm0, $0xb8;
	[tilespmem:$0xC100] =	vst v63  }
0x4f: {  	v3 =	vadd.s32 v1, v3  }
0x50: {  	[hbm4b:s4+s2] =	stream.indirect_vreg.scatter [tilespmem:s22], [sflag:$0x1], $0x80, v4, vm0, $0xb8;
	[tilespmem:$0xC100] =	vst v63  }
0x51: {  	_ = 	snop  }
0x52: {  	[hbm4b:s5+s2] =	stream.indirect_vreg.scatter [tilespmem:s23], [sflag:$0x1], $0x80, v4, vm0, $0xb8;
	[tilespmem:$0xC100] =	vst v63  }
0x53: {  	_ = 	snop  }
0x54: {  	[hbm4b:s3+s2] =	stream.indirect_vreg.scatter [tilespmem:s24], [sflag:$0x1], $0x80, v3, vm0, $0xb8;
	[tilespmem:$0xC100] =	vst v63  }
0x55: {  	_ = 	snop  }
0x56: {  	[hbm4b:s4+s2] =	stream.indirect_vreg.scatter [tilespmem:s25], [sflag:$0x1], $0x80, v3, vm0, $0xb8;
	[tilespmem:$0xC100] =	vst v63  }
0x57: {  	_ = 	snop  }
0x58: {  	[hbm4b:s5+s2] =	stream.indirect_vreg.scatter [tilespmem:s26], [sflag:$0x1], $0x80, v3, vm0, $0xb8;
	[tilespmem:$0xC100] =	vst v63  }
0x59: {  	v3 =	vld [tilespmem:$0x30];
	_ =	sdelay $0x4  }
0x5a: {  	v59 =	vshrl.u32 v3, $0x3  }
0x5b: {  	v4 =	vmul.u32 $0x30, v59  }
0x5c: {  	v3 =	vand.u32 $0x7, v3  }
0x5d: {  	v3 =	vor.u32 v3, v4  }
0x5e: {  	v4 =	vperm.xlane v3, v0;
	_ =	sdelay $0x1  }
0x5f: {  	v4 =	vadd.s32 v1, v4;
	_ =	sdelay $0x3  }
0x60: {  	v3 =	vperm.xlane v3, v2  }
0x61: {  	[hbm4b:s3+s2] =	stream.indirect_vreg.scatter [tilespmem:s28], [sflag:$0x1], $0x80, v4, vm0, $0xb8;
	[tilespmem:$0xC100] =	vst v63  }
0x62: {  	v3 =	vadd.s32 v1, v3  }
0x63: {  	[hbm4b:s4+s2] =	stream.indirect_vreg.scatter [tilespmem:s29], [sflag:$0x1], $0x80, v4, vm0, $0xb8;
	[tilespmem:$0xC100] =	vst v63  }
0x64: {  	_ = 	snop  }
0x65: {  	[hbm4b:s5+s2] =	stream.indirect_vreg.scatter [tilespmem:s30], [sflag:$0x1], $0x80, v4, vm0, $0xb8;
	[tilespmem:$0xC100] =	vst v63  }
0x66: {  	_ = 	snop  }
0x67: {  	[hbm4b:s3+s2] =	stream.indirect_vreg.scatter [tilespmem:s31], [sflag:$0x1], $0x80, v3, vm0, $0xb8;
	[tilespmem:$0xC100] =	vst v63  }
0x68: {  	_ = 	snop  }
0x69: {  	[hbm4b:s4+s2] =	stream.indirect_vreg.scatter [tilespmem:s1], [sflag:$0x1], $0x80, v3, vm0, $0xb8;
	[tilespmem:$0xC100] =	vst v63  }
0x6a: {  	_ = 	snop  }
0x6b: {  	[hbm4b:s5+s2] =	stream.indirect_vreg.scatter [tilespmem:s8], [sflag:$0x1], $0x80, v3, vm0, $0xb8;
	[tilespmem:$0xC100] =	vst v63  }
0x6c: {  	v3 =	vld [tilespmem:$0x80];
	_ =	sdelay $0x4  }
0x6d: {  	v60 =	vshrl.u32 v3, $0x3  }
0x6e: {  	v4 =	vmul.u32 $0x30, v60  }
0x6f: {  	v3 =	vand.u32 $0x7, v3  }
0x70: {  	v3 =	vor.u32 v3, v4  }
0x71: {  	v4 =	vperm.xlane v3, v0;
	_ =	sdelay $0x1  }
0x72: {  	v4 =	vadd.s32 v1, v4;
	_ =	sdelay $0x3  }
0x73: {  	v3 =	vperm.xlane v3, v2  }
0x74: {  	[hbm4b:s3+s2] =	stream.indirect_vreg.scatter [tilespmem:s0], [sflag:$0x2], $0x80, v4, vm0, $0xb8;
	[tilespmem:$0xC100] =	vst v63  }
0x75: {  	v3 =	vadd.s32 v1, v3  }
0x76: {  	[hbm4b:s4+s2] =	stream.indirect_vreg.scatter [tilespmem:s10], [sflag:$0x2], $0x80, v4, vm0, $0xb8;
	[tilespmem:$0xC100] =	vst v63  }
0x77: {  	_ = 	snop  }
0x78: {  	[hbm4b:s5+s2] =	stream.indirect_vreg.scatter [tilespmem:s11], [sflag:$0x2], $0x80, v4, vm0, $0xb8;
	[tilespmem:$0xC100] =	vst v63  }
0x79: {  	_ = 	snop  }
0x7a: {  	[hbm4b:s3+s2] =	stream.indirect_vreg.scatter [tilespmem:s12], [sflag:$0x2], $0x80, v3, vm0, $0xb8;
	[tilespmem:$0xC100] =	vst v63  }
0x7b: {  	_ = 	snop  }
0x7c: {  	[hbm4b:s4+s2] =	stream.indirect_vreg.scatter [tilespmem:s13], [sflag:$0x2], $0x80, v3, vm0, $0xb8;
	[tilespmem:$0xC100] =	vst v63  }
0x7d: {  	_ = 	snop  }
0x7e: {  	[hbm4b:s5+s2] =	stream.indirect_vreg.scatter [tilespmem:s14], [sflag:$0x2], $0x80, v3, vm0, $0xb8;
	[tilespmem:$0xC100] =	vst v63  }
0x7f: {  	v3 =	vld [tilespmem:$0x90];
	_ =	sdelay $0x4  }
0x80: {  	v61 =	vshrl.u32 v3, $0x3  }
0x81: {  	v4 =	vmul.u32 $0x30, v61  }
0x82: {  	v3 =	vand.u32 $0x7, v3  }
0x83: {  	v3 =	vor.u32 v3, v4  }
0x84: {  	v4 =	vperm.xlane v3, v0;
	_ =	sdelay $0x1  }
0x85: {  	v4 =	vadd.s32 v1, v4;
	_ =	sdelay $0x3  }
0x86: {  	v3 =	vperm.xlane v3, v2  }
0x87: {  	[hbm4b:s3+s2] =	stream.indirect_vreg.scatter [tilespmem:s15], [sflag:$0x2], $0x80, v4, vm0, $0xb8;
	[tilespmem:$0xC100] =	vst v63  }
0x88: {  	v3 =	vadd.s32 v1, v3  }
0x89: {  	[hbm4b:s4+s2] =	stream.indirect_vreg.scatter [tilespmem:s16], [sflag:$0x2], $0x80, v4, vm0, $0xb8;
	[tilespmem:$0xC100] =	vst v63  }
0x8a: {  	_ = 	snop  }
0x8b: {  	[hbm4b:s5+s2] =	stream.indirect_vreg.scatter [tilespmem:s17], [sflag:$0x2], $0x80, v4, vm0, $0xb8;
	[tilespmem:$0xC100] =	vst v63  }
0x8c: {  	_ = 	snop  }
0x8d: {  	[hbm4b:s3+s2] =	stream.indirect_vreg.scatter [tilespmem:s18], [sflag:$0x2], $0x80, v3, vm0, $0xb8;
	[tilespmem:$0xC100] =	vst v63  }
0x8e: {  	_ = 	snop  }
0x8f: {  	[hbm4b:s4+s2] =	stream.indirect_vreg.scatter [tilespmem:s19], [sflag:$0x2], $0x80, v3, vm0, $0xb8;
	[tilespmem:$0xC100] =	vst v63  }
0x90: {  	_ = 	snop  }
0x91: {  	[hbm4b:s5+s2] =	stream.indirect_vreg.scatter [tilespmem:s20], [sflag:$0x2], $0x80, v3, vm0, $0xb8;
	[tilespmem:$0xC100] =	vst v63  }
0x92: {  	v3 =	vld [tilespmem:$0xA0];
	_ =	sdelay $0x4  }
0x93: {  	v62 =	vshrl.u32 v3, $0x3  }
0x94: {  	v4 =	vmul.u32 $0x30, v62  }
0x95: {  	v3 =	vand.u32 $0x7, v3  }
0x96: {  	v3 =	vor.u32 v3, v4  }
0x97: {  	v4 =	vperm.xlane v3, v0;
	_ =	sdelay $0x1  }
0x98: {  	v4 =	vadd.s32 v1, v4;
	_ =	sdelay $0x3  }
0x99: {  	v3 =	vperm.xlane v3, v2  }
0x9a: {  	[hbm4b:s3+s2] =	stream.indirect_vreg.scatter [tilespmem:s21], [sflag:$0x2], $0x80, v4, vm0, $0xb8;
	[tilespmem:$0xC100] =	vst v63  }
0x9b: {  	v3 =	vadd.s32 v1, v3  }
0x9c: {  	[hbm4b:s4+s2] =	stream.indirect_vreg.scatter [tilespmem:s22], [sflag:$0x2], $0x80, v4, vm0, $0xb8;
	[tilespmem:$0xC100] =	vst v63  }
0x9d: {  	_ = 	snop  }
0x9e: {  	[hbm4b:s5+s2] =	stream.indirect_vreg.scatter [tilespmem:s23], [sflag:$0x2], $0x80, v4, vm0, $0xb8;
	[tilespmem:$0xC100] =	vst v63  }
0x9f: {  	_ = 	snop  }
0xa0: {  	[hbm4b:s3+s2] =	stream.indirect_vreg.scatter [tilespmem:s24], [sflag:$0x2], $0x80, v3, vm0, $0xb8;
	[tilespmem:$0xC100] =	vst v63  }
0xa1: {  	_ = 	snop  }
0xa2: {  	[hbm4b:s4+s2] =	stream.indirect_vreg.scatter [tilespmem:s25], [sflag:$0x2], $0x80, v3, vm0, $0xb8;
	[tilespmem:$0xC100] =	vst v63  }
0xa3: {  	_ = 	snop  }
0xa4: {  	[hbm4b:s5+s2] =	stream.indirect_vreg.scatter [tilespmem:s26], [sflag:$0x2], $0x80, v3, vm0, $0xb8;
	[tilespmem:$0xC100] =	vst v63  }
0xa5: {  	v3 =	vld [tilespmem:$0xB0];
	_ =	sdelay $0x4  }
0xa6: {  	v63 =	vshrl.u32 v3, $0x3  }
0xa7: {  	v4 =	vmul.u32 $0x30, v63  }
0xa8: {  	v3 =	vand.u32 $0x7, v3  }
0xa9: {  	v3 =	vor.u32 v3, v4  }
0xaa: {  	v4 =	vperm.xlane v3, v0;
	_ =	sdelay $0x1  }
0xab: {  	v4 =	vadd.s32 v1, v4;
	_ =	sdelay $0x3  }
0xac: {  	v3 =	vperm.xlane v3, v2  }
0xad: {  	[hbm4b:s3+s2] =	stream.indirect_vreg.scatter [tilespmem:s28], [sflag:$0x2], $0x80, v4, vm0, $0xb8;
	[tilespmem:$0xC100] =	vst v63  }
0xae: {  	v3 =	vadd.s32 v1, v3  }
0xaf: {  	[hbm4b:s4+s2] =	stream.indirect_vreg.scatter [tilespmem:s29], [sflag:$0x2], $0x80, v4, vm0, $0xb8;
	[tilespmem:$0xC100] =	vst v63  }
0xb0: {  	_ = 	snop  }
0xb1: {  	[hbm4b:s5+s2] =	stream.indirect_vreg.scatter [tilespmem:s30], [sflag:$0x2], $0x80, v4, vm0, $0xb8;
	[tilespmem:$0xC100] =	vst v63  }
0xb2: {  	_ = 	snop  }
0xb3: {  	[hbm4b:s3+s2] =	stream.indirect_vreg.scatter [tilespmem:s31], [sflag:$0x2], $0x80, v3, vm0, $0xb8;
	[tilespmem:$0xC100] =	vst v63  }
0xb4: {  	_ = 	snop  }
0xb5: {  	[hbm4b:s4+s2] =	stream.indirect_vreg.scatter [tilespmem:s1], [sflag:$0x2], $0x80, v3, vm0, $0xb8;
	[tilespmem:$0xC100] =	vst v63  }
0xb6: {  	s11 =	simm.s32 $0x1  }
0xb7: {  	[hbm4b:s5+s2] =	stream.indirect_vreg.scatter [tilespmem:s8], [sflag:$0x2], $0x80, v3, vm0, $0xb8;
	[tilespmem:$0xC100] =	vst v63  }
0xb8: {  	p0 =	sne.s32 s6, $0x1;
	_ =	swait.ge [sflag:s11], $0xC000  }
.Ltmp0:
0xb9: {  	[sflag:s11] =	ssyncset.done $0x0;
	(pc) =	sbr.rel @p0 .LBB2_1-.Ltmp0, $4  }
0xba: {  	[sflag:s11] =	ssyncadd.s32 $0xFFFF4000  }
0xbb: {  	_ =	swait.ge [sflag:s9], $0xC000  }
0xbc: {  	[sflag:s9] =	ssyncset.done $0x0  }
0xbd: {  	s6 =	sadd.s32 $0xFFFFFFFF, s6;
	[sflag:s9] =	ssyncadd.s32 $0xFFFF4000  }
0xbe: {  	_ =	sfence.sel $0x180000  }
0xbf: {  	[bflag:$0x0] =	sbarrier.arrive $0xFFFF  }
0xc0: {  	_ =	strace $0x90000047  }
0xc1: {  	s0 =	stileid.u32;
	[bflag:$0x2] =	sbarrier.arrive $0xFFFF  }
0xc2: {  	p0 =	sne.s32 s0, $0x0;
	s0 =	rddreg [dreg:$0x1]  }
0xc3: {  	s0 =	sadd.s32 @!p0 $0x100000, s0  }
0xc4: {  	[sflag:s0] =	ssyncadd.tile.s32 @!p0 $0x1;
	_ =	shalt  }
.Lfunc_end2:
_tile_overlayer_lowered:
.L_overlay_start_2:
0xc5: {  	(tag) =	ssettag $0x2  }
0xc6: {  	s0 =	rddreg [dreg:$0x0];
	s2 =	stileid.u32  }
0xc7: {  	s1 =	rddreg [dreg:$0x1];
	p0 =	sne.s32 s2, $0x0  }
0xc8: {  	s3 =	rddreg [dreg:$0x2];
	[bflag:$0x3] =	sbarrier.arrive $0xFFFF;
	s2 =	simm.s32 @!p0 $0x1C03  }
0xc9: {  	[timem:s3], [sflag:s2] =	dma.local @!p0 [hbm:s0], s1  }
0xca: {  	s0 =	simm.s32 @!p0 $0x3  }
0xcb: {  	_ =	swait.ge @!p0 [sflag:s0], s1  }
0xcc: {  	s1 =	ssub.s32 @!p0 $0x0, s1;
	[sflag:s0] =	ssyncset.done @!p0 $0x0  }
0xcd: {  	[sflag:s0] =	ssyncadd.s32 @!p0 s1  }
0xce: {  	[bflag:$0x3] =	sbarrier.arrive $0xFFFF  }
0xcf: {  	_ =	shalt  }

// kernel: kernel.21.cloned.1.call-start
scs
__scs_entry_jumppad:
0x0: {  	(pc) =	sbr.rel $0x88, $3  }
0x1: {  	(tag) =	ssettag $0x0;
	lr =	simm.s32 $0x1  }
0x2: {  	[smem:$0x3F89] =	sst lr;
	_ =	strace $0xD0000000  }
0x3: {  	_ = 	snop  }
0x4: {  	_ = 	snop  }
0x5: {  	_ = 	snop  }
0x6: {  	_ = 	snop  }
0x7: {  	_ = 	snop  }
__scs_overlays_trampoline_lowered:
0x8: {  	[smem:$0x3F98] =	sst s0  }
0x9: {  	[smem:$0x3F99] =	sst s1  }
0xa: {  	[smem:$0x3F9A] =	sst s2  }
0xb: {  	[smem:$0x3F9B] =	sst s3  }
0xc: {  	[smem:$0x3F9C] =	sst s4  }
0xd: {  	[smem:$0x3F9D] =	sst s5  }
0xe: {  	[smem:$0x3F9E] =	sst s6  }
0xf: {  	[smem:$0x3F9F] =	sst s7  }
0x10: {  	[smem:$0x3FA0] =	sst s8  }
0x11: {  	[smem:$0x3FA1] =	sst s9;
	s0 =	simm.s32 @!p0 $0x0  }
0x12: {  	s1 =	sld [smem:$0x3F87];
	s0 =	simm.s32 @p0 $0x1  }
0x13: {  	[smem:$0x3FA2] =	sst s0;
	s0 =	simm.s32 @!p1 $0x0  }
0x14: {  	s2 =	sld [smem:$0x3F86];
	s0 =	simm.s32 @p1 $0x1  }
0x15: {  	[smem:$0x3FA3] =	sst s0;
	s0 =	simm.s32 @!p2 $0x0  }
0x16: {  	s3 =	sld [smem:$0x3FDB];
	s0 =	simm.s32 @p2 $0x1  }
0x17: {  	s4 =	simm.s32 $0x1BF5;
	[smem:$0x3FA5] =	sst s0  }
0x18: {  	s0 =	sld [smem:$0x3F88];
	_ =	swait.ge [sflag:s4], $0x0  }
0x19: {  	s7 =	sld [smem:$0x3F89]  }
0x1a: {  	s8 =	sadd.s32 $0xFFFFE003, lr  }
0x1b: {  	s9 =	sadd.s32 $0xFFFFFEF7, lr;
	s5 =	simm.s32 $0xFFFFFFFF;
	p2 =	slt.u32 s8, $0xFFFFF086  }
0x1c: {  	p1 =	slt.u32 s9, $0xF7A;
	s5 =	simm.s32 @!p2 $0x0  }
0x1d: {  	s5 =	simm.s32 @p1 $0x1;
	p0 =	seq.s32 s7, s2  }
0x1e: {  	s7 =	smul.u32 @!p0 $0xF7A, s2;
	p2 =	seq.s32 @!p0 s5, $0x0  }
0x1f: {  	s9 =	smul.u32 $0xF7A, s1;
	s8 =	simm.s32 @!p0 $0x1BF5;
	p2 =	por !p2, p0  }
0x20: {  	[sflag:s8] =	ssyncset.s32 @!p0 $0xFFFFF086;
	s6 =	sadd.s32 @!p0 s3, s7;
	s7 =	simm.s32 @!p0 $0x108  }
0x21: {  	s3 =	sadd.s32 s3, s9;
	s6 =	sadd.s32 @!p0 $0x88, s6;
	s7 =	simm.s32 @p2 $0x1082  }
0x22: {  	[simem:s7], [sflag:s8] =	dma.local @!p0 [hbm:s6], $0xF7A  }
0x23: {  	s9 =	sor.u32 $0xD0000000, s2;
	s6 =	simm.s32 $0x108;
	_ =	swait.ge @!p0 [sflag:s8], $0x0  }
0x24: {  	s3 =	sadd.s32 $0x88, s3;
	s6 =	simm.s32 @!p1 $0x1082;
	[sflag:s4] =	ssyncset.s32 $0xFFFFF086  }
0x25: {  	[simem:s6], [sflag:s4] =	dma.local [hbm:s3], $0xF7A  }
0x26: {  	[smem:$0x3F89] =	sst s1;
	(tag) =	ssettag s2;
	_ =	strace s9  }
0x27: {  	s1 =	sld [smem:$0x3F99]  }
0x28: {  	s2 =	sld [smem:$0x3F9A]  }
0x29: {  	s4 =	sld [smem:$0x3F9C]  }
0x2a: {  	p0 =	seq.s32 s5, $0x0;
	s5 =	sld [smem:$0x3F9D]  }
0x2b: {  	s6 =	sld [smem:$0x3F9E]  }
0x2c: {  	s7 =	sld [smem:$0x3F9F]  }
0x2d: {  	s3 =	simm.s32 $0x108;
	s8 =	sld [smem:$0x3FA0]  }
0x2e: {  	s3 =	simm.s32 @!p0 $0x1082;
	s9 =	sld [smem:$0x3FA1]  }
0x2f: {  	lr =	sadd.s32 s0, s3;
	s0 =	sld [smem:$0x3F98]  }
0x30: {  	s3 =	sld [smem:$0x3F9B]  }
0x31: {  	[smem:$0x3FA4] =	sst s10  }
0x32: {  	s10 =	sld [smem:$0x3FA2];
	_ =	sdelay $0x3  }
0x33: {  	p0 =	seq.s32 s10, $0x1;
	s10 =	sld [smem:$0x3FA4];
	_ =	sdelay $0x3  }
0x34: {  	[smem:$0x3FA4] =	sst s10  }
0x35: {  	s10 =	sld [smem:$0x3FA3];
	_ =	sdelay $0x3  }
0x36: {  	p1 =	seq.s32 s10, $0x1;
	s10 =	sld [smem:$0x3FA4];
	_ =	sdelay $0x3  }
0x37: {  	[smem:$0x3FA4] =	sst s10  }
0x38: {  	s10 =	sld [smem:$0x3FA5]  }
0x39: {  	_ = 	snop;
	(pc) =	sbr.ind lr, $3  }
0x3a: {  	_ = 	snop  }
0x3b: {  	_ = 	snop  }
0x3c: {  	p2 =	seq.s32 s10, $0x1;
	s10 =	sld [smem:$0x3FA4]  }
0x3d: {  	_ =	shalt  }
0x3e: {  	_ =	shalt  }
0x3f: {  	_ =	shalt  }
0x40: {  	_ =	shalt  }
0x41: {  	_ =	shalt  }
0x42: {  	_ =	shalt  }
0x43: {  	_ =	shalt  }
0x44: {  	_ =	shalt  }
0x45: {  	_ =	shalt  }
0x46: {  	_ =	shalt  }
0x47: {  	_ =	shalt  }
0x48: {  	_ =	shalt  }
0x49: {  	_ =	shalt  }
0x4a: {  	_ =	shalt  }
0x4b: {  	_ =	shalt  }
0x4c: {  	_ =	shalt  }
0x4d: {  	_ =	shalt  }
0x4e: {  	_ =	shalt  }
0x4f: {  	_ =	shalt  }
0x50: {  	_ =	shalt  }
0x51: {  	_ =	shalt  }
0x52: {  	_ =	shalt  }
0x53: {  	_ =	shalt  }
0x54: {  	_ =	shalt  }
0x55: {  	_ =	shalt  }
0x56: {  	_ =	shalt  }
0x57: {  	_ =	shalt  }
0x58: {  	_ =	shalt  }
0x59: {  	_ =	shalt  }
0x5a: {  	_ =	shalt  }
0x5b: {  	_ =	shalt  }
0x5c: {  	_ =	shalt  }
0x5d: {  	_ =	shalt  }
0x5e: {  	_ =	shalt  }
0x5f: {  	_ =	shalt  }
0x60: {  	_ =	shalt  }
0x61: {  	_ =	shalt  }
0x62: {  	_ =	shalt  }
0x63: {  	_ =	shalt  }
0x64: {  	_ =	shalt  }
0x65: {  	_ =	shalt  }
0x66: {  	_ =	shalt  }
0x67: {  	_ =	shalt  }
0x68: {  	_ =	shalt  }
0x69: {  	_ =	shalt  }
0x6a: {  	_ =	shalt  }
0x6b: {  	_ =	shalt  }
0x6c: {  	_ =	shalt  }
0x6d: {  	_ =	shalt  }
0x6e: {  	_ =	shalt  }
0x6f: {  	_ =	shalt  }
0x70: {  	_ =	shalt  }
0x71: {  	_ =	shalt  }
0x72: {  	_ =	shalt  }
0x73: {  	_ =	shalt  }
0x74: {  	_ =	shalt  }
0x75: {  	_ =	shalt  }
0x76: {  	_ =	shalt  }
0x77: {  	_ =	shalt  }
0x78: {  	_ =	shalt  }
0x79: {  	_ =	shalt  }
0x7a: {  	_ =	shalt  }
0x7b: {  	_ =	shalt  }
0x7c: {  	_ =	shalt  }
0x7d: {  	_ =	shalt  }
0x7e: {  	_ =	shalt  }
0x7f: {  	_ =	shalt  }
0x80: {  	_ =	shalt  }
0x81: {  	_ =	shalt  }
0x82: {  	_ =	shalt  }
0x83: {  	_ =	shalt  }
0x84: {  	_ =	shalt  }
0x85: {  	_ =	shalt  }
0x86: {  	_ =	shalt  }
0x87: {  	_ =	shalt  }
.Lfunc_end0:
.L_simem_size_0:
called_computation.1_lowered:
.L_overlay_start_0:
0x88: {  	s2 =	sld [smem:$0x3FD9]  }
0x89: {  	s3 =	sld [smem:$0x3FFE];
	_ =	sdelay $0x1  }
0x8a: {  	s1 =	srdreg.scid  }
0x8b: {  	s0 =	sand.u32 $0x1, s1  }
0x8c: {  	s16 =	sshll.u32 s0, $0xA;
	s2 =	sadd.s32 s3, s2  }
0x8d: {  	s2 =	sadd.s32 s2, s16  }
0x8e: {  	[smem:$0x3FB0] =	sst s2  }
0x8f: {  	_ = 	snop  }
0x90: {  	(tm) =	ssettm $0x1  }
0x91: {  	s17 =	sld [smem:$0x3FFB];
	_ =	sdelay $0x3  }
0x92: {  	_ =	strace s17  }
0x93: {  	s2 =	sld [smem:$0x3FFC];
	_ =	sdelay $0x3  }
0x94: {  	_ =	strace s2  }
0x95: {  	s2 =	sld [smem:$0x3FFD];
	_ =	sdelay $0x3  }
0x96: {  	_ =	strace s2  }
0x97: {  	_ =	strace $0x8FFFFFFF  }
0x98: {  	s18 =	sld [smem:$0x3FDB];
	_ =	sdelay $0x1  }
0x99: {  	s19 =	simm.s32 $_scs_section_size  }
0x9a: {  	s4 =	simm.s32 $_size__tile_overlayer_lowered;
	s5 =	simm.s32 $_tile_overlayer_lowered  }
0x9b: {  	s22 =	simm.s32 $0x1BFF;
	s21 =	sshll.u32 s5, $0x1;
	s2 =	sadd.s32 s19, s18  }
0x9c: {  	s6 =	simm.s32 $0x0;
	s20 =	sshll.u32 s4, $0x1;
	s4 =	sadd.s32 s21, s2  }
0x9d: {  	[timem:s6], [sflag:s22] =	dma.local [hbm:s4], s20  }
0x9e: {  	_ =	swait.ge [sflag:s22], s20  }
0x9f: {  	s3 =	ssub.s32 $0x0, s20;
	[sflag:s22] =	ssyncset.done $0x0  }
0xa0: {  	[sflag:s22] =	ssyncadd.s32 s3;
	_ =	sdelay $0x1  }
0xa1: {  	s23 =	simm.s32 $0x1B8B  }
0xa2: {  	_ =	swait.ge [sflag:s23], $0x1  }
0xa3: {  	[sflag:s23] =	ssyncset.done $0x0  }
0xa4: {  	s25 =	simm.s32 $0x1B8E;
	s24 =	sld [smem:$0x3FFE];
	[sflag:s23] =	ssyncadd.s32 $0xFFFFFFFF  }
0xa5: {  	s26 =	simm.s32 $execute0_lowered;
	[smem:$0x3FD2] =	sst s25  }
0xa6: {  	s4 =	sshll.u32 s26, $0x1;
	_ =	strace $0x80000049;
	[dreg:$0x1] =	wrdreg $0xFFFFFFFF  }
0xa7: {  	s28 =	simm.s32 $_size_execute0_lowered;
	s2 =	sadd.s32 s2, s4;
	[dreg:$0x0] =	wrdreg $0x0  }
0xa8: {  	s4 =	sshll.u32 s28, $0x1;
	[dreg:$0x2] =	wrdreg s2  }
0xa9: {  	[dreg:$0x3] =	wrdreg s4  }
0xaa: {  	[dreg:$0x4] =	wrdreg $0xC0  }
0xab: {  	_ =	task [dreg:s6], $0x5FFFF  }
0xac: {  	[dreg:$0x1] =	wrdreg $0xFFFFFFFF  }
0xad: {  	[dreg:$0x0] =	wrdreg $0x60  }
0xae: {  	[dreg:$0x2] =	wrdreg s24  }
0xaf: {  	[dreg:$0x3] =	wrdreg $0x9  }
0xb0: {  	_ =	task.clear_ibuf [dreg:s6], $0x4FFFF;
	_ =	strace $0x90000049  }
0xb1: {  	s29 =	simm.s32 $0x9;
	_ =	strace $0x8000004B  }
0xb2: {  	_ =	swait.ge [sflag:s29], $0x1  }
0xb3: {  	[sflag:s29] =	ssyncadd.s32 $0xFFFFFFFF  }
0xb4: {  	_ =	strace $0x9000004B  }
0xb5: {  	_ =	sfence  }
0xb6: {  	s30 =	sld [smem:$0x0];
	_ =	sdelay $0x2  }
0xb7: {  	s31 =	sshll.u32 s1, $0xD;
	s1 =	sshrl.u32 s1, $0x2  }
0xb8: {  	s3 =	sand.u32 $0x4000, s31;
	s1 =	sadd.s32 s1, s30  }
0xb9: {  	s0 =	sor.u32 s3, s0;
	s1 =	sshll.u32 s1, $0x11  }
0xba: {  	s0 =	sor.u32 s1, s0  }
0xbb: {  	s0 =	sadd.s32 $0x8F2B, s0  }
0xbc: {  	[sflag:s0] =	ssyncadd.remote.s32 $0x1  }
0xbd: {  	_ =	sfence.sel $0xFFFF  }
0xbe: {  	[dreg:$0x0] =	wrdreg $0xFFFFFFFF;
	(pc) =	sbr.abs _section_cstart, $3  }
0xbf: {  	[dreg:$0x1] =	wrdreg $0xFFFFFFFF  }
0xc0: {  	_ =	task.clear_ibuf [dreg:s6], $0x2FFFF;
	_ =	strace $0x9FFFFFFF  }
0xc1: {  	(tm) =	ssettm $0x7FFFFFFF  }
tec
execute0_lowered:
.L_overlay_start_1:
0x0: {  	(tag) =	ssettag $0x1  }
0x1: {  	s1 =	srdreg.scid  }
0x2: {  	s0 =	stileid.u32;
	s1 =	sand.u32 $0x1, s1  }
0x3: {  	s2 =	sshll.u32 s0, $0x5;
	s3 =	sshll.u32 s1, $0x4  }
0x4: {  	s5 =	rddreg [dreg:$0x0];
	s3 =	sor.u32 s3, s2;
	s2 =	simm.s32 $0x0  }
0x5: {  	s26 =	simm.s32 $0x880;
	[smem:$0x7FF] =	sst s2  }
0x6: {  	s0 =	simm.s32 $0x1080;
	_ =	strace $0x8000004A;
	[dreg:$0x4] =	wrdreg s26  }
0x7: {  	s6 =	simm.s32 $0x2080;
	[dreg:$0x5] =	wrdreg s0  }
0x8: {  	s7 =	simm.s32 $0x2880;
	[dreg:$0x7] =	wrdreg s6  }
0x9: {  	s8 =	simm.s32 $0x3080;
	[dreg:$0x8] =	wrdreg s7  }
0xa: {  	s9 =	simm.s32 $0x3880;
	[dreg:$0x9] =	wrdreg s8  }
0xb: {  	s10 =	simm.s32 $0x4080;
	[dreg:$0xa] =	wrdreg s9  }
0xc: {  	s11 =	simm.s32 $0x4880;
	[dreg:$0xb] =	wrdreg s10  }
0xd: {  	s12 =	simm.s32 $0x5080;
	[dreg:$0xc] =	wrdreg s11  }
0xe: {  	s13 =	simm.s32 $0x5880;
	[dreg:$0xd] =	wrdreg s12  }
0xf: {  	s14 =	simm.s32 $0x6080;
	[dreg:$0xe] =	wrdreg s13  }
0x10: {  	s15 =	simm.s32 $0x6880;
	[dreg:$0xf] =	wrdreg s14  }
0x11: {  	s16 =	simm.s32 $0x7080;
	[dreg:$0x10] =	wrdreg s15  }
0x12: {  	s17 =	simm.s32 $0x7880;
	s18 =	simm.s32 $0x8080;
	[dreg:$0x11] =	wrdreg s16  }
0x13: {  	s19 =	simm.s32 $0x8880;
	s20 =	simm.s32 $0x9080;
	[dreg:$0x12] =	wrdreg s17  }
0x14: {  	s21 =	simm.s32 $0x9880;
	s22 =	simm.s32 $0xA080;
	[dreg:$0x13] =	wrdreg s18  }
0x15: {  	s23 =	simm.s32 $0xA880;
	s24 =	simm.s32 $0xB880;
	[dreg:$0x14] =	wrdreg s19  }
0x16: {  	s28 =	simm.s32 $0x16080;
	s29 =	simm.s32 $0x16880;
	[dreg:$0x15] =	wrdreg s20  }
0x17: {  	s30 =	simm.s32 $0x17080;
	s31 =	simm.s32 $0x17880;
	[dreg:$0x16] =	wrdreg s21  }
0x18: {  	s4 =	smul.u32 $0x300, s3;
	s3 =	sadd.s32 s3, s5;
	[dreg:$0x17] =	wrdreg s22  }
0x19: {  	s1 =	ssub.s32 $0x2, s1;
	s3 =	sadd.s32 $0x7E600, s3;
	[dreg:$0x18] =	wrdreg s23  }
0x1a: {  	s6 =	sshrl.u32 s1, $0x1;
	s7 =	simm.s32 $0xB080;
	[dreg:$0x1a] =	wrdreg s24  }
0x1b: {  	s8 =	simm.s32 $0x80;
	s26 =	simm.s32 $0xC880;
	s10 =	simm.s32 $0xD880  }
0x1c: {  	s11 =	simm.s32 $0xE080;
	s12 =	simm.s32 $0xE880;
	s13 =	simm.s32 $0xF080  }
0x1d: {  	s14 =	simm.s32 $0xF880;
	s15 =	simm.s32 $0x10080;
	s16 =	simm.s32 $0x10880  }
0x1e: {  	s17 =	simm.s32 $0x11080;
	s18 =	simm.s32 $0x11880;
	s19 =	simm.s32 $0x12080  }
0x1f: {  	s20 =	simm.s32 $0x12880;
	s21 =	simm.s32 $0x13080;
	s22 =	simm.s32 $0x13880  }
0x20: {  	s23 =	simm.s32 $0x14080;
	s24 =	simm.s32 $0x14880;
	[dreg:$0x2] =	wrdreg s3  }
0x21: {  	s4 =	sadd.s32 s4, s5;
	s3 =	sadd.s32 $0x86C00, s5;
	[dreg:$0x19] =	wrdreg s7  }
0x22: {  	s1 =	ssub.s32 s1, s6;
	s7 =	simm.s32 $0x2;
	[dreg:$0x1c] =	wrdreg s26  }
0x23: {  	s26 =	simm.s32 $0x15880;
	s25 =	sadd.s32 $0xFF000, s4;
	s4 =	simm.s32 $0x1880  }
0x24: {  	v2 =	vlaneseq.u32;
	s6 =	smax.u32 s1, $0x1;
	s1 =	simm.s32 $0x1;
	[dreg:$0x3] =	wrdreg s25  }
0x25: {  	vm0 =	vmmov $0xffff;
	v1 =	vshrl.u32 v2, $0x3;
	[dreg:$0x6] =	wrdreg s4;
	s4 =	sadd.s32 $0x86D00, s5;
	s25 =	simm.s32 $0xC080  }
0x26: {  	v0 =	vand.u32 $0x7, v2;
	v2 =	vor.u32 $0x8, v2;
	v1 =	vmul.u32 $0x8, v1;
	s5 =	sadd.s32 $0x86E00, s5;
	[dreg:$0x1b] =	wrdreg s25;
	s25 =	simm.s32 $0x15080  }
.LBB2_1:
0x27: {  	s0 =	rddreg [dreg:$0x2]  }
0x28: {  	[tilespmem:s2], [sflag:$0x2] =	stream.linear.gather [hbm4b:s0+s2], $0x80, $0x38;
	[tilespmem:$0x18080] =	vst v63  }
0x29: {  	_ =	swait.ge [sflag:s7], $0x80  }
0x2a: {  	[sflag:s7] =	ssyncset.done $0x0  }
0x2b: {  	[sflag:s7] =	ssyncadd.s32 $0xFFFFFF80  }
0x2c: {  	v3 =	vld [tilespmem:$0x0];
	_ =	sdelay $0x4  }
0x2d: {  	v4 =	vshrl.u32 v3, $0x3  }
0x2e: {  	v4 =	vmul.u32 $0x30, v4  }
0x2f: {  	v3 =	vand.u32 $0x7, v3  }
0x30: {  	v3 =	vor.u32 v3, v4  }
0x31: {  	v4 =	vperm.xlane v3, v0;
	_ =	sdelay $0x1  }
0x32: {  	v4 =	vadd.s32 v1, v4;
	_ =	sdelay $0x3  }
0x33: {  	v3 =	vperm.xlane v3, v2  }
0x34: {  	[tilespmem:s8], [sflag:$0x1] =	stream.indirect_vreg.gather [hbm4b:s3+s2], $0x80, v4, vm0, $0xb8;
	[tilespmem:$0x18080] =	vst v63  }
0x35: {  	s0 =	rddreg [dreg:$0x4];
	v3 =	vadd.s32 v1, v3  }
0x36: {  	[tilespmem:s0], [sflag:$0x1] =	stream.indirect_vreg.gather [hbm4b:s4+s2], $0x80, v4, vm0, $0xb8;
	[tilespmem:$0x18080] =	vst v63  }
0x37: {  	s9 =	rddreg [dreg:$0x5]  }
0x38: {  	[tilespmem:s9], [sflag:$0x1] =	stream.indirect_vreg.gather [hbm4b:s5+s2], $0x80, v4, vm0, $0xb8;
	[tilespmem:$0x18080] =	vst v63  }
0x39: {  	s0 =	rddreg [dreg:$0x6]  }
0x3a: {  	[tilespmem:s0], [sflag:$0x1] =	stream.indirect_vreg.gather [hbm4b:s3+s2], $0x80, v3, vm0, $0xb8;
	[tilespmem:$0x18080] =	vst v63  }
0x3b: {  	s9 =	rddreg [dreg:$0x7]  }
0x3c: {  	[tilespmem:s9], [sflag:$0x1] =	stream.indirect_vreg.gather [hbm4b:s4+s2], $0x80, v3, vm0, $0xb8;
	[tilespmem:$0x18080] =	vst v63  }
0x3d: {  	s0 =	rddreg [dreg:$0x8]  }
0x3e: {  	[tilespmem:s0], [sflag:$0x1] =	stream.indirect_vreg.gather [hbm4b:s5+s2], $0x80, v3, vm0, $0xb8;
	[tilespmem:$0x18080] =	vst v63  }
0x3f: {  	v3 =	vld [tilespmem:$0x10];
	_ =	sdelay $0x4  }
0x40: {  	v57 =	vshrl.u32 v3, $0x3  }
0x41: {  	v4 =	vmul.u32 $0x30, v57  }
0x42: {  	v3 =	vand.u32 $0x7, v3  }
0x43: {  	v3 =	vor.u32 v3, v4  }
0x44: {  	v4 =	vperm.xlane v3, v0;
	_ =	sdelay $0x1  }
0x45: {  	v4 =	vadd.s32 v1, v4;
	_ =	sdelay $0x3  }
0x46: {  	s0 =	rddreg [dreg:$0x9];
	v3 =	vperm.xlane v3, v2  }
0x47: {  	[tilespmem:s0], [sflag:$0x1] =	stream.indirect_vreg.gather [hbm4b:s3+s2], $0x80, v4, vm0, $0xb8;
	[tilespmem:$0x18080] =	vst v63  }
0x48: {  	s9 =	rddreg [dreg:$0xa];
	v3 =	vadd.s32 v1, v3  }
0x49: {  	[tilespmem:s9], [sflag:$0x1] =	stream.indirect_vreg.gather [hbm4b:s4+s2], $0x80, v4, vm0, $0xb8;
	[tilespmem:$0x18080] =	vst v63  }
0x4a: {  	s0 =	rddreg [dreg:$0xb]  }
0x4b: {  	[tilespmem:s0], [sflag:$0x1] =	stream.indirect_vreg.gather [hbm4b:s5+s2], $0x80, v4, vm0, $0xb8;
	[tilespmem:$0x18080] =	vst v63  }
0x4c: {  	s9 =	rddreg [dreg:$0xc]  }
0x4d: {  	[tilespmem:s9], [sflag:$0x1] =	stream.indirect_vreg.gather [hbm4b:s3+s2], $0x80, v3, vm0, $0xb8;
	[tilespmem:$0x18080] =	vst v63  }
0x4e: {  	s0 =	rddreg [dreg:$0xd]  }
0x4f: {  	[tilespmem:s0], [sflag:$0x1] =	stream.indirect_vreg.gather [hbm4b:s4+s2], $0x80, v3, vm0, $0xb8;
	[tilespmem:$0x18080] =	vst v63  }
0x50: {  	s9 =	rddreg [dreg:$0xe]  }
0x51: {  	[tilespmem:s9], [sflag:$0x1] =	stream.indirect_vreg.gather [hbm4b:s5+s2], $0x80, v3, vm0, $0xb8;
	[tilespmem:$0x18080] =	vst v63  }
0x52: {  	v3 =	vld [tilespmem:$0x20];
	_ =	sdelay $0x4  }
0x53: {  	v58 =	vshrl.u32 v3, $0x3  }
0x54: {  	v4 =	vmul.u32 $0x30, v58  }
0x55: {  	v3 =	vand.u32 $0x7, v3  }
0x56: {  	v3 =	vor.u32 v3, v4  }
0x57: {  	v4 =	vperm.xlane v3, v0;
	_ =	sdelay $0x1  }
0x58: {  	v4 =	vadd.s32 v1, v4;
	_ =	sdelay $0x3  }
0x59: {  	s0 =	rddreg [dreg:$0xf];
	v3 =	vperm.xlane v3, v2  }
0x5a: {  	[tilespmem:s0], [sflag:$0x1] =	stream.indirect_vreg.gather [hbm4b:s3+s2], $0x80, v4, vm0, $0xb8;
	[tilespmem:$0x18080] =	vst v63  }
0x5b: {  	s9 =	rddreg [dreg:$0x10];
	v3 =	vadd.s32 v1, v3  }
0x5c: {  	[tilespmem:s9], [sflag:$0x1] =	stream.indirect_vreg.gather [hbm4b:s4+s2], $0x80, v4, vm0, $0xb8;
	[tilespmem:$0x18080] =	vst v63  }
0x5d: {  	s0 =	rddreg [dreg:$0x11]  }
0x5e: {  	[tilespmem:s0], [sflag:$0x1] =	stream.indirect_vreg.gather [hbm4b:s5+s2], $0x80, v4, vm0, $0xb8;
	[tilespmem:$0x18080] =	vst v63  }
0x5f: {  	s9 =	rddreg [dreg:$0x12]  }
0x60: {  	[tilespmem:s9], [sflag:$0x1] =	stream.indirect_vreg.gather [hbm4b:s3+s2], $0x80, v3, vm0, $0xb8;
	[tilespmem:$0x18080] =	vst v63  }
0x61: {  	s0 =	rddreg [dreg:$0x13]  }
0x62: {  	[tilespmem:s0], [sflag:$0x1] =	stream.indirect_vreg.gather [hbm4b:s4+s2], $0x80, v3, vm0, $0xb8;
	[tilespmem:$0x18080] =	vst v63  }
0x63: {  	s9 =	rddreg [dreg:$0x14]  }
0x64: {  	[tilespmem:s9], [sflag:$0x1] =	stream.indirect_vreg.gather [hbm4b:s5+s2], $0x80, v3, vm0, $0xb8;
	[tilespmem:$0x18080] =	vst v63  }
0x65: {  	v3 =	vld [tilespmem:$0x30];
	_ =	sdelay $0x4  }
0x66: {  	v59 =	vshrl.u32 v3, $0x3  }
0x67: {  	v4 =	vmul.u32 $0x30, v59  }
0x68: {  	v3 =	vand.u32 $0x7, v3  }
0x69: {  	v3 =	vor.u32 v3, v4  }
0x6a: {  	v4 =	vperm.xlane v3, v0;
	_ =	sdelay $0x1  }
0x6b: {  	v4 =	vadd.s32 v1, v4;
	_ =	sdelay $0x3  }
0x6c: {  	s0 =	rddreg [dreg:$0x15];
	v3 =	vperm.xlane v3, v2  }
0x6d: {  	[tilespmem:s0], [sflag:$0x1] =	stream.indirect_vreg.gather [hbm4b:s3+s2], $0x80, v4, vm0, $0xb8;
	[tilespmem:$0x18080] =	vst v63  }
0x6e: {  	s9 =	rddreg [dreg:$0x16];
	v3 =	vadd.s32 v1, v3  }
0x6f: {  	[tilespmem:s9], [sflag:$0x1] =	stream.indirect_vreg.gather [hbm4b:s4+s2], $0x80, v4, vm0, $0xb8;
	[tilespmem:$0x18080] =	vst v63  }
0x70: {  	s0 =	rddreg [dreg:$0x17]  }
0x71: {  	[tilespmem:s0], [sflag:$0x1] =	stream.indirect_vreg.gather [hbm4b:s5+s2], $0x80, v4, vm0, $0xb8;
	[tilespmem:$0x18080] =	vst v63  }
0x72: {  	s9 =	rddreg [dreg:$0x18]  }
0x73: {  	[tilespmem:s9], [sflag:$0x1] =	stream.indirect_vreg.gather [hbm4b:s3+s2], $0x80, v3, vm0, $0xb8;
	[tilespmem:$0x18080] =	vst v63  }
0x74: {  	s0 =	rddreg [dreg:$0x19]  }
0x75: {  	[tilespmem:s0], [sflag:$0x1] =	stream.indirect_vreg.gather [hbm4b:s4+s2], $0x80, v3, vm0, $0xb8;
	[tilespmem:$0x18080] =	vst v63  }
0x76: {  	s9 =	rddreg [dreg:$0x1a]  }
0x77: {  	[tilespmem:s9], [sflag:$0x1] =	stream.indirect_vreg.gather [hbm4b:s5+s2], $0x80, v3, vm0, $0xb8;
	[tilespmem:$0x18080] =	vst v63  }
0x78: {  	v3 =	vld [tilespmem:$0x40];
	_ =	sdelay $0x4  }
0x79: {  	v60 =	vshrl.u32 v3, $0x3  }
0x7a: {  	v4 =	vmul.u32 $0x30, v60  }
0x7b: {  	v3 =	vand.u32 $0x7, v3  }
0x7c: {  	v3 =	vor.u32 v3, v4  }
0x7d: {  	v4 =	vperm.xlane v3, v0;
	_ =	sdelay $0x1  }
0x7e: {  	v4 =	vadd.s32 v1, v4;
	_ =	sdelay $0x3  }
0x7f: {  	s0 =	rddreg [dreg:$0x1b];
	v3 =	vperm.xlane v3, v2  }
0x80: {  	[tilespmem:s0], [sflag:$0x1] =	stream.indirect_vreg.gather [hbm4b:s3+s2], $0x80, v4, vm0, $0xb8;
	[tilespmem:$0x18080] =	vst v63  }
0x81: {  	s9 =	rddreg [dreg:$0x1c];
	v3 =	vadd.s32 v1, v3  }
0x82: {  	[tilespmem:s9], [sflag:$0x1] =	stream.indirect_vreg.gather [hbm4b:s4+s2], $0x80, v4, vm0, $0xb8;
	[tilespmem:$0x18080] =	vst v63  }
0x83: {  	s9 =	simm.s32 $0xD080  }
0x84: {  	[tilespmem:s9], [sflag:$0x1] =	stream.indirect_vreg.gather [hbm4b:s5+s2], $0x80, v4, vm0, $0xb8;
	[tilespmem:$0x18080] =	vst v63  }
0x85: {  	_ = 	snop  }
0x86: {  	[tilespmem:s10], [sflag:$0x1] =	stream.indirect_vreg.gather [hbm4b:s3+s2], $0x80, v3, vm0, $0xb8;
	[tilespmem:$0x18080] =	vst v63  }
0x87: {  	_ = 	snop  }
0x88: {  	[tilespmem:s11], [sflag:$0x1] =	stream.indirect_vreg.gather [hbm4b:s4+s2], $0x80, v3, vm0, $0xb8;
	[tilespmem:$0x18080] =	vst v63  }
0x89: {  	_ = 	snop  }
0x8a: {  	[tilespmem:s12], [sflag:$0x1] =	stream.indirect_vreg.gather [hbm4b:s5+s2], $0x80, v3, vm0, $0xb8;
	[tilespmem:$0x18080] =	vst v63  }
0x8b: {  	v3 =	vld [tilespmem:$0x50];
	_ =	sdelay $0x4  }
0x8c: {  	v61 =	vshrl.u32 v3, $0x3  }
0x8d: {  	v4 =	vmul.u32 $0x30, v61  }
0x8e: {  	v3 =	vand.u32 $0x7, v3  }
0x8f: {  	v3 =	vor.u32 v3, v4  }
0x90: {  	v4 =	vperm.xlane v3, v0;
	_ =	sdelay $0x1  }
0x91: {  	v4 =	vadd.s32 v1, v4;
	_ =	sdelay $0x3  }
0x92: {  	v3 =	vperm.xlane v3, v2  }
0x93: {  	[tilespmem:s13], [sflag:$0x1] =	stream.indirect_vreg.gather [hbm4b:s3+s2], $0x80, v4, vm0, $0xb8;
	[tilespmem:$0x18080] =	vst v63  }
0x94: {  	v3 =	vadd.s32 v1, v3  }
0x95: {  	[tilespmem:s14], [sflag:$0x1] =	stream.indirect_vreg.gather [hbm4b:s4+s2], $0x80, v4, vm0, $0xb8;
	[tilespmem:$0x18080] =	vst v63  }
0x96: {  	_ = 	snop  }
0x97: {  	[tilespmem:s15], [sflag:$0x1] =	stream.indirect_vreg.gather [hbm4b:s5+s2], $0x80, v4, vm0, $0xb8;
	[tilespmem:$0x18080] =	vst v63  }
0x98: {  	_ = 	snop  }
0x99: {  	[tilespmem:s16], [sflag:$0x1] =	stream.indirect_vreg.gather [hbm4b:s3+s2], $0x80, v3, vm0, $0xb8;
	[tilespmem:$0x18080] =	vst v63  }
0x9a: {  	_ = 	snop  }
0x9b: {  	[tilespmem:s17], [sflag:$0x1] =	stream.indirect_vreg.gather [hbm4b:s4+s2], $0x80, v3, vm0, $0xb8;
	[tilespmem:$0x18080] =	vst v63  }
0x9c: {  	_ = 	snop  }
0x9d: {  	[tilespmem:s18], [sflag:$0x1] =	stream.indirect_vreg.gather [hbm4b:s5+s2], $0x80, v3, vm0, $0xb8;
	[tilespmem:$0x18080] =	vst v63  }
0x9e: {  	v3 =	vld [tilespmem:$0x60];
	_ =	sdelay $0x4  }
0x9f: {  	v62 =	vshrl.u32 v3, $0x3  }
0xa0: {  	v4 =	vmul.u32 $0x30, v62  }
0xa1: {  	v3 =	vand.u32 $0x7, v3  }
0xa2: {  	v3 =	vor.u32 v3, v4  }
0xa3: {  	v4 =	vperm.xlane v3, v0;
	_ =	sdelay $0x1  }
0xa4: {  	v4 =	vadd.s32 v1, v4;
	_ =	sdelay $0x3  }
0xa5: {  	v3 =	vperm.xlane v3, v2  }
0xa6: {  	[tilespmem:s19], [sflag:$0x1] =	stream.indirect_vreg.gather [hbm4b:s3+s2], $0x80, v4, vm0, $0xb8;
	[tilespmem:$0x18080] =	vst v63  }
0xa7: {  	v3 =	vadd.s32 v1, v3  }
0xa8: {  	[tilespmem:s20], [sflag:$0x1] =	stream.indirect_vreg.gather [hbm4b:s4+s2], $0x80, v4, vm0, $0xb8;
	[tilespmem:$0x18080] =	vst v63  }
0xa9: {  	_ = 	snop  }
0xaa: {  	[tilespmem:s21], [sflag:$0x1] =	stream.indirect_vreg.gather [hbm4b:s5+s2], $0x80, v4, vm0, $0xb8;
	[tilespmem:$0x18080] =	vst v63  }
0xab: {  	_ = 	snop  }
0xac: {  	[tilespmem:s22], [sflag:$0x1] =	stream.indirect_vreg.gather [hbm4b:s3+s2], $0x80, v3, vm0, $0xb8;
	[tilespmem:$0x18080] =	vst v63  }
0xad: {  	_ = 	snop  }
0xae: {  	[tilespmem:s23], [sflag:$0x1] =	stream.indirect_vreg.gather [hbm4b:s4+s2], $0x80, v3, vm0, $0xb8;
	[tilespmem:$0x18080] =	vst v63  }
0xaf: {  	_ = 	snop  }
0xb0: {  	[tilespmem:s24], [sflag:$0x1] =	stream.indirect_vreg.gather [hbm4b:s5+s2], $0x80, v3, vm0, $0xb8;
	[tilespmem:$0x18080] =	vst v63  }
0xb1: {  	v3 =	vld [tilespmem:$0x70];
	_ =	sdelay $0x4  }
0xb2: {  	v63 =	vshrl.u32 v3, $0x3  }
0xb3: {  	v4 =	vmul.u32 $0x30, v63  }
0xb4: {  	v3 =	vand.u32 $0x7, v3  }
0xb5: {  	v3 =	vor.u32 v3, v4  }
0xb6: {  	v4 =	vperm.xlane v3, v0;
	_ =	sdelay $0x1  }
0xb7: {  	v4 =	vadd.s32 v1, v4;
	_ =	sdelay $0x3  }
0xb8: {  	v3 =	vperm.xlane v3, v2  }
0xb9: {  	[tilespmem:s25], [sflag:$0x1] =	stream.indirect_vreg.gather [hbm4b:s3+s2], $0x80, v4, vm0, $0xb8;
	[tilespmem:$0x18080] =	vst v63  }
0xba: {  	v3 =	vadd.s32 v1, v3  }
0xbb: {  	[tilespmem:s26], [sflag:$0x1] =	stream.indirect_vreg.gather [hbm4b:s4+s2], $0x80, v4, vm0, $0xb8;
	[tilespmem:$0x18080] =	vst v63  }
0xbc: {  	_ = 	snop  }
0xbd: {  	[tilespmem:s28], [sflag:$0x1] =	stream.indirect_vreg.gather [hbm4b:s5+s2], $0x80, v4, vm0, $0xb8;
	[tilespmem:$0x18080] =	vst v63  }
0xbe: {  	_ = 	snop  }
0xbf: {  	[tilespmem:s29], [sflag:$0x1] =	stream.indirect_vreg.gather [hbm4b:s3+s2], $0x80, v3, vm0, $0xb8;
	[tilespmem:$0x18080] =	vst v63  }
0xc0: {  	_ = 	snop  }
0xc1: {  	[tilespmem:s30], [sflag:$0x1] =	stream.indirect_vreg.gather [hbm4b:s4+s2], $0x80, v3, vm0, $0xb8;
	[tilespmem:$0x18080] =	vst v63  }
0xc2: {  	_ = 	snop  }
0xc3: {  	[tilespmem:s31], [sflag:$0x1] =	stream.indirect_vreg.gather [hbm4b:s5+s2], $0x80, v3, vm0, $0xb8;
	[tilespmem:$0x18080] =	vst v63  }
0xc4: {  	_ =	swait.ge [sflag:s1], $0x18000  }
0xc5: {  	p0 =	sne.s32 s6, $0x1;
	[sflag:s1] =	ssyncset.done $0x0  }
.Ltmp0:
0xc6: {  	s9 =	rddreg [dreg:$0x3];
	[sflag:s1] =	ssyncadd.s32 $0xFFFE8000;
	(pc) =	sbr.rel @p0 .LBB2_1-.Ltmp0, $4  }
0xc7: {  	[hbm4b:s9+s2] =	stream.linear.scatter [tilespmem:s8], [sflag:$0x2], $0x18000, $0x38;
	[tilespmem:$0x18080] =	vst v63  }
0xc8: {  	_ =	swait.ge [sflag:s7], $0x18000  }
0xc9: {  	[sflag:s7] =	ssyncset.done $0x0  }
0xca: {  	s6 =	sadd.s32 $0xFFFFFFFF, s6;
	[sflag:s7] =	ssyncadd.s32 $0xFFFE8000  }
0xcb: {  	_ =	sfence.sel $0x180000  }
0xcc: {  	[bflag:$0x0] =	sbarrier.arrive $0xFFFF  }
0xcd: {  	_ =	strace $0x9000004A  }
0xce: {  	s0 =	stileid.u32;
	[bflag:$0x2] =	sbarrier.arrive $0xFFFF  }
0xcf: {  	p0 =	sne.s32 s0, $0x0;
	s0 =	rddreg [dreg:$0x1]  }
0xd0: {  	s0 =	sadd.s32 @!p0 $0x100000, s0  }
0xd1: {  	[sflag:s0] =	ssyncadd.tile.s32 @!p0 $0x1;
	_ =	shalt  }
.Lfunc_end2:
_tile_overlayer_lowered:
.L_overlay_start_2:
0xd2: {  	(tag) =	ssettag $0x2  }
0xd3: {  	s0 =	rddreg [dreg:$0x0];
	s2 =	stileid.u32  }
0xd4: {  	s1 =	rddreg [dreg:$0x1];
	p0 =	sne.s32 s2, $0x0  }
0xd5: {  	s3 =	rddreg [dreg:$0x2];
	[bflag:$0x3] =	sbarrier.arrive $0xFFFF;
	s2 =	simm.s32 @!p0 $0x1C02  }
0xd6: {  	[timem:s3], [sflag:s2] =	dma.local @!p0 [hbm:s0], s1  }
0xd7: {  	s0 =	simm.s32 @!p0 $0x2  }
0xd8: {  	_ =	swait.ge @!p0 [sflag:s0], s1  }
0xd9: {  	s1 =	ssub.s32 @!p0 $0x0, s1;
	[sflag:s0] =	ssyncset.done @!p0 $0x0  }
0xda: {  	[sflag:s0] =	ssyncadd.s32 @!p0 s1  }
0xdb: {  	[bflag:$0x3] =	sbarrier.arrive $0xFFFF  }
0xdc: {  	_ =	shalt  }

// kernel: kernel.24.cloned.1.call-start
scs
__scs_entry_jumppad:
0x0: {  	(pc) =	sbr.rel $0x88, $3  }
0x1: {  	(tag) =	ssettag $0x0;
	lr =	simm.s32 $0x1  }
0x2: {  	[smem:$0x3F89] =	sst lr;
	_ =	strace $0xD0000000  }
0x3: {  	_ = 	snop  }
0x4: {  	_ = 	snop  }
0x5: {  	_ = 	snop  }
0x6: {  	_ = 	snop  }
0x7: {  	_ = 	snop  }
__scs_overlays_trampoline_lowered:
0x8: {  	[smem:$0x3F98] =	sst s0  }
0x9: {  	[smem:$0x3F99] =	sst s1  }
0xa: {  	[smem:$0x3F9A] =	sst s2  }
0xb: {  	[smem:$0x3F9B] =	sst s3  }
0xc: {  	[smem:$0x3F9C] =	sst s4  }
0xd: {  	[smem:$0x3F9D] =	sst s5  }
0xe: {  	[smem:$0x3F9E] =	sst s6  }
0xf: {  	[smem:$0x3F9F] =	sst s7  }
0x10: {  	[smem:$0x3FA0] =	sst s8  }
0x11: {  	[smem:$0x3FA1] =	sst s9;
	s0 =	simm.s32 @!p0 $0x0  }
0x12: {  	s1 =	sld [smem:$0x3F87];
	s0 =	simm.s32 @p0 $0x1  }
0x13: {  	[smem:$0x3FA2] =	sst s0;
	s0 =	simm.s32 @!p1 $0x0  }
0x14: {  	s2 =	sld [smem:$0x3F86];
	s0 =	simm.s32 @p1 $0x1  }
0x15: {  	[smem:$0x3FA3] =	sst s0;
	s0 =	simm.s32 @!p2 $0x0  }
0x16: {  	s3 =	sld [smem:$0x3FDB];
	s0 =	simm.s32 @p2 $0x1  }
0x17: {  	s4 =	simm.s32 $0x1BF5;
	[smem:$0x3FA5] =	sst s0  }
0x18: {  	s0 =	sld [smem:$0x3F88];
	_ =	swait.ge [sflag:s4], $0x0  }
0x19: {  	s7 =	sld [smem:$0x3F89]  }
0x1a: {  	s8 =	sadd.s32 $0xFFFFE003, lr  }
0x1b: {  	s9 =	sadd.s32 $0xFFFFFEF7, lr;
	s5 =	simm.s32 $0xFFFFFFFF;
	p2 =	slt.u32 s8, $0xFFFFF086  }
0x1c: {  	p1 =	slt.u32 s9, $0xF7A;
	s5 =	simm.s32 @!p2 $0x0  }
0x1d: {  	s5 =	simm.s32 @p1 $0x1;
	p0 =	seq.s32 s7, s2  }
0x1e: {  	s7 =	smul.u32 @!p0 $0xF7A, s2;
	p2 =	seq.s32 @!p0 s5, $0x0  }
0x1f: {  	s9 =	smul.u32 $0xF7A, s1;
	s8 =	simm.s32 @!p0 $0x1BF5;
	p2 =	por !p2, p0  }
0x20: {  	[sflag:s8] =	ssyncset.s32 @!p0 $0xFFFFF086;
	s6 =	sadd.s32 @!p0 s3, s7;
	s7 =	simm.s32 @!p0 $0x108  }
0x21: {  	s3 =	sadd.s32 s3, s9;
	s6 =	sadd.s32 @!p0 $0x88, s6;
	s7 =	simm.s32 @p2 $0x1082  }
0x22: {  	[simem:s7], [sflag:s8] =	dma.local @!p0 [hbm:s6], $0xF7A  }
0x23: {  	s9 =	sor.u32 $0xD0000000, s2;
	s6 =	simm.s32 $0x108;
	_ =	swait.ge @!p0 [sflag:s8], $0x0  }
0x24: {  	s3 =	sadd.s32 $0x88, s3;
	s6 =	simm.s32 @!p1 $0x1082;
	[sflag:s4] =	ssyncset.s32 $0xFFFFF086  }
0x25: {  	[simem:s6], [sflag:s4] =	dma.local [hbm:s3], $0xF7A  }
0x26: {  	[smem:$0x3F89] =	sst s1;
	(tag) =	ssettag s2;
	_ =	strace s9  }
0x27: {  	s1 =	sld [smem:$0x3F99]  }
0x28: {  	s2 =	sld [smem:$0x3F9A]  }
0x29: {  	s4 =	sld [smem:$0x3F9C]  }
0x2a: {  	p0 =	seq.s32 s5, $0x0;
	s5 =	sld [smem:$0x3F9D]  }
0x2b: {  	s6 =	sld [smem:$0x3F9E]  }
0x2c: {  	s7 =	sld [smem:$0x3F9F]  }
0x2d: {  	s3 =	simm.s32 $0x108;
	s8 =	sld [smem:$0x3FA0]  }
0x2e: {  	s3 =	simm.s32 @!p0 $0x1082;
	s9 =	sld [smem:$0x3FA1]  }
0x2f: {  	lr =	sadd.s32 s0, s3;
	s0 =	sld [smem:$0x3F98]  }
0x30: {  	s3 =	sld [smem:$0x3F9B]  }
0x31: {  	[smem:$0x3FA4] =	sst s10  }
0x32: {  	s10 =	sld [smem:$0x3FA2];
	_ =	sdelay $0x3  }
0x33: {  	p0 =	seq.s32 s10, $0x1;
	s10 =	sld [smem:$0x3FA4];
	_ =	sdelay $0x3  }
0x34: {  	[smem:$0x3FA4] =	sst s10  }
0x35: {  	s10 =	sld [smem:$0x3FA3];
	_ =	sdelay $0x3  }
0x36: {  	p1 =	seq.s32 s10, $0x1;
	s10 =	sld [smem:$0x3FA4];
	_ =	sdelay $0x3  }
0x37: {  	[smem:$0x3FA4] =	sst s10  }
0x38: {  	s10 =	sld [smem:$0x3FA5]  }
0x39: {  	_ = 	snop;
	(pc) =	sbr.ind lr, $3  }
0x3a: {  	_ = 	snop  }
0x3b: {  	_ = 	snop  }
0x3c: {  	p2 =	seq.s32 s10, $0x1;
	s10 =	sld [smem:$0x3FA4]  }
0x3d: {  	_ =	shalt  }
0x3e: {  	_ =	shalt  }
0x3f: {  	_ =	shalt  }
0x40: {  	_ =	shalt  }
0x41: {  	_ =	shalt  }
0x42: {  	_ =	shalt  }
0x43: {  	_ =	shalt  }
0x44: {  	_ =	shalt  }
0x45: {  	_ =	shalt  }
0x46: {  	_ =	shalt  }
0x47: {  	_ =	shalt  }
0x48: {  	_ =	shalt  }
0x49: {  	_ =	shalt  }
0x4a: {  	_ =	shalt  }
0x4b: {  	_ =	shalt  }
0x4c: {  	_ =	shalt  }
0x4d: {  	_ =	shalt  }
0x4e: {  	_ =	shalt  }
0x4f: {  	_ =	shalt  }
0x50: {  	_ =	shalt  }
0x51: {  	_ =	shalt  }
0x52: {  	_ =	shalt  }
0x53: {  	_ =	shalt  }
0x54: {  	_ =	shalt  }
0x55: {  	_ =	shalt  }
0x56: {  	_ =	shalt  }
0x57: {  	_ =	shalt  }
0x58: {  	_ =	shalt  }
0x59: {  	_ =	shalt  }
0x5a: {  	_ =	shalt  }
0x5b: {  	_ =	shalt  }
0x5c: {  	_ =	shalt  }
0x5d: {  	_ =	shalt  }
0x5e: {  	_ =	shalt  }
0x5f: {  	_ =	shalt  }
0x60: {  	_ =	shalt  }
0x61: {  	_ =	shalt  }
0x62: {  	_ =	shalt  }
0x63: {  	_ =	shalt  }
0x64: {  	_ =	shalt  }
0x65: {  	_ =	shalt  }
0x66: {  	_ =	shalt  }
0x67: {  	_ =	shalt  }
0x68: {  	_ =	shalt  }
0x69: {  	_ =	shalt  }
0x6a: {  	_ =	shalt  }
0x6b: {  	_ =	shalt  }
0x6c: {  	_ =	shalt  }
0x6d: {  	_ =	shalt  }
0x6e: {  	_ =	shalt  }
0x6f: {  	_ =	shalt  }
0x70: {  	_ =	shalt  }
0x71: {  	_ =	shalt  }
0x72: {  	_ =	shalt  }
0x73: {  	_ =	shalt  }
0x74: {  	_ =	shalt  }
0x75: {  	_ =	shalt  }
0x76: {  	_ =	shalt  }
0x77: {  	_ =	shalt  }
0x78: {  	_ =	shalt  }
0x79: {  	_ =	shalt  }
0x7a: {  	_ =	shalt  }
0x7b: {  	_ =	shalt  }
0x7c: {  	_ =	shalt  }
0x7d: {  	_ =	shalt  }
0x7e: {  	_ =	shalt  }
0x7f: {  	_ =	shalt  }
0x80: {  	_ =	shalt  }
0x81: {  	_ =	shalt  }
0x82: {  	_ =	shalt  }
0x83: {  	_ =	shalt  }
0x84: {  	_ =	shalt  }
0x85: {  	_ =	shalt  }
0x86: {  	_ =	shalt  }
0x87: {  	_ =	shalt  }
.Lfunc_end0:
.L_simem_size_0:
called_computation.2_lowered:
.L_overlay_start_0:
0x88: {  	s2 =	sld [smem:$0x3FD9]  }
0x89: {  	s3 =	sld [smem:$0x3FFE];
	_ =	sdelay $0x1  }
0x8a: {  	s1 =	srdreg.scid  }
0x8b: {  	s0 =	sand.u32 $0x1, s1  }
0x8c: {  	s16 =	sshll.u32 s0, $0xA;
	s2 =	sadd.s32 s3, s2  }
0x8d: {  	s2 =	sadd.s32 s2, s16  }
0x8e: {  	[smem:$0x3FB0] =	sst s2  }
0x8f: {  	_ = 	snop  }
0x90: {  	(tm) =	ssettm $0x1  }
0x91: {  	s17 =	sld [smem:$0x3FFB];
	_ =	sdelay $0x3  }
0x92: {  	_ =	strace s17  }
0x93: {  	s2 =	sld [smem:$0x3FFC];
	_ =	sdelay $0x3  }
0x94: {  	_ =	strace s2  }
0x95: {  	s2 =	sld [smem:$0x3FFD];
	_ =	sdelay $0x3  }
0x96: {  	_ =	strace s2  }
0x97: {  	_ =	strace $0x8FFFFFFF  }
0x98: {  	s18 =	sld [smem:$0x3FDB];
	_ =	sdelay $0x1  }
0x99: {  	s19 =	simm.s32 $_scs_section_size  }
0x9a: {  	s4 =	simm.s32 $_size__tile_overlayer_lowered;
	s5 =	simm.s32 $_tile_overlayer_lowered  }
0x9b: {  	s22 =	simm.s32 $0x1BFF;
	s21 =	sshll.u32 s5, $0x1;
	s2 =	sadd.s32 s19, s18  }
0x9c: {  	s6 =	simm.s32 $0x0;
	s20 =	sshll.u32 s4, $0x1;
	s4 =	sadd.s32 s21, s2  }
0x9d: {  	[timem:s6], [sflag:s22] =	dma.local [hbm:s4], s20  }
0x9e: {  	_ =	swait.ge [sflag:s22], s20  }
0x9f: {  	s3 =	ssub.s32 $0x0, s20;
	[sflag:s22] =	ssyncset.done $0x0  }
0xa0: {  	[sflag:s22] =	ssyncadd.s32 s3;
	_ =	sdelay $0x1  }
0xa1: {  	s23 =	simm.s32 $0x1B8B  }
0xa2: {  	_ =	swait.ge [sflag:s23], $0x1  }
0xa3: {  	[sflag:s23] =	ssyncset.done $0x0  }
0xa4: {  	s25 =	simm.s32 $0x1B8E;
	s24 =	sld [smem:$0x3FFE];
	[sflag:s23] =	ssyncadd.s32 $0xFFFFFFFF  }
0xa5: {  	s26 =	simm.s32 $execute0_lowered;
	[smem:$0x3FD2] =	sst s25  }
0xa6: {  	s4 =	sshll.u32 s26, $0x1;
	_ =	strace $0x8000004C;
	[dreg:$0x1] =	wrdreg $0xFFFFFFFF  }
0xa7: {  	s28 =	simm.s32 $_size_execute0_lowered;
	s2 =	sadd.s32 s2, s4;
	[dreg:$0x0] =	wrdreg $0x0  }
0xa8: {  	s4 =	sshll.u32 s28, $0x1;
	[dreg:$0x2] =	wrdreg s2  }
0xa9: {  	[dreg:$0x3] =	wrdreg s4  }
0xaa: {  	[dreg:$0x4] =	wrdreg $0xC0  }
0xab: {  	_ =	task [dreg:s6], $0x5FFFF  }
0xac: {  	[dreg:$0x1] =	wrdreg $0xFFFFFFFF  }
0xad: {  	[dreg:$0x0] =	wrdreg $0x60  }
0xae: {  	[dreg:$0x2] =	wrdreg s24  }
0xaf: {  	[dreg:$0x3] =	wrdreg $0x9  }
0xb0: {  	_ =	task.clear_ibuf [dreg:s6], $0x4FFFF;
	_ =	strace $0x9000004C  }
0xb1: {  	s29 =	simm.s32 $0x9;
	_ =	strace $0x8000004E  }
0xb2: {  	_ =	swait.ge [sflag:s29], $0x1  }
0xb3: {  	[sflag:s29] =	ssyncadd.s32 $0xFFFFFFFF  }
0xb4: {  	_ =	strace $0x9000004E  }
0xb5: {  	_ =	sfence  }
0xb6: {  	s30 =	sld [smem:$0x0];
	_ =	sdelay $0x2  }
0xb7: {  	s31 =	sshll.u32 s1, $0xD;
	s1 =	sshrl.u32 s1, $0x2  }
0xb8: {  	s3 =	sand.u32 $0x4000, s31;
	s1 =	sadd.s32 s1, s30  }
0xb9: {  	s0 =	sor.u32 s3, s0;
	s1 =	sshll.u32 s1, $0x11  }
0xba: {  	s0 =	sor.u32 s1, s0  }
0xbb: {  	s0 =	sadd.s32 $0x8F2B, s0  }
0xbc: {  	[sflag:s0] =	ssyncadd.remote.s32 $0x1  }
0xbd: {  	_ =	sfence.sel $0xFFFF  }
0xbe: {  	[dreg:$0x0] =	wrdreg $0xFFFFFFFF;
	(pc) =	sbr.abs _section_cstart, $3  }
0xbf: {  	[dreg:$0x1] =	wrdreg $0xFFFFFFFF  }
0xc0: {  	_ =	task.clear_ibuf [dreg:s6], $0x2FFFF;
	_ =	strace $0x9FFFFFFF  }
0xc1: {  	(tm) =	ssettm $0x7FFFFFFF  }
tec
execute0_lowered:
.L_overlay_start_1:
0x0: {  	(tag) =	ssettag $0x1  }
0x1: {  	s0 =	srdreg.scid  }
0x2: {  	s1 =	stileid.u32;
	s5 =	rddreg [dreg:$0x0]  }
0x3: {  	s26 =	simm.s32 $0x80;
	s9 =	simm.s32 $0x2;
	s12 =	simm.s32 $0x1900  }
0x4: {  	s13 =	simm.s32 $0x2100;
	s14 =	simm.s32 $0x2900;
	s15 =	simm.s32 $0x3100  }
0x5: {  	s16 =	simm.s32 $0x3900;
	s17 =	simm.s32 $0x4100;
	s18 =	simm.s32 $0x4900  }
0x6: {  	s19 =	simm.s32 $0x5100;
	s20 =	simm.s32 $0x5900;
	s21 =	simm.s32 $0x6100  }
0x7: {  	s22 =	simm.s32 $0x6900;
	s23 =	simm.s32 $0x7100;
	s24 =	simm.s32 $0x7900  }
0x8: {  	s28 =	simm.s32 $0x9100;
	s29 =	simm.s32 $0x9900;
	s30 =	simm.s32 $0xA100  }
0x9: {  	s31 =	simm.s32 $0xA900;
	s8 =	simm.s32 $0xB900;
	s0 =	sand.u32 $0x1, s0  }
0xa: {  	s1 =	sshll.u32 s1, $0x4;
	s2 =	sshll.u32 s0, $0x3;
	s0 =	ssub.s32 $0x2, s0  }
0xb: {  	s1 =	sor.u32 s2, s1;
	s2 =	simm.s32 $0x0;
	s7 =	sshrl.u32 s0, $0x1  }
0xc: {  	s3 =	smul.u32 $0x300, s1;
	[smem:$0x7FF] =	sst s2;
	s1 =	sadd.s32 s1, s5  }
0xd: {  	s0 =	ssub.s32 s0, s7;
	s7 =	simm.s32 $0x3;
	_ =	strace $0x8000004D  }
0xe: {  	s6 =	sadd.s32 $0xB6C00, s1;
	s1 =	sadd.s32 $0xB6D00, s1;
	[dreg:$0x5] =	wrdreg s26  }
0xf: {  	s26 =	simm.s32 $0x8900;
	s4 =	sadd.s32 s3, s5;
	[dreg:$0x2] =	wrdreg s6  }
0x10: {  	v2 =	vlaneseq.u32;
	s3 =	sadd.s32 $0x5600, s5;
	[dreg:$0x3] =	wrdreg s1;
	s6 =	smax.u32 s0, $0x1  }
0x11: {  	vm0 =	vmmov $0xffff;
	v1 =	vshrl.u32 v2, $0x3;
	s1 =	simm.s32 $0xB100;
	s25 =	sadd.s32 $0x86C00, s4;
	s4 =	sadd.s32 $0x5700, s5  }
0x12: {  	v0 =	vand.u32 $0x7, v2;
	v2 =	vor.u32 $0x8, v2;
	v1 =	vmul.u32 $0x8, v1;
	s5 =	sadd.s32 $0x5800, s5;
	[dreg:$0x4] =	wrdreg s25;
	s25 =	simm.s32 $0x8100  }
.LBB2_1:
0x13: {  	s10 =	rddreg [dreg:$0x2]  }
0x14: {  	[tilespmem:s2], [sflag:$0x3] =	stream.linear.gather [hbm4b:s10+s2], $0x40, $0x38;
	[tilespmem:$0xC100] =	vst v63  }
0x15: {  	_ =	swait.ge [sflag:s7], $0x40  }
0x16: {  	s0 =	rddreg [dreg:$0x3];
	[sflag:s7] =	ssyncset.done $0x0  }
0x17: {  	s11 =	rddreg [dreg:$0x5];
	[sflag:s7] =	ssyncadd.s32 $0xFFFFFFC0  }
0x18: {  	[tilespmem:s11], [sflag:$0x3] =	stream.linear.gather [hbm4b:s0+s2], $0x40, $0x38;
	[tilespmem:$0xC100] =	vst v63  }
0x19: {  	_ =	swait.ge [sflag:s7], $0x40  }
0x1a: {  	[sflag:s7] =	ssyncset.done $0x0  }
0x1b: {  	s0 =	simm.s32 $0x100;
	s11 =	rddreg [dreg:$0x4];
	[sflag:s7] =	ssyncadd.s32 $0xFFFFFFC0  }
0x1c: {  	[tilespmem:s0], [sflag:$0x3] =	stream.linear.gather [hbm4b:s11+s2], $0xC000, $0x38;
	[tilespmem:$0xC100] =	vst v63  }
0x1d: {  	_ =	swait.ge [sflag:s7], $0xC000  }
0x1e: {  	[sflag:s7] =	ssyncset.done $0x0  }
0x1f: {  	[sflag:s7] =	ssyncadd.s32 $0xFFFF4000  }
0x20: {  	v3 =	vld [tilespmem:$0x0];
	_ =	sdelay $0x4  }
0x21: {  	v4 =	vshrl.u32 v3, $0x3  }
0x22: {  	v4 =	vmul.u32 $0x30, v4  }
0x23: {  	v3 =	vand.u32 $0x7, v3  }
0x24: {  	v3 =	vor.u32 v3, v4  }
0x25: {  	v4 =	vperm.xlane v3, v0;
	_ =	sdelay $0x1  }
0x26: {  	v4 =	vadd.s32 v1, v4;
	_ =	sdelay $0x3  }
0x27: {  	v3 =	vperm.xlane v3, v2  }
0x28: {  	[hbm4b:s3+s2] =	stream.indirect_vreg.scatter [tilespmem:s0], [sflag:$0x1], $0x80, v4, vm0, $0xb8;
	[tilespmem:$0xC100] =	vst v63  }
0x29: {  	s10 =	simm.s32 $0x900;
	v3 =	vadd.s32 v1, v3  }
0x2a: {  	[hbm4b:s4+s2] =	stream.indirect_vreg.scatter [tilespmem:s10], [sflag:$0x1], $0x80, v4, vm0, $0xb8;
	[tilespmem:$0xC100] =	vst v63  }
0x2b: {  	s11 =	simm.s32 $0x1100  }
0x2c: {  	[hbm4b:s5+s2] =	stream.indirect_vreg.scatter [tilespmem:s11], [sflag:$0x1], $0x80, v4, vm0, $0xb8;
	[tilespmem:$0xC100] =	vst v63  }
0x2d: {  	_ = 	snop  }
0x2e: {  	[hbm4b:s3+s2] =	stream.indirect_vreg.scatter [tilespmem:s12], [sflag:$0x1], $0x80, v3, vm0, $0xb8;
	[tilespmem:$0xC100] =	vst v63  }
0x2f: {  	_ = 	snop  }
0x30: {  	[hbm4b:s4+s2] =	stream.indirect_vreg.scatter [tilespmem:s13], [sflag:$0x1], $0x80, v3, vm0, $0xb8;
	[tilespmem:$0xC100] =	vst v63  }
0x31: {  	_ = 	snop  }
0x32: {  	[hbm4b:s5+s2] =	stream.indirect_vreg.scatter [tilespmem:s14], [sflag:$0x1], $0x80, v3, vm0, $0xb8;
	[tilespmem:$0xC100] =	vst v63  }
0x33: {  	v3 =	vld [tilespmem:$0x10];
	_ =	sdelay $0x4  }
0x34: {  	v57 =	vshrl.u32 v3, $0x3  }
0x35: {  	v4 =	vmul.u32 $0x30, v57  }
0x36: {  	v3 =	vand.u32 $0x7, v3  }
0x37: {  	v3 =	vor.u32 v3, v4  }
0x38: {  	v4 =	vperm.xlane v3, v0;
	_ =	sdelay $0x1  }
0x39: {  	v4 =	vadd.s32 v1, v4;
	_ =	sdelay $0x3  }
0x3a: {  	v3 =	vperm.xlane v3, v2  }
0x3b: {  	[hbm4b:s3+s2] =	stream.indirect_vreg.scatter [tilespmem:s15], [sflag:$0x1], $0x80, v4, vm0, $0xb8;
	[tilespmem:$0xC100] =	vst v63  }
0x3c: {  	v3 =	vadd.s32 v1, v3  }
0x3d: {  	[hbm4b:s4+s2] =	stream.indirect_vreg.scatter [tilespmem:s16], [sflag:$0x1], $0x80, v4, vm0, $0xb8;
	[tilespmem:$0xC100] =	vst v63  }
0x3e: {  	_ = 	snop  }
0x3f: {  	[hbm4b:s5+s2] =	stream.indirect_vreg.scatter [tilespmem:s17], [sflag:$0x1], $0x80, v4, vm0, $0xb8;
	[tilespmem:$0xC100] =	vst v63  }
0x40: {  	_ = 	snop  }
0x41: {  	[hbm4b:s3+s2] =	stream.indirect_vreg.scatter [tilespmem:s18], [sflag:$0x1], $0x80, v3, vm0, $0xb8;
	[tilespmem:$0xC100] =	vst v63  }
0x42: {  	_ = 	snop  }
0x43: {  	[hbm4b:s4+s2] =	stream.indirect_vreg.scatter [tilespmem:s19], [sflag:$0x1], $0x80, v3, vm0, $0xb8;
	[tilespmem:$0xC100] =	vst v63  }
0x44: {  	_ = 	snop  }
0x45: {  	[hbm4b:s5+s2] =	stream.indirect_vreg.scatter [tilespmem:s20], [sflag:$0x1], $0x80, v3, vm0, $0xb8;
	[tilespmem:$0xC100] =	vst v63  }
0x46: {  	v3 =	vld [tilespmem:$0x20];
	_ =	sdelay $0x4  }
0x47: {  	v58 =	vshrl.u32 v3, $0x3  }
0x48: {  	v4 =	vmul.u32 $0x30, v58  }
0x49: {  	v3 =	vand.u32 $0x7, v3  }
0x4a: {  	v3 =	vor.u32 v3, v4  }
0x4b: {  	v4 =	vperm.xlane v3, v0;
	_ =	sdelay $0x1  }
0x4c: {  	v4 =	vadd.s32 v1, v4;
	_ =	sdelay $0x3  }
0x4d: {  	v3 =	vperm.xlane v3, v2  }
0x4e: {  	[hbm4b:s3+s2] =	stream.indirect_vreg.scatter [tilespmem:s21], [sflag:$0x1], $0x80, v4, vm0, $0xb8;
	[tilespmem:$0xC100] =	vst v63  }
0x4f: {  	v3 =	vadd.s32 v1, v3  }
0x50: {  	[hbm4b:s4+s2] =	stream.indirect_vreg.scatter [tilespmem:s22], [sflag:$0x1], $0x80, v4, vm0, $0xb8;
	[tilespmem:$0xC100] =	vst v63  }
0x51: {  	_ = 	snop  }
0x52: {  	[hbm4b:s5+s2] =	stream.indirect_vreg.scatter [tilespmem:s23], [sflag:$0x1], $0x80, v4, vm0, $0xb8;
	[tilespmem:$0xC100] =	vst v63  }
0x53: {  	_ = 	snop  }
0x54: {  	[hbm4b:s3+s2] =	stream.indirect_vreg.scatter [tilespmem:s24], [sflag:$0x1], $0x80, v3, vm0, $0xb8;
	[tilespmem:$0xC100] =	vst v63  }
0x55: {  	_ = 	snop  }
0x56: {  	[hbm4b:s4+s2] =	stream.indirect_vreg.scatter [tilespmem:s25], [sflag:$0x1], $0x80, v3, vm0, $0xb8;
	[tilespmem:$0xC100] =	vst v63  }
0x57: {  	_ = 	snop  }
0x58: {  	[hbm4b:s5+s2] =	stream.indirect_vreg.scatter [tilespmem:s26], [sflag:$0x1], $0x80, v3, vm0, $0xb8;
	[tilespmem:$0xC100] =	vst v63  }
0x59: {  	v3 =	vld [tilespmem:$0x30];
	_ =	sdelay $0x4  }
0x5a: {  	v59 =	vshrl.u32 v3, $0x3  }
0x5b: {  	v4 =	vmul.u32 $0x30, v59  }
0x5c: {  	v3 =	vand.u32 $0x7, v3  }
0x5d: {  	v3 =	vor.u32 v3, v4  }
0x5e: {  	v4 =	vperm.xlane v3, v0;
	_ =	sdelay $0x1  }
0x5f: {  	v4 =	vadd.s32 v1, v4;
	_ =	sdelay $0x3  }
0x60: {  	v3 =	vperm.xlane v3, v2  }
0x61: {  	[hbm4b:s3+s2] =	stream.indirect_vreg.scatter [tilespmem:s28], [sflag:$0x1], $0x80, v4, vm0, $0xb8;
	[tilespmem:$0xC100] =	vst v63  }
0x62: {  	v3 =	vadd.s32 v1, v3  }
0x63: {  	[hbm4b:s4+s2] =	stream.indirect_vreg.scatter [tilespmem:s29], [sflag:$0x1], $0x80, v4, vm0, $0xb8;
	[tilespmem:$0xC100] =	vst v63  }
0x64: {  	_ = 	snop  }
0x65: {  	[hbm4b:s5+s2] =	stream.indirect_vreg.scatter [tilespmem:s30], [sflag:$0x1], $0x80, v4, vm0, $0xb8;
	[tilespmem:$0xC100] =	vst v63  }
0x66: {  	_ = 	snop  }
0x67: {  	[hbm4b:s3+s2] =	stream.indirect_vreg.scatter [tilespmem:s31], [sflag:$0x1], $0x80, v3, vm0, $0xb8;
	[tilespmem:$0xC100] =	vst v63  }
0x68: {  	_ = 	snop  }
0x69: {  	[hbm4b:s4+s2] =	stream.indirect_vreg.scatter [tilespmem:s1], [sflag:$0x1], $0x80, v3, vm0, $0xb8;
	[tilespmem:$0xC100] =	vst v63  }
0x6a: {  	_ = 	snop  }
0x6b: {  	[hbm4b:s5+s2] =	stream.indirect_vreg.scatter [tilespmem:s8], [sflag:$0x1], $0x80, v3, vm0, $0xb8;
	[tilespmem:$0xC100] =	vst v63  }
0x6c: {  	v3 =	vld [tilespmem:$0x80];
	_ =	sdelay $0x4  }
0x6d: {  	v60 =	vshrl.u32 v3, $0x3  }
0x6e: {  	v4 =	vmul.u32 $0x30, v60  }
0x6f: {  	v3 =	vand.u32 $0x7, v3  }
0x70: {  	v3 =	vor.u32 v3, v4  }
0x71: {  	v4 =	vperm.xlane v3, v0;
	_ =	sdelay $0x1  }
0x72: {  	v4 =	vadd.s32 v1, v4;
	_ =	sdelay $0x3  }
0x73: {  	v3 =	vperm.xlane v3, v2  }
0x74: {  	[hbm4b:s3+s2] =	stream.indirect_vreg.scatter [tilespmem:s0], [sflag:$0x2], $0x80, v4, vm0, $0xb8;
	[tilespmem:$0xC100] =	vst v63  }
0x75: {  	v3 =	vadd.s32 v1, v3  }
0x76: {  	[hbm4b:s4+s2] =	stream.indirect_vreg.scatter [tilespmem:s10], [sflag:$0x2], $0x80, v4, vm0, $0xb8;
	[tilespmem:$0xC100] =	vst v63  }
0x77: {  	_ = 	snop  }
0x78: {  	[hbm4b:s5+s2] =	stream.indirect_vreg.scatter [tilespmem:s11], [sflag:$0x2], $0x80, v4, vm0, $0xb8;
	[tilespmem:$0xC100] =	vst v63  }
0x79: {  	_ = 	snop  }
0x7a: {  	[hbm4b:s3+s2] =	stream.indirect_vreg.scatter [tilespmem:s12], [sflag:$0x2], $0x80, v3, vm0, $0xb8;
	[tilespmem:$0xC100] =	vst v63  }
0x7b: {  	_ = 	snop  }
0x7c: {  	[hbm4b:s4+s2] =	stream.indirect_vreg.scatter [tilespmem:s13], [sflag:$0x2], $0x80, v3, vm0, $0xb8;
	[tilespmem:$0xC100] =	vst v63  }
0x7d: {  	_ = 	snop  }
0x7e: {  	[hbm4b:s5+s2] =	stream.indirect_vreg.scatter [tilespmem:s14], [sflag:$0x2], $0x80, v3, vm0, $0xb8;
	[tilespmem:$0xC100] =	vst v63  }
0x7f: {  	v3 =	vld [tilespmem:$0x90];
	_ =	sdelay $0x4  }
0x80: {  	v61 =	vshrl.u32 v3, $0x3  }
0x81: {  	v4 =	vmul.u32 $0x30, v61  }
0x82: {  	v3 =	vand.u32 $0x7, v3  }
0x83: {  	v3 =	vor.u32 v3, v4  }
0x84: {  	v4 =	vperm.xlane v3, v0;
	_ =	sdelay $0x1  }
0x85: {  	v4 =	vadd.s32 v1, v4;
	_ =	sdelay $0x3  }
0x86: {  	v3 =	vperm.xlane v3, v2  }
0x87: {  	[hbm4b:s3+s2] =	stream.indirect_vreg.scatter [tilespmem:s15], [sflag:$0x2], $0x80, v4, vm0, $0xb8;
	[tilespmem:$0xC100] =	vst v63  }
0x88: {  	v3 =	vadd.s32 v1, v3  }
0x89: {  	[hbm4b:s4+s2] =	stream.indirect_vreg.scatter [tilespmem:s16], [sflag:$0x2], $0x80, v4, vm0, $0xb8;
	[tilespmem:$0xC100] =	vst v63  }
0x8a: {  	_ = 	snop  }
0x8b: {  	[hbm4b:s5+s2] =	stream.indirect_vreg.scatter [tilespmem:s17], [sflag:$0x2], $0x80, v4, vm0, $0xb8;
	[tilespmem:$0xC100] =	vst v63  }
0x8c: {  	_ = 	snop  }
0x8d: {  	[hbm4b:s3+s2] =	stream.indirect_vreg.scatter [tilespmem:s18], [sflag:$0x2], $0x80, v3, vm0, $0xb8;
	[tilespmem:$0xC100] =	vst v63  }
0x8e: {  	_ = 	snop  }
0x8f: {  	[hbm4b:s4+s2] =	stream.indirect_vreg.scatter [tilespmem:s19], [sflag:$0x2], $0x80, v3, vm0, $0xb8;
	[tilespmem:$0xC100] =	vst v63  }
0x90: {  	_ = 	snop  }
0x91: {  	[hbm4b:s5+s2] =	stream.indirect_vreg.scatter [tilespmem:s20], [sflag:$0x2], $0x80, v3, vm0, $0xb8;
	[tilespmem:$0xC100] =	vst v63  }
0x92: {  	v3 =	vld [tilespmem:$0xA0];
	_ =	sdelay $0x4  }
0x93: {  	v62 =	vshrl.u32 v3, $0x3  }
0x94: {  	v4 =	vmul.u32 $0x30, v62  }
0x95: {  	v3 =	vand.u32 $0x7, v3  }
0x96: {  	v3 =	vor.u32 v3, v4  }
0x97: {  	v4 =	vperm.xlane v3, v0;
	_ =	sdelay $0x1  }
0x98: {  	v4 =	vadd.s32 v1, v4;
	_ =	sdelay $0x3  }
0x99: {  	v3 =	vperm.xlane v3, v2  }
0x9a: {  	[hbm4b:s3+s2] =	stream.indirect_vreg.scatter [tilespmem:s21], [sflag:$0x2], $0x80, v4, vm0, $0xb8;
	[tilespmem:$0xC100] =	vst v63  }
0x9b: {  	v3 =	vadd.s32 v1, v3  }
0x9c: {  	[hbm4b:s4+s2] =	stream.indirect_vreg.scatter [tilespmem:s22], [sflag:$0x2], $0x80, v4, vm0, $0xb8;
	[tilespmem:$0xC100] =	vst v63  }
0x9d: {  	_ = 	snop  }
0x9e: {  	[hbm4b:s5+s2] =	stream.indirect_vreg.scatter [tilespmem:s23], [sflag:$0x2], $0x80, v4, vm0, $0xb8;
	[tilespmem:$0xC100] =	vst v63  }
0x9f: {  	_ = 	snop  }
0xa0: {  	[hbm4b:s3+s2] =	stream.indirect_vreg.scatter [tilespmem:s24], [sflag:$0x2], $0x80, v3, vm0, $0xb8;
	[tilespmem:$0xC100] =	vst v63  }
0xa1: {  	_ = 	snop  }
0xa2: {  	[hbm4b:s4+s2] =	stream.indirect_vreg.scatter [tilespmem:s25], [sflag:$0x2], $0x80, v3, vm0, $0xb8;
	[tilespmem:$0xC100] =	vst v63  }
0xa3: {  	_ = 	snop  }
0xa4: {  	[hbm4b:s5+s2] =	stream.indirect_vreg.scatter [tilespmem:s26], [sflag:$0x2], $0x80, v3, vm0, $0xb8;
	[tilespmem:$0xC100] =	vst v63  }
0xa5: {  	v3 =	vld [tilespmem:$0xB0];
	_ =	sdelay $0x4  }
0xa6: {  	v63 =	vshrl.u32 v3, $0x3  }
0xa7: {  	v4 =	vmul.u32 $0x30, v63  }
0xa8: {  	v3 =	vand.u32 $0x7, v3  }
0xa9: {  	v3 =	vor.u32 v3, v4  }
0xaa: {  	v4 =	vperm.xlane v3, v0;
	_ =	sdelay $0x1  }
0xab: {  	v4 =	vadd.s32 v1, v4;
	_ =	sdelay $0x3  }
0xac: {  	v3 =	vperm.xlane v3, v2  }
0xad: {  	[hbm4b:s3+s2] =	stream.indirect_vreg.scatter [tilespmem:s28], [sflag:$0x2], $0x80, v4, vm0, $0xb8;
	[tilespmem:$0xC100] =	vst v63  }
0xae: {  	v3 =	vadd.s32 v1, v3  }
0xaf: {  	[hbm4b:s4+s2] =	stream.indirect_vreg.scatter [tilespmem:s29], [sflag:$0x2], $0x80, v4, vm0, $0xb8;
	[tilespmem:$0xC100] =	vst v63  }
0xb0: {  	_ = 	snop  }
0xb1: {  	[hbm4b:s5+s2] =	stream.indirect_vreg.scatter [tilespmem:s30], [sflag:$0x2], $0x80, v4, vm0, $0xb8;
	[tilespmem:$0xC100] =	vst v63  }
0xb2: {  	_ = 	snop  }
0xb3: {  	[hbm4b:s3+s2] =	stream.indirect_vreg.scatter [tilespmem:s31], [sflag:$0x2], $0x80, v3, vm0, $0xb8;
	[tilespmem:$0xC100] =	vst v63  }
0xb4: {  	_ = 	snop  }
0xb5: {  	[hbm4b:s4+s2] =	stream.indirect_vreg.scatter [tilespmem:s1], [sflag:$0x2], $0x80, v3, vm0, $0xb8;
	[tilespmem:$0xC100] =	vst v63  }
0xb6: {  	s11 =	simm.s32 $0x1  }
0xb7: {  	[hbm4b:s5+s2] =	stream.indirect_vreg.scatter [tilespmem:s8], [sflag:$0x2], $0x80, v3, vm0, $0xb8;
	[tilespmem:$0xC100] =	vst v63  }
0xb8: {  	p0 =	sne.s32 s6, $0x1;
	_ =	swait.ge [sflag:s11], $0xC000  }
.Ltmp0:
0xb9: {  	[sflag:s11] =	ssyncset.done $0x0;
	(pc) =	sbr.rel @p0 .LBB2_1-.Ltmp0, $4  }
0xba: {  	[sflag:s11] =	ssyncadd.s32 $0xFFFF4000  }
0xbb: {  	_ =	swait.ge [sflag:s9], $0xC000  }
0xbc: {  	[sflag:s9] =	ssyncset.done $0x0  }
0xbd: {  	s6 =	sadd.s32 $0xFFFFFFFF, s6;
	[sflag:s9] =	ssyncadd.s32 $0xFFFF4000  }
0xbe: {  	_ =	sfence.sel $0x180000  }
0xbf: {  	[bflag:$0x0] =	sbarrier.arrive $0xFFFF  }
0xc0: {  	_ =	strace $0x9000004D  }
0xc1: {  	s0 =	stileid.u32;
	[bflag:$0x2] =	sbarrier.arrive $0xFFFF  }
0xc2: {  	p0 =	sne.s32 s0, $0x0;
	s0 =	rddreg [dreg:$0x1]  }
0xc3: {  	s0 =	sadd.s32 @!p0 $0x100000, s0  }
0xc4: {  	[sflag:s0] =	ssyncadd.tile.s32 @!p0 $0x1;
	_ =	shalt  }
.Lfunc_end2:
_tile_overlayer_lowered:
.L_overlay_start_2:
0xc5: {  	(tag) =	ssettag $0x2  }
0xc6: {  	s0 =	rddreg [dreg:$0x0];
	s2 =	stileid.u32  }
0xc7: {  	s1 =	rddreg [dreg:$0x1];
	p0 =	sne.s32 s2, $0x0  }
0xc8: {  	s3 =	rddreg [dreg:$0x2];
	[bflag:$0x3] =	sbarrier.arrive $0xFFFF;
	s2 =	simm.s32 @!p0 $0x1C03  }
0xc9: {  	[timem:s3], [sflag:s2] =	dma.local @!p0 [hbm:s0], s1  }
0xca: {  	s0 =	simm.s32 @!p0 $0x3  }
0xcb: {  	_ =	swait.ge @!p0 [sflag:s0], s1  }
0xcc: {  	s1 =	ssub.s32 @!p0 $0x0, s1;
	[sflag:s0] =	ssyncset.done @!p0 $0x0  }
0xcd: {  	[sflag:s0] =	ssyncadd.s32 @!p0 s1  }
0xce: {  	[bflag:$0x3] =	sbarrier.arrive $0xFFFF  }
0xcf: {  	_ =	shalt  }

// kernel: kernel.27.cloned.1.call-start
scs
__scs_entry_jumppad:
0x0: {  	(pc) =	sbr.rel $0x88, $3  }
0x1: {  	(tag) =	ssettag $0x0;
	lr =	simm.s32 $0x1  }
0x2: {  	[smem:$0x3F89] =	sst lr;
	_ =	strace $0xD0000000  }
0x3: {  	_ = 	snop  }
0x4: {  	_ = 	snop  }
0x5: {  	_ = 	snop  }
0x6: {  	_ = 	snop  }
0x7: {  	_ = 	snop  }
__scs_overlays_trampoline_lowered:
0x8: {  	[smem:$0x3F98] =	sst s0  }
0x9: {  	[smem:$0x3F99] =	sst s1  }
0xa: {  	[smem:$0x3F9A] =	sst s2  }
0xb: {  	[smem:$0x3F9B] =	sst s3  }
0xc: {  	[smem:$0x3F9C] =	sst s4  }
0xd: {  	[smem:$0x3F9D] =	sst s5  }
0xe: {  	[smem:$0x3F9E] =	sst s6  }
0xf: {  	[smem:$0x3F9F] =	sst s7  }
0x10: {  	[smem:$0x3FA0] =	sst s8  }
0x11: {  	[smem:$0x3FA1] =	sst s9;
	s0 =	simm.s32 @!p0 $0x0  }
0x12: {  	s1 =	sld [smem:$0x3F87];
	s0 =	simm.s32 @p0 $0x1  }
0x13: {  	[smem:$0x3FA2] =	sst s0;
	s0 =	simm.s32 @!p1 $0x0  }
0x14: {  	s2 =	sld [smem:$0x3F86];
	s0 =	simm.s32 @p1 $0x1  }
0x15: {  	[smem:$0x3FA3] =	sst s0;
	s0 =	simm.s32 @!p2 $0x0  }
0x16: {  	s3 =	sld [smem:$0x3FDB];
	s0 =	simm.s32 @p2 $0x1  }
0x17: {  	s4 =	simm.s32 $0x1BF5;
	[smem:$0x3FA5] =	sst s0  }
0x18: {  	s0 =	sld [smem:$0x3F88];
	_ =	swait.ge [sflag:s4], $0x0  }
0x19: {  	s7 =	sld [smem:$0x3F89]  }
0x1a: {  	s8 =	sadd.s32 $0xFFFFE003, lr  }
0x1b: {  	s9 =	sadd.s32 $0xFFFFFEF7, lr;
	s5 =	simm.s32 $0xFFFFFFFF;
	p2 =	slt.u32 s8, $0xFFFFF086  }
0x1c: {  	p1 =	slt.u32 s9, $0xF7A;
	s5 =	simm.s32 @!p2 $0x0  }
0x1d: {  	s5 =	simm.s32 @p1 $0x1;
	p0 =	seq.s32 s7, s2  }
0x1e: {  	s7 =	smul.u32 @!p0 $0xF7A, s2;
	p2 =	seq.s32 @!p0 s5, $0x0  }
0x1f: {  	s9 =	smul.u32 $0xF7A, s1;
	s8 =	simm.s32 @!p0 $0x1BF5;
	p2 =	por !p2, p0  }
0x20: {  	[sflag:s8] =	ssyncset.s32 @!p0 $0xFFFFF086;
	s6 =	sadd.s32 @!p0 s3, s7;
	s7 =	simm.s32 @!p0 $0x108  }
0x21: {  	s3 =	sadd.s32 s3, s9;
	s6 =	sadd.s32 @!p0 $0x88, s6;
	s7 =	simm.s32 @p2 $0x1082  }
0x22: {  	[simem:s7], [sflag:s8] =	dma.local @!p0 [hbm:s6], $0xF7A  }
0x23: {  	s9 =	sor.u32 $0xD0000000, s2;
	s6 =	simm.s32 $0x108;
	_ =	swait.ge @!p0 [sflag:s8], $0x0  }
0x24: {  	s3 =	sadd.s32 $0x88, s3;
	s6 =	simm.s32 @!p1 $0x1082;
	[sflag:s4] =	ssyncset.s32 $0xFFFFF086  }
0x25: {  	[simem:s6], [sflag:s4] =	dma.local [hbm:s3], $0xF7A  }
0x26: {  	[smem:$0x3F89] =	sst s1;
	(tag) =	ssettag s2;
	_ =	strace s9  }
0x27: {  	s1 =	sld [smem:$0x3F99]  }
0x28: {  	s2 =	sld [smem:$0x3F9A]  }
0x29: {  	s4 =	sld [smem:$0x3F9C]  }
0x2a: {  	p0 =	seq.s32 s5, $0x0;
	s5 =	sld [smem:$0x3F9D]  }
0x2b: {  	s6 =	sld [smem:$0x3F9E]  }
0x2c: {  	s7 =	sld [smem:$0x3F9F]  }
0x2d: {  	s3 =	simm.s32 $0x108;
	s8 =	sld [smem:$0x3FA0]  }
0x2e: {  	s3 =	simm.s32 @!p0 $0x1082;
	s9 =	sld [smem:$0x3FA1]  }
0x2f: {  	lr =	sadd.s32 s0, s3;
	s0 =	sld [smem:$0x3F98]  }
0x30: {  	s3 =	sld [smem:$0x3F9B]  }
0x31: {  	[smem:$0x3FA4] =	sst s10  }
0x32: {  	s10 =	sld [smem:$0x3FA2];
	_ =	sdelay $0x3  }
0x33: {  	p0 =	seq.s32 s10, $0x1;
	s10 =	sld [smem:$0x3FA4];
	_ =	sdelay $0x3  }
0x34: {  	[smem:$0x3FA4] =	sst s10  }
0x35: {  	s10 =	sld [smem:$0x3FA3];
	_ =	sdelay $0x3  }
0x36: {  	p1 =	seq.s32 s10, $0x1;
	s10 =	sld [smem:$0x3FA4];
	_ =	sdelay $0x3  }
0x37: {  	[smem:$0x3FA4] =	sst s10  }
0x38: {  	s10 =	sld [smem:$0x3FA5]  }
0x39: {  	_ = 	snop;
	(pc) =	sbr.ind lr, $3  }
0x3a: {  	_ = 	snop  }
0x3b: {  	_ = 	snop  }
0x3c: {  	p2 =	seq.s32 s10, $0x1;
	s10 =	sld [smem:$0x3FA4]  }
0x3d: {  	_ =	shalt  }
0x3e: {  	_ =	shalt  }
0x3f: {  	_ =	shalt  }
0x40: {  	_ =	shalt  }
0x41: {  	_ =	shalt  }
0x42: {  	_ =	shalt  }
0x43: {  	_ =	shalt  }
0x44: {  	_ =	shalt  }
0x45: {  	_ =	shalt  }
0x46: {  	_ =	shalt  }
0x47: {  	_ =	shalt  }
0x48: {  	_ =	shalt  }
0x49: {  	_ =	shalt  }
0x4a: {  	_ =	shalt  }
0x4b: {  	_ =	shalt  }
0x4c: {  	_ =	shalt  }
0x4d: {  	_ =	shalt  }
0x4e: {  	_ =	shalt  }
0x4f: {  	_ =	shalt  }
0x50: {  	_ =	shalt  }
0x51: {  	_ =	shalt  }
0x52: {  	_ =	shalt  }
0x53: {  	_ =	shalt  }
0x54: {  	_ =	shalt  }
0x55: {  	_ =	shalt  }
0x56: {  	_ =	shalt  }
0x57: {  	_ =	shalt  }
0x58: {  	_ =	shalt  }
0x59: {  	_ =	shalt  }
0x5a: {  	_ =	shalt  }
0x5b: {  	_ =	shalt  }
0x5c: {  	_ =	shalt  }
0x5d: {  	_ =	shalt  }
0x5e: {  	_ =	shalt  }
0x5f: {  	_ =	shalt  }
0x60: {  	_ =	shalt  }
0x61: {  	_ =	shalt  }
0x62: {  	_ =	shalt  }
0x63: {  	_ =	shalt  }
0x64: {  	_ =	shalt  }
0x65: {  	_ =	shalt  }
0x66: {  	_ =	shalt  }
0x67: {  	_ =	shalt  }
0x68: {  	_ =	shalt  }
0x69: {  	_ =	shalt  }
0x6a: {  	_ =	shalt  }
0x6b: {  	_ =	shalt  }
0x6c: {  	_ =	shalt  }
0x6d: {  	_ =	shalt  }
0x6e: {  	_ =	shalt  }
0x6f: {  	_ =	shalt  }
0x70: {  	_ =	shalt  }
0x71: {  	_ =	shalt  }
0x72: {  	_ =	shalt  }
0x73: {  	_ =	shalt  }
0x74: {  	_ =	shalt  }
0x75: {  	_ =	shalt  }
0x76: {  	_ =	shalt  }
0x77: {  	_ =	shalt  }
0x78: {  	_ =	shalt  }
0x79: {  	_ =	shalt  }
0x7a: {  	_ =	shalt  }
0x7b: {  	_ =	shalt  }
0x7c: {  	_ =	shalt  }
0x7d: {  	_ =	shalt  }
0x7e: {  	_ =	shalt  }
0x7f: {  	_ =	shalt  }
0x80: {  	_ =	shalt  }
0x81: {  	_ =	shalt  }
0x82: {  	_ =	shalt  }
0x83: {  	_ =	shalt  }
0x84: {  	_ =	shalt  }
0x85: {  	_ =	shalt  }
0x86: {  	_ =	shalt  }
0x87: {  	_ =	shalt  }
.Lfunc_end0:
.L_simem_size_0:
called_computation.3_lowered:
.L_overlay_start_0:
0x88: {  	s2 =	sld [smem:$0x3FD9]  }
0x89: {  	s3 =	sld [smem:$0x3FFE];
	_ =	sdelay $0x1  }
0x8a: {  	s1 =	srdreg.scid  }
0x8b: {  	s0 =	sand.u32 $0x1, s1  }
0x8c: {  	s16 =	sshll.u32 s0, $0xA;
	s2 =	sadd.s32 s3, s2  }
0x8d: {  	s2 =	sadd.s32 s2, s16  }
0x8e: {  	[smem:$0x3FB0] =	sst s2  }
0x8f: {  	_ = 	snop  }
0x90: {  	(tm) =	ssettm $0x1  }
0x91: {  	s17 =	sld [smem:$0x3FFB];
	_ =	sdelay $0x3  }
0x92: {  	_ =	strace s17  }
0x93: {  	s2 =	sld [smem:$0x3FFC];
	_ =	sdelay $0x3  }
0x94: {  	_ =	strace s2  }
0x95: {  	s2 =	sld [smem:$0x3FFD];
	_ =	sdelay $0x3  }
0x96: {  	_ =	strace s2  }
0x97: {  	_ =	strace $0x8FFFFFFF  }
0x98: {  	s18 =	sld [smem:$0x3FDB];
	_ =	sdelay $0x1  }
0x99: {  	s19 =	simm.s32 $_scs_section_size  }
0x9a: {  	s4 =	simm.s32 $_size__tile_overlayer_lowered;
	s5 =	simm.s32 $_tile_overlayer_lowered  }
0x9b: {  	s22 =	simm.s32 $0x1BFF;
	s21 =	sshll.u32 s5, $0x1;
	s2 =	sadd.s32 s19, s18  }
0x9c: {  	s6 =	simm.s32 $0x0;
	s20 =	sshll.u32 s4, $0x1;
	s4 =	sadd.s32 s21, s2  }
0x9d: {  	[timem:s6], [sflag:s22] =	dma.local [hbm:s4], s20  }
0x9e: {  	_ =	swait.ge [sflag:s22], s20  }
0x9f: {  	s3 =	ssub.s32 $0x0, s20;
	[sflag:s22] =	ssyncset.done $0x0  }
0xa0: {  	[sflag:s22] =	ssyncadd.s32 s3;
	_ =	sdelay $0x1  }
0xa1: {  	s23 =	simm.s32 $0x1B8B  }
0xa2: {  	_ =	swait.ge [sflag:s23], $0x1  }
0xa3: {  	[sflag:s23] =	ssyncset.done $0x0  }
0xa4: {  	s25 =	simm.s32 $0x1B8E;
	s24 =	sld [smem:$0x3FFE];
	[sflag:s23] =	ssyncadd.s32 $0xFFFFFFFF  }
0xa5: {  	s26 =	simm.s32 $execute0_lowered;
	[smem:$0x3FD2] =	sst s25  }
0xa6: {  	s4 =	sshll.u32 s26, $0x1;
	_ =	strace $0x8000004F;
	[dreg:$0x1] =	wrdreg $0xFFFFFFFF  }
0xa7: {  	s28 =	simm.s32 $_size_execute0_lowered;
	s2 =	sadd.s32 s2, s4;
	[dreg:$0x0] =	wrdreg $0x0  }
0xa8: {  	s4 =	sshll.u32 s28, $0x1;
	[dreg:$0x2] =	wrdreg s2  }
0xa9: {  	[dreg:$0x3] =	wrdreg s4  }
0xaa: {  	[dreg:$0x4] =	wrdreg $0xC0  }
0xab: {  	_ =	task [dreg:s6], $0x5FFFF  }
0xac: {  	[dreg:$0x1] =	wrdreg $0xFFFFFFFF  }
0xad: {  	[dreg:$0x0] =	wrdreg $0x60  }
0xae: {  	[dreg:$0x2] =	wrdreg s24  }
0xaf: {  	[dreg:$0x3] =	wrdreg $0x9  }
0xb0: {  	_ =	task.clear_ibuf [dreg:s6], $0x4FFFF;
	_ =	strace $0x9000004F  }
0xb1: {  	s29 =	simm.s32 $0x9;
	_ =	strace $0x80000051  }
0xb2: {  	_ =	swait.ge [sflag:s29], $0x1  }
0xb3: {  	[sflag:s29] =	ssyncadd.s32 $0xFFFFFFFF  }
0xb4: {  	_ =	strace $0x90000051  }
0xb5: {  	_ =	sfence  }
0xb6: {  	s30 =	sld [smem:$0x0];
	_ =	sdelay $0x2  }
0xb7: {  	s31 =	sshll.u32 s1, $0xD;
	s1 =	sshrl.u32 s1, $0x2  }
0xb8: {  	s3 =	sand.u32 $0x4000, s31;
	s1 =	sadd.s32 s1, s30  }
0xb9: {  	s0 =	sor.u32 s3, s0;
	s1 =	sshll.u32 s1, $0x11  }
0xba: {  	s0 =	sor.u32 s1, s0  }
0xbb: {  	s0 =	sadd.s32 $0x8F2B, s0  }
0xbc: {  	[sflag:s0] =	ssyncadd.remote.s32 $0x1  }
0xbd: {  	_ =	sfence.sel $0xFFFF  }
0xbe: {  	[dreg:$0x0] =	wrdreg $0xFFFFFFFF;
	(pc) =	sbr.abs _section_cstart, $3  }
0xbf: {  	[dreg:$0x1] =	wrdreg $0xFFFFFFFF  }
0xc0: {  	_ =	task.clear_ibuf [dreg:s6], $0x2FFFF;
	_ =	strace $0x9FFFFFFF  }
0xc1: {  	(tm) =	ssettm $0x7FFFFFFF  }
tec
execute0_lowered:
.L_overlay_start_1:
0x0: {  	(tag) =	ssettag $0x1  }
0x1: {  	s1 =	srdreg.scid  }
0x2: {  	s0 =	stileid.u32;
	s1 =	sand.u32 $0x1, s1  }
0x3: {  	s2 =	sshll.u32 s0, $0x5;
	s3 =	sshll.u32 s1, $0x4  }
0x4: {  	s5 =	rddreg [dreg:$0x0];
	s3 =	sor.u32 s3, s2;
	s2 =	simm.s32 $0x0  }
0x5: {  	s26 =	simm.s32 $0x880;
	[smem:$0x7FF] =	sst s2  }
0x6: {  	s0 =	simm.s32 $0x1080;
	_ =	strace $0x80000050;
	[dreg:$0x4] =	wrdreg s26  }
0x7: {  	s6 =	simm.s32 $0x2080;
	[dreg:$0x5] =	wrdreg s0  }
0x8: {  	s7 =	simm.s32 $0x2880;
	[dreg:$0x7] =	wrdreg s6  }
0x9: {  	s8 =	simm.s32 $0x3080;
	[dreg:$0x8] =	wrdreg s7  }
0xa: {  	s9 =	simm.s32 $0x3880;
	[dreg:$0x9] =	wrdreg s8  }
0xb: {  	s10 =	simm.s32 $0x4080;
	[dreg:$0xa] =	wrdreg s9  }
0xc: {  	s11 =	simm.s32 $0x4880;
	[dreg:$0xb] =	wrdreg s10  }
0xd: {  	s12 =	simm.s32 $0x5080;
	[dreg:$0xc] =	wrdreg s11  }
0xe: {  	s13 =	simm.s32 $0x5880;
	[dreg:$0xd] =	wrdreg s12  }
0xf: {  	s14 =	simm.s32 $0x6080;
	[dreg:$0xe] =	wrdreg s13  }
0x10: {  	s15 =	simm.s32 $0x6880;
	[dreg:$0xf] =	wrdreg s14  }
0x11: {  	s16 =	simm.s32 $0x7080;
	[dreg:$0x10] =	wrdreg s15  }
0x12: {  	s17 =	simm.s32 $0x7880;
	s18 =	simm.s32 $0x8080;
	[dreg:$0x11] =	wrdreg s16  }
0x13: {  	s19 =	simm.s32 $0x8880;
	s20 =	simm.s32 $0x9080;
	[dreg:$0x12] =	wrdreg s17  }
0x14: {  	s21 =	simm.s32 $0x9880;
	s22 =	simm.s32 $0xA080;
	[dreg:$0x13] =	wrdreg s18  }
0x15: {  	s23 =	simm.s32 $0xA880;
	s24 =	simm.s32 $0xB880;
	[dreg:$0x14] =	wrdreg s19  }
0x16: {  	s28 =	simm.s32 $0x16080;
	s29 =	simm.s32 $0x16880;
	[dreg:$0x15] =	wrdreg s20  }
0x17: {  	s30 =	simm.s32 $0x17080;
	s31 =	simm.s32 $0x17880;
	[dreg:$0x16] =	wrdreg s21  }
0x18: {  	s4 =	smul.u32 $0x300, s3;
	s3 =	sadd.s32 s3, s5;
	[dreg:$0x17] =	wrdreg s22  }
0x19: {  	s1 =	ssub.s32 $0x2, s1;
	s3 =	sadd.s32 $0xB6C00, s3;
	[dreg:$0x18] =	wrdreg s23  }
0x1a: {  	s6 =	sshrl.u32 s1, $0x1;
	s7 =	simm.s32 $0xB080;
	[dreg:$0x1a] =	wrdreg s24  }
0x1b: {  	s8 =	simm.s32 $0x80;
	s26 =	simm.s32 $0xC880;
	s10 =	simm.s32 $0xD880  }
0x1c: {  	s11 =	simm.s32 $0xE080;
	s12 =	simm.s32 $0xE880;
	s13 =	simm.s32 $0xF080  }
0x1d: {  	s14 =	simm.s32 $0xF880;
	s15 =	simm.s32 $0x10080;
	s16 =	simm.s32 $0x10880  }
0x1e: {  	s17 =	simm.s32 $0x11080;
	s18 =	simm.s32 $0x11880;
	s19 =	simm.s32 $0x12080  }
0x1f: {  	s20 =	simm.s32 $0x12880;
	s21 =	simm.s32 $0x13080;
	s22 =	simm.s32 $0x13880  }
0x20: {  	s23 =	simm.s32 $0x14080;
	s24 =	simm.s32 $0x14880;
	[dreg:$0x2] =	wrdreg s3  }
0x21: {  	s4 =	sadd.s32 s4, s5;
	s3 =	sadd.s32 $0x5600, s5;
	[dreg:$0x19] =	wrdreg s7  }
0x22: {  	s1 =	ssub.s32 s1, s6;
	s7 =	simm.s32 $0x2;
	[dreg:$0x1c] =	wrdreg s26  }
0x23: {  	s26 =	simm.s32 $0x15880;
	s25 =	sadd.s32 $0xB6E00, s4;
	s4 =	simm.s32 $0x1880  }
0x24: {  	v2 =	vlaneseq.u32;
	s6 =	smax.u32 s1, $0x1;
	s1 =	simm.s32 $0x1;
	[dreg:$0x3] =	wrdreg s25  }
0x25: {  	vm0 =	vmmov $0xffff;
	v1 =	vshrl.u32 v2, $0x3;
	[dreg:$0x6] =	wrdreg s4;
	s4 =	sadd.s32 $0x5700, s5;
	s25 =	simm.s32 $0xC080  }
0x26: {  	v0 =	vand.u32 $0x7, v2;
	v2 =	vor.u32 $0x8, v2;
	v1 =	vmul.u32 $0x8, v1;
	s5 =	sadd.s32 $0x5800, s5;
	[dreg:$0x1b] =	wrdreg s25;
	s25 =	simm.s32 $0x15080  }
.LBB2_1:
0x27: {  	s0 =	rddreg [dreg:$0x2]  }
0x28: {  	[tilespmem:s2], [sflag:$0x2] =	stream.linear.gather [hbm4b:s0+s2], $0x80, $0x38;
	[tilespmem:$0x18080] =	vst v63  }
0x29: {  	_ =	swait.ge [sflag:s7], $0x80  }
0x2a: {  	[sflag:s7] =	ssyncset.done $0x0  }
0x2b: {  	[sflag:s7] =	ssyncadd.s32 $0xFFFFFF80  }
0x2c: {  	v3 =	vld [tilespmem:$0x0];
	_ =	sdelay $0x4  }
0x2d: {  	v4 =	vshrl.u32 v3, $0x3  }
0x2e: {  	v4 =	vmul.u32 $0x30, v4  }
0x2f: {  	v3 =	vand.u32 $0x7, v3  }
0x30: {  	v3 =	vor.u32 v3, v4  }
0x31: {  	v4 =	vperm.xlane v3, v0;
	_ =	sdelay $0x1  }
0x32: {  	v4 =	vadd.s32 v1, v4;
	_ =	sdelay $0x3  }
0x33: {  	v3 =	vperm.xlane v3, v2  }
0x34: {  	[tilespmem:s8], [sflag:$0x1] =	stream.indirect_vreg.gather [hbm4b:s3+s2], $0x80, v4, vm0, $0xb8;
	[tilespmem:$0x18080] =	vst v63  }
0x35: {  	s0 =	rddreg [dreg:$0x4];
	v3 =	vadd.s32 v1, v3  }
0x36: {  	[tilespmem:s0], [sflag:$0x1] =	stream.indirect_vreg.gather [hbm4b:s4+s2], $0x80, v4, vm0, $0xb8;
	[tilespmem:$0x18080] =	vst v63  }
0x37: {  	s9 =	rddreg [dreg:$0x5]  }
0x38: {  	[tilespmem:s9], [sflag:$0x1] =	stream.indirect_vreg.gather [hbm4b:s5+s2], $0x80, v4, vm0, $0xb8;
	[tilespmem:$0x18080] =	vst v63  }
0x39: {  	s0 =	rddreg [dreg:$0x6]  }
0x3a: {  	[tilespmem:s0], [sflag:$0x1] =	stream.indirect_vreg.gather [hbm4b:s3+s2], $0x80, v3, vm0, $0xb8;
	[tilespmem:$0x18080] =	vst v63  }
0x3b: {  	s9 =	rddreg [dreg:$0x7]  }
0x3c: {  	[tilespmem:s9], [sflag:$0x1] =	stream.indirect_vreg.gather [hbm4b:s4+s2], $0x80, v3, vm0, $0xb8;
	[tilespmem:$0x18080] =	vst v63  }
0x3d: {  	s0 =	rddreg [dreg:$0x8]  }
0x3e: {  	[tilespmem:s0], [sflag:$0x1] =	stream.indirect_vreg.gather [hbm4b:s5+s2], $0x80, v3, vm0, $0xb8;
	[tilespmem:$0x18080] =	vst v63  }
0x3f: {  	v3 =	vld [tilespmem:$0x10];
	_ =	sdelay $0x4  }
0x40: {  	v57 =	vshrl.u32 v3, $0x3  }
0x41: {  	v4 =	vmul.u32 $0x30, v57  }
0x42: {  	v3 =	vand.u32 $0x7, v3  }
0x43: {  	v3 =	vor.u32 v3, v4  }
0x44: {  	v4 =	vperm.xlane v3, v0;
	_ =	sdelay $0x1  }
0x45: {  	v4 =	vadd.s32 v1, v4;
	_ =	sdelay $0x3  }
0x46: {  	s0 =	rddreg [dreg:$0x9];
	v3 =	vperm.xlane v3, v2  }
0x47: {  	[tilespmem:s0], [sflag:$0x1] =	stream.indirect_vreg.gather [hbm4b:s3+s2], $0x80, v4, vm0, $0xb8;
	[tilespmem:$0x18080] =	vst v63  }
0x48: {  	s9 =	rddreg [dreg:$0xa];
	v3 =	vadd.s32 v1, v3  }
0x49: {  	[tilespmem:s9], [sflag:$0x1] =	stream.indirect_vreg.gather [hbm4b:s4+s2], $0x80, v4, vm0, $0xb8;
	[tilespmem:$0x18080] =	vst v63  }
0x4a: {  	s0 =	rddreg [dreg:$0xb]  }
0x4b: {  	[tilespmem:s0], [sflag:$0x1] =	stream.indirect_vreg.gather [hbm4b:s5+s2], $0x80, v4, vm0, $0xb8;
	[tilespmem:$0x18080] =	vst v63  }
0x4c: {  	s9 =	rddreg [dreg:$0xc]  }
0x4d: {  	[tilespmem:s9], [sflag:$0x1] =	stream.indirect_vreg.gather [hbm4b:s3+s2], $0x80, v3, vm0, $0xb8;
	[tilespmem:$0x18080] =	vst v63  }
0x4e: {  	s0 =	rddreg [dreg:$0xd]  }
0x4f: {  	[tilespmem:s0], [sflag:$0x1] =	stream.indirect_vreg.gather [hbm4b:s4+s2], $0x80, v3, vm0, $0xb8;
	[tilespmem:$0x18080] =	vst v63  }
0x50: {  	s9 =	rddreg [dreg:$0xe]  }
0x51: {  	[tilespmem:s9], [sflag:$0x1] =	stream.indirect_vreg.gather [hbm4b:s5+s2], $0x80, v3, vm0, $0xb8;
	[tilespmem:$0x18080] =	vst v63  }
0x52: {  	v3 =	vld [tilespmem:$0x20];
	_ =	sdelay $0x4  }
0x53: {  	v58 =	vshrl.u32 v3, $0x3  }
0x54: {  	v4 =	vmul.u32 $0x30, v58  }
0x55: {  	v3 =	vand.u32 $0x7, v3  }
0x56: {  	v3 =	vor.u32 v3, v4  }
0x57: {  	v4 =	vperm.xlane v3, v0;
	_ =	sdelay $0x1  }
0x58: {  	v4 =	vadd.s32 v1, v4;
	_ =	sdelay $0x3  }
0x59: {  	s0 =	rddreg [dreg:$0xf];
	v3 =	vperm.xlane v3, v2  }
0x5a: {  	[tilespmem:s0], [sflag:$0x1] =	stream.indirect_vreg.gather [hbm4b:s3+s2], $0x80, v4, vm0, $0xb8;
	[tilespmem:$0x18080] =	vst v63  }
0x5b: {  	s9 =	rddreg [dreg:$0x10];
	v3 =	vadd.s32 v1, v3  }
0x5c: {  	[tilespmem:s9], [sflag:$0x1] =	stream.indirect_vreg.gather [hbm4b:s4+s2], $0x80, v4, vm0, $0xb8;
	[tilespmem:$0x18080] =	vst v63  }
0x5d: {  	s0 =	rddreg [dreg:$0x11]  }
0x5e: {  	[tilespmem:s0], [sflag:$0x1] =	stream.indirect_vreg.gather [hbm4b:s5+s2], $0x80, v4, vm0, $0xb8;
	[tilespmem:$0x18080] =	vst v63  }
0x5f: {  	s9 =	rddreg [dreg:$0x12]  }
0x60: {  	[tilespmem:s9], [sflag:$0x1] =	stream.indirect_vreg.gather [hbm4b:s3+s2], $0x80, v3, vm0, $0xb8;
	[tilespmem:$0x18080] =	vst v63  }
0x61: {  	s0 =	rddreg [dreg:$0x13]  }
0x62: {  	[tilespmem:s0], [sflag:$0x1] =	stream.indirect_vreg.gather [hbm4b:s4+s2], $0x80, v3, vm0, $0xb8;
	[tilespmem:$0x18080] =	vst v63  }
0x63: {  	s9 =	rddreg [dreg:$0x14]  }
0x64: {  	[tilespmem:s9], [sflag:$0x1] =	stream.indirect_vreg.gather [hbm4b:s5+s2], $0x80, v3, vm0, $0xb8;
	[tilespmem:$0x18080] =	vst v63  }
0x65: {  	v3 =	vld [tilespmem:$0x30];
	_ =	sdelay $0x4  }
0x66: {  	v59 =	vshrl.u32 v3, $0x3  }
0x67: {  	v4 =	vmul.u32 $0x30, v59  }
0x68: {  	v3 =	vand.u32 $0x7, v3  }
0x69: {  	v3 =	vor.u32 v3, v4  }
0x6a: {  	v4 =	vperm.xlane v3, v0;
	_ =	sdelay $0x1  }
0x6b: {  	v4 =	vadd.s32 v1, v4;
	_ =	sdelay $0x3  }
0x6c: {  	s0 =	rddreg [dreg:$0x15];
	v3 =	vperm.xlane v3, v2  }
0x6d: {  	[tilespmem:s0], [sflag:$0x1] =	stream.indirect_vreg.gather [hbm4b:s3+s2], $0x80, v4, vm0, $0xb8;
	[tilespmem:$0x18080] =	vst v63  }
0x6e: {  	s9 =	rddreg [dreg:$0x16];
	v3 =	vadd.s32 v1, v3  }
0x6f: {  	[tilespmem:s9], [sflag:$0x1] =	stream.indirect_vreg.gather [hbm4b:s4+s2], $0x80, v4, vm0, $0xb8;
	[tilespmem:$0x18080] =	vst v63  }
0x70: {  	s0 =	rddreg [dreg:$0x17]  }
0x71: {  	[tilespmem:s0], [sflag:$0x1] =	stream.indirect_vreg.gather [hbm4b:s5+s2], $0x80, v4, vm0, $0xb8;
	[tilespmem:$0x18080] =	vst v63  }
0x72: {  	s9 =	rddreg [dreg:$0x18]  }
0x73: {  	[tilespmem:s9], [sflag:$0x1] =	stream.indirect_vreg.gather [hbm4b:s3+s2], $0x80, v3, vm0, $0xb8;
	[tilespmem:$0x18080] =	vst v63  }
0x74: {  	s0 =	rddreg [dreg:$0x19]  }
0x75: {  	[tilespmem:s0], [sflag:$0x1] =	stream.indirect_vreg.gather [hbm4b:s4+s2], $0x80, v3, vm0, $0xb8;
	[tilespmem:$0x18080] =	vst v63  }
0x76: {  	s9 =	rddreg [dreg:$0x1a]  }
0x77: {  	[tilespmem:s9], [sflag:$0x1] =	stream.indirect_vreg.gather [hbm4b:s5+s2], $0x80, v3, vm0, $0xb8;
	[tilespmem:$0x18080] =	vst v63  }
0x78: {  	v3 =	vld [tilespmem:$0x40];
	_ =	sdelay $0x4  }
0x79: {  	v60 =	vshrl.u32 v3, $0x3  }
0x7a: {  	v4 =	vmul.u32 $0x30, v60  }
0x7b: {  	v3 =	vand.u32 $0x7, v3  }
0x7c: {  	v3 =	vor.u32 v3, v4  }
0x7d: {  	v4 =	vperm.xlane v3, v0;
	_ =	sdelay $0x1  }
0x7e: {  	v4 =	vadd.s32 v1, v4;
	_ =	sdelay $0x3  }
0x7f: {  	s0 =	rddreg [dreg:$0x1b];
	v3 =	vperm.xlane v3, v2  }
0x80: {  	[tilespmem:s0], [sflag:$0x1] =	stream.indirect_vreg.gather [hbm4b:s3+s2], $0x80, v4, vm0, $0xb8;
	[tilespmem:$0x18080] =	vst v63  }
0x81: {  	s9 =	rddreg [dreg:$0x1c];
	v3 =	vadd.s32 v1, v3  }
0x82: {  	[tilespmem:s9], [sflag:$0x1] =	stream.indirect_vreg.gather [hbm4b:s4+s2], $0x80, v4, vm0, $0xb8;
	[tilespmem:$0x18080] =	vst v63  }
0x83: {  	s9 =	simm.s32 $0xD080  }
0x84: {  	[tilespmem:s9], [sflag:$0x1] =	stream.indirect_vreg.gather [hbm4b:s5+s2], $0x80, v4, vm0, $0xb8;
	[tilespmem:$0x18080] =	vst v63  }
0x85: {  	_ = 	snop  }
0x86: {  	[tilespmem:s10], [sflag:$0x1] =	stream.indirect_vreg.gather [hbm4b:s3+s2], $0x80, v3, vm0, $0xb8;
	[tilespmem:$0x18080] =	vst v63  }
0x87: {  	_ = 	snop  }
0x88: {  	[tilespmem:s11], [sflag:$0x1] =	stream.indirect_vreg.gather [hbm4b:s4+s2], $0x80, v3, vm0, $0xb8;
	[tilespmem:$0x18080] =	vst v63  }
0x89: {  	_ = 	snop  }
0x8a: {  	[tilespmem:s12], [sflag:$0x1] =	stream.indirect_vreg.gather [hbm4b:s5+s2], $0x80, v3, vm0, $0xb8;
	[tilespmem:$0x18080] =	vst v63  }
0x8b: {  	v3 =	vld [tilespmem:$0x50];
	_ =	sdelay $0x4  }
0x8c: {  	v61 =	vshrl.u32 v3, $0x3  }
0x8d: {  	v4 =	vmul.u32 $0x30, v61  }
0x8e: {  	v3 =	vand.u32 $0x7, v3  }
0x8f: {  	v3 =	vor.u32 v3, v4  }
0x90: {  	v4 =	vperm.xlane v3, v0;
	_ =	sdelay $0x1  }
0x91: {  	v4 =	vadd.s32 v1, v4;
	_ =	sdelay $0x3  }
0x92: {  	v3 =	vperm.xlane v3, v2  }
0x93: {  	[tilespmem:s13], [sflag:$0x1] =	stream.indirect_vreg.gather [hbm4b:s3+s2], $0x80, v4, vm0, $0xb8;
	[tilespmem:$0x18080] =	vst v63  }
0x94: {  	v3 =	vadd.s32 v1, v3  }
0x95: {  	[tilespmem:s14], [sflag:$0x1] =	stream.indirect_vreg.gather [hbm4b:s4+s2], $0x80, v4, vm0, $0xb8;
	[tilespmem:$0x18080] =	vst v63  }
0x96: {  	_ = 	snop  }
0x97: {  	[tilespmem:s15], [sflag:$0x1] =	stream.indirect_vreg.gather [hbm4b:s5+s2], $0x80, v4, vm0, $0xb8;
	[tilespmem:$0x18080] =	vst v63  }
0x98: {  	_ = 	snop  }
0x99: {  	[tilespmem:s16], [sflag:$0x1] =	stream.indirect_vreg.gather [hbm4b:s3+s2], $0x80, v3, vm0, $0xb8;
	[tilespmem:$0x18080] =	vst v63  }
0x9a: {  	_ = 	snop  }
0x9b: {  	[tilespmem:s17], [sflag:$0x1] =	stream.indirect_vreg.gather [hbm4b:s4+s2], $0x80, v3, vm0, $0xb8;
	[tilespmem:$0x18080] =	vst v63  }
0x9c: {  	_ = 	snop  }
0x9d: {  	[tilespmem:s18], [sflag:$0x1] =	stream.indirect_vreg.gather [hbm4b:s5+s2], $0x80, v3, vm0, $0xb8;
	[tilespmem:$0x18080] =	vst v63  }
0x9e: {  	v3 =	vld [tilespmem:$0x60];
	_ =	sdelay $0x4  }
0x9f: {  	v62 =	vshrl.u32 v3, $0x3  }
0xa0: {  	v4 =	vmul.u32 $0x30, v62  }
0xa1: {  	v3 =	vand.u32 $0x7, v3  }
0xa2: {  	v3 =	vor.u32 v3, v4  }
0xa3: {  	v4 =	vperm.xlane v3, v0;
	_ =	sdelay $0x1  }
0xa4: {  	v4 =	vadd.s32 v1, v4;
	_ =	sdelay $0x3  }
0xa5: {  	v3 =	vperm.xlane v3, v2  }
0xa6: {  	[tilespmem:s19], [sflag:$0x1] =	stream.indirect_vreg.gather [hbm4b:s3+s2], $0x80, v4, vm0, $0xb8;
	[tilespmem:$0x18080] =	vst v63  }
0xa7: {  	v3 =	vadd.s32 v1, v3  }
0xa8: {  	[tilespmem:s20], [sflag:$0x1] =	stream.indirect_vreg.gather [hbm4b:s4+s2], $0x80, v4, vm0, $0xb8;
	[tilespmem:$0x18080] =	vst v63  }
0xa9: {  	_ = 	snop  }
0xaa: {  	[tilespmem:s21], [sflag:$0x1] =	stream.indirect_vreg.gather [hbm4b:s5+s2], $0x80, v4, vm0, $0xb8;
	[tilespmem:$0x18080] =	vst v63  }
0xab: {  	_ = 	snop  }
0xac: {  	[tilespmem:s22], [sflag:$0x1] =	stream.indirect_vreg.gather [hbm4b:s3+s2], $0x80, v3, vm0, $0xb8;
	[tilespmem:$0x18080] =	vst v63  }
0xad: {  	_ = 	snop  }
0xae: {  	[tilespmem:s23], [sflag:$0x1] =	stream.indirect_vreg.gather [hbm4b:s4+s2], $0x80, v3, vm0, $0xb8;
	[tilespmem:$0x18080] =	vst v63  }
0xaf: {  	_ = 	snop  }
0xb0: {  	[tilespmem:s24], [sflag:$0x1] =	stream.indirect_vreg.gather [hbm4b:s5+s2], $0x80, v3, vm0, $0xb8;
	[tilespmem:$0x18080] =	vst v63  }
0xb1: {  	v3 =	vld [tilespmem:$0x70];
	_ =	sdelay $0x4  }
0xb2: {  	v63 =	vshrl.u32 v3, $0x3  }
0xb3: {  	v4 =	vmul.u32 $0x30, v63  }
0xb4: {  	v3 =	vand.u32 $0x7, v3  }
0xb5: {  	v3 =	vor.u32 v3, v4  }
0xb6: {  	v4 =	vperm.xlane v3, v0;
	_ =	sdelay $0x1  }
0xb7: {  	v4 =	vadd.s32 v1, v4;
	_ =	sdelay $0x3  }
0xb8: {  	v3 =	vperm.xlane v3, v2  }
0xb9: {  	[tilespmem:s25], [sflag:$0x1] =	stream.indirect_vreg.gather [hbm4b:s3+s2], $0x80, v4, vm0, $0xb8;
	[tilespmem:$0x18080] =	vst v63  }
0xba: {  	v3 =	vadd.s32 v1, v3  }
0xbb: {  	[tilespmem:s26], [sflag:$0x1] =	stream.indirect_vreg.gather [hbm4b:s4+s2], $0x80, v4, vm0, $0xb8;
	[tilespmem:$0x18080] =	vst v63  }
0xbc: {  	_ = 	snop  }
0xbd: {  	[tilespmem:s28], [sflag:$0x1] =	stream.indirect_vreg.gather [hbm4b:s5+s2], $0x80, v4, vm0, $0xb8;
	[tilespmem:$0x18080] =	vst v63  }
0xbe: {  	_ = 	snop  }
0xbf: {  	[tilespmem:s29], [sflag:$0x1] =	stream.indirect_vreg.gather [hbm4b:s3+s2], $0x80, v3, vm0, $0xb8;
	[tilespmem:$0x18080] =	vst v63  }
0xc0: {  	_ = 	snop  }
0xc1: {  	[tilespmem:s30], [sflag:$0x1] =	stream.indirect_vreg.gather [hbm4b:s4+s2], $0x80, v3, vm0, $0xb8;
	[tilespmem:$0x18080] =	vst v63  }
0xc2: {  	_ = 	snop  }
0xc3: {  	[tilespmem:s31], [sflag:$0x1] =	stream.indirect_vreg.gather [hbm4b:s5+s2], $0x80, v3, vm0, $0xb8;
	[tilespmem:$0x18080] =	vst v63  }
0xc4: {  	_ =	swait.ge [sflag:s1], $0x18000  }
0xc5: {  	p0 =	sne.s32 s6, $0x1;
	[sflag:s1] =	ssyncset.done $0x0  }
.Ltmp0:
0xc6: {  	s9 =	rddreg [dreg:$0x3];
	[sflag:s1] =	ssyncadd.s32 $0xFFFE8000;
	(pc) =	sbr.rel @p0 .LBB2_1-.Ltmp0, $4  }
0xc7: {  	[hbm4b:s9+s2] =	stream.linear.scatter [tilespmem:s8], [sflag:$0x2], $0x18000, $0x38;
	[tilespmem:$0x18080] =	vst v63  }
0xc8: {  	_ =	swait.ge [sflag:s7], $0x18000  }
0xc9: {  	[sflag:s7] =	ssyncset.done $0x0  }
0xca: {  	s6 =	sadd.s32 $0xFFFFFFFF, s6;
	[sflag:s7] =	ssyncadd.s32 $0xFFFE8000  }
0xcb: {  	_ =	sfence.sel $0x180000  }
0xcc: {  	[bflag:$0x0] =	sbarrier.arrive $0xFFFF  }
0xcd: {  	_ =	strace $0x90000050  }
0xce: {  	s0 =	stileid.u32;
	[bflag:$0x2] =	sbarrier.arrive $0xFFFF  }
0xcf: {  	p0 =	sne.s32 s0, $0x0;
	s0 =	rddreg [dreg:$0x1]  }
0xd0: {  	s0 =	sadd.s32 @!p0 $0x100000, s0  }
0xd1: {  	[sflag:s0] =	ssyncadd.tile.s32 @!p0 $0x1;
	_ =	shalt  }
.Lfunc_end2:
_tile_overlayer_lowered:
.L_overlay_start_2:
0xd2: {  	(tag) =	ssettag $0x2  }
0xd3: {  	s0 =	rddreg [dreg:$0x0];
	s2 =	stileid.u32  }
0xd4: {  	s1 =	rddreg [dreg:$0x1];
	p0 =	sne.s32 s2, $0x0  }
0xd5: {  	s3 =	rddreg [dreg:$0x2];
	[bflag:$0x3] =	sbarrier.arrive $0xFFFF;
	s2 =	simm.s32 @!p0 $0x1C02  }
0xd6: {  	[timem:s3], [sflag:s2] =	dma.local @!p0 [hbm:s0], s1  }
0xd7: {  	s0 =	simm.s32 @!p0 $0x2  }
0xd8: {  	_ =	swait.ge @!p0 [sflag:s0], s1  }
0xd9: {  	s1 =	ssub.s32 @!p0 $0x0, s1;
	[sflag:s0] =	ssyncset.done @!p0 $0x0  }
0xda: {  	[sflag:s0] =	ssyncadd.s32 @!p0 s1  }
0xdb: {  	[bflag:$0x3] =	sbarrier.arrive $0xFFFF  }
0xdc: {  	_ =	shalt  }

</sc_bundles>
